<compile_context>
chip_gen: v7x
topology: tpu7x:2x2x1
jax: 0.10.2.dev20260603
libtpu: 0.0.44.dev20260713+nightly
codegen_flags: <defaults>
</compile_context>

<pallas_src>
import functools

import jax
import jax.numpy as jnp
from jax import lax
from jax.experimental import pallas as pl
from jax.experimental.pallas import tpu as pltpu
from jax.experimental.pallas import tpu_sc as plsc

N_USER = 10000
N_ITEM = 10000
E = 320000
D = 128
EPS = 1e-5

NS = 16
CH = 64
EPT = E // NS
NFULL = EPT // CH
REM = EPT - NFULL * CH
RPT = 626
NRCH = 10
NCROW = (N_ITEM + D - 1) // D


def _sc_body(xu, xi, src_u2i, dst_u2i, src_i2u, dst_i2u, eye,
             o_mean_i, o_cnt_i, o_mean_u, o_cnt_u,
             acc, cnt2, eye_s, idx_s, idx_d, idx_q, idx_r, rows, crows,
             idx_sb, idx_db, idx_qb, idx_rb,
             idx_s2, idx_d2, idx_q2, idx_r2, sem, sem2, semi, semi2,
             sems1, sems2):
    c = lax.axis_index("c")
    s = lax.axis_index("s")
    tb0 = s * RPT
    rmax = jnp.minimum(tb0 + RPT, N_ITEM) - 1

    def _iota_idx(base):
        def _sti(j, _):
            idx_d[pl.ds(j * 16, 16)] = base + j * 16 + lax.iota(jnp.int32, 16)
            return 0
        lax.fori_loop(0, CH // 16, _sti, 0)

    @pl.when(s == 0)
    def _():
        for half in range(2):
            pltpu.sync_copy(eye.at[pl.ds(half * CH, CH)], rows)
            _iota_idx(half * CH)
            pltpu.sync_copy(rows, eye_s.at[idx_d])

    def _zrow(i, _):
        rows[i // 8, pl.ds((i % 8) * 16, 16)] = jnp.zeros((16,), jnp.float32)
        crows[i // 8, pl.ds((i % 8) * 16, 16)] = jnp.zeros((16,), jnp.float32)
        return 0
    lax.fori_loop(0, CH * (D // 16), _zrow, 0)

    def _row_idx(k):
        base = tb0 + k * CH

        def _sti(j, _):
            v = base + j * 16 + lax.iota(jnp.int32, 16)
            idx_d[pl.ds(j * 16, 16)] = jnp.minimum(v, rmax)
            return 0
        lax.fori_loop(0, CH // 16, _sti, 0)

    def _zchunk(k, _):
        _row_idx(k)
        pltpu.sync_copy(rows, acc.at[idx_d])
        return 0
    lax.fori_loop(0, NRCH, _zchunk, 0)

    @pl.when(s == 1)
    def _():
        def _sti(j, _):
            v = j * 16 + lax.iota(jnp.int32, 16)
            idx_d[pl.ds(j * 16, 16)] = jnp.minimum(v, NCROW - 1)
            return 0
        lax.fori_loop(0, CH // 16, _sti, 0)
        pltpu.sync_copy(rows, cnt2.at[idx_d])
        def _sti2(j, _):
            v = CH + j * 16 + lax.iota(jnp.int32, 16)
            idx_d[pl.ds(j * 16, 16)] = jnp.minimum(v, NCROW - 1)
            return 0
        lax.fori_loop(0, CH // 16, _sti2, 0)
        pltpu.sync_copy(rows, cnt2.at[idx_d])

    plsc.subcore_barrier()

    def _qr_into(dref, qref, rref, n16):
        def _g(j, _):
            ids = dref[pl.ds(j * 16, 16)]
            qref[pl.ds(j * 16, 16)] = jnp.right_shift(ids, 7)
            rref[pl.ds(j * 16, 16)] = jnp.bitwise_and(ids, 127)
            return 0
        lax.fori_loop(0, n16, _g, 0)

    slots = ((idx_s, idx_d, idx_q, idx_r), (idx_sb, idx_db, idx_qb, idx_rb))

    def run_type(e_src, e_dst, x_hbm):
        eb = s * EPT

        pltpu.async_copy(e_src.at[pl.ds(eb, CH)], idx_s, semi)
        pltpu.async_copy(e_dst.at[pl.ds(eb, CH)], idx_d, semi2)

        def _fill_iota(j, _):
            v = j * 16 + lax.iota(jnp.int32, 16)
            idx_db[pl.ds(j * 16, 16)] = v
            idx_qb[pl.ds(j * 16, 16)] = v
            return 0
        lax.fori_loop(0, CH // 16, _fill_iota, 0)
        pltpu.async_copy(rows, acc.at[idx_db], sems1, add=True)
        pltpu.async_copy(crows, cnt2.at[idx_qb], sems2, add=True)

        def _slot(k, cur, nxt):
            iS, iD, iQ, iR = cur
            jS, jD, jQ, jR = nxt
            off = eb + k * CH
            off2 = jnp.minimum(off + CH, E - CH)
            pltpu.make_async_copy(e_src.at[pl.ds(off, CH)], iS, semi).wait()
            pltpu.make_async_copy(e_dst.at[pl.ds(off, CH)], iD, semi2).wait()
            _qr_into(iD, iQ, iR, CH // 16)
            pltpu.make_async_copy(rows, acc.at[jD], sems1).wait()
            pltpu.make_async_copy(crows, cnt2.at[jQ], sems2).wait()
            pltpu.async_copy(e_src.at[pl.ds(off2, CH)], jS, semi)
            pltpu.async_copy(e_dst.at[pl.ds(off2, CH)], jD, semi2)
            gx = pltpu.async_copy(x_hbm.at[iS], rows, sem)
            ge = pltpu.async_copy(eye_s.at[iR], crows, sem2)
            gx.wait()
            pltpu.async_copy(rows, acc.at[iD], sems1, add=True)
            ge.wait()
            pltpu.async_copy(crows, cnt2.at[iQ], sems2, add=True)

        def pair(k2, _):
            _slot(2 * k2, slots[0], slots[1])
            _slot(2 * k2 + 1, slots[1], slots[0])
            return 0
        lax.fori_loop(0, NFULL // 2, pair, 0)

        pltpu.make_async_copy(rows, acc.at[idx_db], sems1).wait()
        pltpu.make_async_copy(crows, cnt2.at[idx_qb], sems2).wait()
        pltpu.make_async_copy(e_src.at[pl.ds(eb, CH)], idx_s, semi).wait()
        pltpu.make_async_copy(e_dst.at[pl.ds(eb, CH)], idx_d, semi2).wait()

        off = eb + NFULL * CH
        pltpu.sync_copy(e_src.at[pl.ds(off, REM)], idx_s2)
        pltpu.sync_copy(e_dst.at[pl.ds(off, REM)], idx_d2)
        _qr_into(idx_d2, idx_q2, idx_r2, REM // 16)
        pltpu.async_copy(x_hbm.at[idx_s2], rows.at[pl.ds(0, REM)], sem).wait()
        pltpu.sync_copy(rows.at[pl.ds(0, REM)], acc.at[idx_d2], add=True)
        pltpu.async_copy(eye_s.at[idx_r2], crows.at[pl.ds(0, REM)], sem2).wait()
        pltpu.sync_copy(crows.at[pl.ds(0, REM)], cnt2.at[idx_q2], add=True)

    @pl.when(c == 0)
    def _():
        run_type(src_u2i, dst_u2i, xu)

    @pl.when(c == 1)
    def _():
        run_type(src_i2u, dst_i2u, xi)

    plsc.subcore_barrier()

    def copy_out(o_sum, o_cnt):
        def _cchunk(k, _):
            _row_idx(k)
            pltpu.async_copy(acc.at[idx_d], rows, sem).wait()
            pltpu.sync_copy(rows, o_sum.at[idx_d])
            return 0
        lax.fori_loop(0, NRCH, _cchunk, 0)

        @pl.when(s == 1)
        def _():
            for half in range(2):
                def _sti(j, _):
                    v = half * CH + j * 16 + lax.iota(jnp.int32, 16)
                    idx_d[pl.ds(j * 16, 16)] = jnp.minimum(v, NCROW)
                    return 0
                lax.fori_loop(0, CH // 16, _sti, 0)
                pltpu.async_copy(cnt2.at[idx_d], crows, sem).wait()
                pltpu.sync_copy(crows, o_cnt.at[idx_d])

    @pl.when(c == 0)
    def _():
        copy_out(o_mean_i, o_cnt_i)

    @pl.when(c == 1)
    def _():
        copy_out(o_mean_u, o_cnt_u)


_sc_aggregate = functools.partial(
    pl.kernel,
    out_type=(
        jax.ShapeDtypeStruct((N_ITEM, D), jnp.float32),
        jax.ShapeDtypeStruct((NCROW + 1, D), jnp.float32),
        jax.ShapeDtypeStruct((N_USER, D), jnp.float32),
        jax.ShapeDtypeStruct((NCROW + 1, D), jnp.float32),
    ),
    mesh=plsc.VectorSubcoreMesh(core_axis_name="c", subcore_axis_name="s"),
    scratch_types=[
        pltpu.VMEM_SHARED((N_ITEM, D), jnp.float32),
        pltpu.VMEM_SHARED((NCROW + 1, D), jnp.float32),
        pltpu.VMEM_SHARED((D, D), jnp.float32),
        pltpu.VMEM((CH,), jnp.int32),
        pltpu.VMEM((CH,), jnp.int32),
        pltpu.VMEM((CH,), jnp.int32),
        pltpu.VMEM((CH,), jnp.int32),
        pltpu.VMEM((CH, D), jnp.float32),
        pltpu.VMEM((CH, D), jnp.float32),
        pltpu.VMEM((CH,), jnp.int32),
        pltpu.VMEM((CH,), jnp.int32),
        pltpu.VMEM((CH,), jnp.int32),
        pltpu.VMEM((CH,), jnp.int32),
        pltpu.VMEM((REM,), jnp.int32),
        pltpu.VMEM((REM,), jnp.int32),
        pltpu.VMEM((REM,), jnp.int32),
        pltpu.VMEM((REM,), jnp.int32),
        pltpu.SemaphoreType.DMA,
        pltpu.SemaphoreType.DMA,
        pltpu.SemaphoreType.DMA,
        pltpu.SemaphoreType.DMA,
        pltpu.SemaphoreType.DMA,
        pltpu.SemaphoreType.DMA,
    ],
)(_sc_body)


def _post_body(mi, ci, mu, cu, xu, xi, wli, bli, wri, wlu, blu, wru,
               gu, bu, gi, bi, ou, oi):
    colid = lax.broadcasted_iota(jnp.int32, (N_ITEM, D), 1)
    rowid = lax.broadcasted_iota(jnp.int32, (N_ITEM, D), 0)
    onehot = (colid == jnp.bitwise_and(rowid, D - 1)).astype(jnp.float32)
    ones_d = jnp.ones((D, 1), jnp.float32)

    def one(s_ref, c2_ref, xd_ref, wl, bl, wr, g, b, o_ref):
        c2 = c2_ref[...]
        rep = jnp.broadcast_to(c2[:, None, :], (NCROW + 1, D, D))
        rep = rep.reshape((NCROW + 1) * D, D)[:N_ITEM]
        cnt_col = lax.dot_general(rep * onehot, ones_d,
                                  (((1,), (0,)), ((), ())),
                                  preferred_element_type=jnp.float32)
        mean = s_ref[...] / jnp.maximum(cnt_col, 1.0)
        h = lax.dot_general(mean, wl[...], (((1,), (1,)), ((), ())),
                            preferred_element_type=jnp.float32)
        h = h + lax.dot_general(xd_ref[...], wr[...], (((1,), (1,)), ((), ())),
                                preferred_element_type=jnp.float32)
        y = jnp.maximum(h + bl[...], 0.0)
        mu_ = jnp.mean(y, axis=0, keepdims=True)
        var = jnp.mean((y - mu_) ** 2, axis=0, keepdims=True)
        o_ref[...] = g[...] * (y - mu_) * lax.rsqrt(var + EPS) + b[...]

    one(mu, cu, xu, wlu, blu, wru, gu, bu, ou)
    one(mi, ci, xi, wli, bli, wri, gi, bi, oi)


def kernel(x_user, x_item, edge_index_user_to_item, edge_index_item_to_user,
           Wl_u2i, bl_u2i, Wr_u2i, Wl_i2u, bl_i2u, Wr_i2u,
           gamma_user, beta_user, gamma_item, beta_item):
    e_u2i = edge_index_user_to_item.astype(jnp.int32)
    e_i2u = edge_index_item_to_user.astype(jnp.int32)
    eye = jnp.eye(D, dtype=jnp.float32)

    sum_i, cnt_i, sum_u, cnt_u = _sc_aggregate(
        x_user, x_item, e_u2i[0], e_u2i[1], e_i2u[0], e_i2u[1], eye)

    out_user, out_item = pl.pallas_call(
        _post_body,
        out_shape=(
            jax.ShapeDtypeStruct((N_USER, D), jnp.float32),
            jax.ShapeDtypeStruct((N_ITEM, D), jnp.float32),
        ),
    )(sum_i, cnt_i, sum_u, cnt_u, x_user, x_item,
      Wl_u2i, bl_u2i.reshape(1, D), Wr_u2i,
      Wl_i2u, bl_i2u.reshape(1, D), Wr_i2u,
      gamma_user.reshape(1, D), beta_user.reshape(1, D),
      gamma_item.reshape(1, D), beta_item.reshape(1, D))
    return (out_user, out_item)

# --- scband reference (transcript-rebuilt; emitter-appended) ---
"""Pipeline reference for scband-hetero-sageconv-32512902430769 (READ-ONLY COPY).

The authoritative reference and input builder live on the scoring server;
editing this copy changes nothing except your own understanding.
"""

import jax, jax.numpy as jnp
import numpy as np

N_USER = 10000
N_ITEM = 10000
E = 320000
D_IN = 128
D_OUT = 128
EPS = 1e-5


def setup_inputs(seed: int = 0):
    key = jax.random.key(seed)
    ks = jax.random.split(key, 12)
    s = 1.0 / np.sqrt(D_IN)
    inp = {}
    inp["x_user"] = jax.random.normal(ks[0], (N_USER, D_IN), dtype=jnp.float32)
    inp["x_item"] = jax.random.normal(ks[1], (N_ITEM, D_IN), dtype=jnp.float32)
    inp["edge_index_user_to_item"] = jnp.stack([
        jax.random.randint(ks[2], (E,), 0, N_USER),
        jax.random.randint(ks[3], (E,), 0, N_ITEM)], axis=0)
    inp["edge_index_item_to_user"] = jnp.stack([
        jax.random.randint(ks[4], (E,), 0, N_ITEM),
        jax.random.randint(ks[5], (E,), 0, N_USER)], axis=0)
    # SAGEConv params per edge type: lin_l (neighbor, with bias), lin_r (root, no bias)
    inp["Wl_u2i"] = jax.random.uniform(ks[6], (D_OUT, D_IN), minval=-s, maxval=s, dtype=jnp.float32)
    inp["bl_u2i"] = jnp.zeros((D_OUT,), dtype=jnp.float32)
    inp["Wr_u2i"] = jax.random.uniform(ks[7], (D_OUT, D_IN), minval=-s, maxval=s, dtype=jnp.float32)
    inp["Wl_i2u"] = jax.random.uniform(ks[8], (D_OUT, D_IN), minval=-s, maxval=s, dtype=jnp.float32)
    inp["bl_i2u"] = jnp.zeros((D_OUT,), dtype=jnp.float32)
    inp["Wr_i2u"] = jax.random.uniform(ks[9], (D_OUT, D_IN), minval=-s, maxval=s, dtype=jnp.float32)
    # BatchNorm params per node type
    inp["gamma_user"] = jnp.ones((D_OUT,), dtype=jnp.float32)
    inp["beta_user"] = jnp.zeros((D_OUT,), dtype=jnp.float32)
    inp["gamma_item"] = jnp.ones((D_OUT,), dtype=jnp.float32)
    inp["beta_item"] = jnp.zeros((D_OUT,), dtype=jnp.float32)
    return inp


def _sage(x_src, x_dst, edge_index, Wl, bl, Wr, num_dst):
    src = edge_index[0]
    dst = edge_index[1]
    msgs = jnp.take(x_src, src, axis=0)                                   # gather
    summed = jax.ops.segment_sum(msgs, dst, num_segments=num_dst)         # scatter-add
    cnt = jax.ops.segment_sum(jnp.ones((dst.shape[0],), jnp.float32), dst, num_segments=num_dst)
    mean = summed / jnp.clip(cnt, 1.0, None)[:, None]                     # mean aggr
    return mean @ Wl.T + bl + x_dst @ Wr.T


def _bn(x, gamma, beta):
    # training-mode BatchNorm1d over node dimension (biased variance)
    mu = jnp.mean(x, axis=0)
    var = jnp.mean((x - mu) ** 2, axis=0)
    return gamma * (x - mu) / jnp.sqrt(var + EPS) + beta


def reference(x_user, x_item, edge_index_user_to_item, edge_index_item_to_user,
              Wl_u2i, bl_u2i, Wr_u2i, Wl_i2u, bl_i2u, Wr_i2u,
              gamma_user, beta_user, gamma_item, beta_item):
    # HeteroConv: each dst node type receives from exactly one edge type here
    out_item = _sage(x_user, x_item, edge_index_user_to_item, Wl_u2i, bl_u2i, Wr_u2i, N_ITEM)
    out_user = _sage(x_item, x_user, edge_index_item_to_user, Wl_i2u, bl_i2u, Wr_i2u, N_USER)
    # dropout is identity in eval; then relu, then batch norm per node type
    out_user = _bn(jax.nn.relu(out_user), gamma_user, beta_user)
    out_item = _bn(jax.nn.relu(out_item), gamma_item, beta_item)
    return (out_user, out_item)

if __name__ == "__main__":
    import jax
    _d = setup_inputs()
    print(jax.jit(kernel)(*tuple(_d.values())))

</pallas_src>

<mosaic_0001>
#map = affine_map<(d0, d1) -> (0, 0)>
#map1 = affine_map<(d0, d1) -> (0)>
module attributes {stable_mosaic.version = 14 : i64} {
  func.func @_sc_body(%arg0: i32, %arg1: i32, %arg2: memref<10000x128xf32, #tpu.memory_space<hbm>>, %arg3: memref<10000x128xf32, #tpu.memory_space<hbm>>, %arg4: memref<320000xi32, #tpu.memory_space<hbm>>, %arg5: memref<320000xi32, #tpu.memory_space<hbm>>, %arg6: memref<320000xi32, #tpu.memory_space<hbm>>, %arg7: memref<320000xi32, #tpu.memory_space<hbm>>, %arg8: memref<128x128xf32, #tpu.memory_space<hbm>>, %arg9: memref<10000x128xf32, #tpu.memory_space<hbm>>, %arg10: memref<80x128xf32, #tpu.memory_space<hbm>>, %arg11: memref<10000x128xf32, #tpu.memory_space<hbm>>, %arg12: memref<80x128xf32, #tpu.memory_space<hbm>>, %arg13: memref<10000x128xf32, #tpu.memory_space<vmem_shared>>, %arg14: memref<80x128xf32, #tpu.memory_space<vmem_shared>>, %arg15: memref<128x128xf32, #tpu.memory_space<vmem_shared>>, %arg16: memref<64xi32, #tpu.memory_space<vmem>>, %arg17: memref<64xi32, #tpu.memory_space<vmem>>, %arg18: memref<64xi32, #tpu.memory_space<vmem>>, %arg19: memref<64xi32, #tpu.memory_space<vmem>>, %arg20: memref<64x128xf32, #tpu.memory_space<vmem>>, %arg21: memref<64x128xf32, #tpu.memory_space<vmem>>, %arg22: memref<64xi32, #tpu.memory_space<vmem>>, %arg23: memref<64xi32, #tpu.memory_space<vmem>>, %arg24: memref<64xi32, #tpu.memory_space<vmem>>, %arg25: memref<64xi32, #tpu.memory_space<vmem>>, %arg26: memref<32xi32, #tpu.memory_space<vmem>>, %arg27: memref<32xi32, #tpu.memory_space<vmem>>, %arg28: memref<32xi32, #tpu.memory_space<vmem>>, %arg29: memref<32xi32, #tpu.memory_space<vmem>>, %arg30: memref<!tpu.dma_semaphore, #tpu.memory_space<semaphore_mem>>, %arg31: memref<!tpu.dma_semaphore, #tpu.memory_space<semaphore_mem>>, %arg32: memref<!tpu.dma_semaphore, #tpu.memory_space<semaphore_mem>>, %arg33: memref<!tpu.dma_semaphore, #tpu.memory_space<semaphore_mem>>, %arg34: memref<!tpu.dma_semaphore, #tpu.memory_space<semaphore_mem>>, %arg35: memref<!tpu.dma_semaphore, #tpu.memory_space<semaphore_mem>>) attributes {dimension_semantics = [#tpu.dimension_semantics<core_parallel>, #tpu.dimension_semantics<subcore_parallel>], iteration_bounds = array<i64: 2, 16>, scalar_prefetch = 0 : i64, scratch_operands = 23 : i64, tpu.core_type = #tpu.core_type<sc_vector_subcore>, window_params = [{transform_indices = #map}, {transform_indices = #map}, {transform_indices = #map1}, {transform_indices = #map1}, {transform_indices = #map1}, {transform_indices = #map1}, {transform_indices = #map}, {transform_indices = #map}, {transform_indices = #map}, {transform_indices = #map}, {transform_indices = #map}]} {
    %mul3A = arith.constant 626 : i32
    %mul3A_0 = arith.muli %arg1, %mul3A : i32
    %add3A = arith.constant 626 : i32
    %add3A_1 = arith.addi %mul3A_0, %add3A : i32
    %min3A = arith.constant 10000 : i32
    %min3A_2 = arith.minsi %add3A_1, %min3A : i32
    %sub3A = arith.constant 1 : i32
    %sub3A_3 = arith.subi %min3A_2, %sub3A : i32
    %eq3A = arith.constant 0 : i32
    %eq3A_4 = arith.cmpi eq, %arg1, %eq3A : i32
    %convert_element_type3A = arith.extui %eq3A_4 : i1 to i32
    %cond3A = arith.constant 0 : i32
    %cond3A_5 = arith.cmpi ne, %convert_element_type3A, %cond3A : i32
    scf.if %cond3A_5 {
      "tpu.region"() ({
        %run_scoped3A = tpu.sem_alloc : memref<!tpu.dma_semaphore, #tpu.memory_space<semaphore_mem>>
        %dma_start3A = arith.constant 0 : i32
        %dma_start3A_59 = arith.constant 0 : i32
        %dma_start3A_60 = tpu.memref_slice %arg8[%dma_start3A, %dma_start3A_59] : memref<128x128xf32, #tpu.memory_space<hbm>> -> memref<64x128xf32, #tpu.memory_space<hbm>>
        %dma_start3A_61 = arith.constant 0 : i32
        %dma_start3A_62 = arith.constant 0 : i32
        %dma_start3A_63 = tpu.memref_slice %arg8[%dma_start3A_61, %dma_start3A_62] : memref<128x128xf32, #tpu.memory_space<hbm>> -> memref<64x128xf32, #tpu.memory_space<hbm>>
        tpu.enqueue_dma source(%dma_start3A_63 : memref<64x128xf32, #tpu.memory_space<hbm>>) target(%arg20 : memref<64x128xf32, #tpu.memory_space<vmem>>) target_semaphore(%run_scoped3A : memref<!tpu.dma_semaphore, #tpu.memory_space<semaphore_mem>>)
        %dma_wait3A = arith.constant 0 : i32
        %dma_wait3A_64 = arith.constant 0 : i32
        %dma_wait3A_65 = tpu.memref_slice %arg8[%dma_wait3A, %dma_wait3A_64] : memref<128x128xf32, #tpu.memory_space<hbm>> -> memref<64x128xf32, #tpu.memory_space<hbm>>
        %dma_wait3A_66 = arith.constant 0 : i32
        %dma_wait3A_67 = arith.constant 0 : i32
        %dma_wait3A_68 = tpu.memref_slice %arg8[%dma_wait3A_66, %dma_wait3A_67] : memref<128x128xf32, #tpu.memory_space<hbm>> -> memref<64x128xf32, #tpu.memory_space<hbm>>
        tpu.wait_dma2 semaphore(%run_scoped3A : memref<!tpu.dma_semaphore, #tpu.memory_space<semaphore_mem>>) src(%dma_wait3A_68 : memref<64x128xf32, #tpu.memory_space<hbm>>) dst(%arg20 : memref<64x128xf32, #tpu.memory_space<vmem>>)
        tpu.yield
      }) : () -> ()
      %scan3A_45 = arith.constant 0 : i32
      %scan3A_46 = arith.constant 0 : i32
      %scan3A_47 = arith.constant 4 : i32
      %scan3A_48 = arith.addi %scan3A_46, %scan3A_47 : i32
      %scan3A_49 = arith.constant 1 : i32
      %scan3A_50 = scf.for %scan3A_59 = %scan3A_46 to %scan3A_48 step %scan3A_49 iter_args(%scan3A_60 = %scan3A_45) -> (i32)  : i32 {
        %mul3A_61 = arith.constant 16 : i32
        %mul3A_62 = arith.muli %scan3A_59, %mul3A_61 : i32
        %add3A_63 = arith.constant 0 : i32
        %add3A_64 = arith.addi %add3A_63, %mul3A_62 : i32
        %iota3A = tpu.iota {dimensions = array<i32: 0>} : vector<16xi32>
        %add3A_65 = vector.broadcast %add3A_64 : i32 to vector<16xi32>
        %add3A_66 = arith.addi %add3A_65, %iota3A : vector<16xi32>
        %mul3A_67 = arith.constant 16 : i32
        %mul3A_68 = arith.muli %scan3A_59, %mul3A_67 : i32
        %swap3A = arith.index_cast %mul3A_68 : i32 to index
        %swap3A_69 = tpu.vector_load %arg17[%swap3A] {strides = array<i32>} : memref<64xi32, #tpu.memory_space<vmem>>, vector<16xi32>,
        %swap3A_70 = vector.shape_cast %swap3A_69 : vector<16xi32> to vector<16xi32>
        %swap3A_71 = vector.shape_cast %add3A_66 : vector<16xi32> to vector<16xi32>
        tpu.vector_store %arg17[%swap3A], %swap3A_71 {strides = array<i32>} : memref<64xi32, #tpu.memory_space<vmem>>, vector<16xi32>,
        %scan3A_72 = arith.constant 0 : i32
        scf.yield %scan3A_72 : i32
      }
      %scan3A_51 = arith.constant 4 : i32
      "tpu.region"() ({
        %run_scoped3A = tpu.sem_alloc : memref<!tpu.dma_semaphore, #tpu.memory_space<semaphore_mem>>
        %dma_start3A = arith.constant 0 : i32
        %dma_start3A_59 = arith.constant 0 : i32
        %dma_start3A_60 = tpu.memref_slice %arg15[%dma_start3A, %dma_start3A_59] : memref<128x128xf32, #tpu.memory_space<vmem_shared>> -> memref<128x128xf32, #tpu.memory_space<vmem_shared>>
        tpu.enqueue_indirect_dma source(%arg20 : memref<64x128xf32, #tpu.memory_space<vmem>>) target(%dma_start3A_60 : memref<128x128xf32, #tpu.memory_space<vmem_shared>>) offsets(%arg17 : memref<64xi32, #tpu.memory_space<vmem>>) semaphore(%run_scoped3A : memref<!tpu.dma_semaphore, #tpu.memory_space<semaphore_mem>>)
        %dma_wait3A = arith.constant 0 : i32
        %dma_wait3A_61 = arith.constant 0 : i32
        %dma_wait3A_62 = tpu.memref_slice %arg15[%dma_wait3A, %dma_wait3A_61] : memref<128x128xf32, #tpu.memory_space<vmem_shared>> -> memref<128x128xf32, #tpu.memory_space<vmem_shared>>
        tpu.wait_indirect_dma semaphore(%run_scoped3A : memref<!tpu.dma_semaphore, #tpu.memory_space<semaphore_mem>>) src(%arg20 : memref<64x128xf32, #tpu.memory_space<vmem>>) dst(%dma_wait3A_62 : memref<128x128xf32, #tpu.memory_space<vmem_shared>>)
        tpu.yield
      }) : () -> ()
      "tpu.region"() ({
        %run_scoped3A = tpu.sem_alloc : memref<!tpu.dma_semaphore, #tpu.memory_space<semaphore_mem>>
        %dma_start3A = arith.constant 64 : i32
        %dma_start3A_59 = arith.constant 0 : i32
        %dma_start3A_60 = tpu.memref_slice %arg8[%dma_start3A, %dma_start3A_59] : memref<128x128xf32, #tpu.memory_space<hbm>> -> memref<64x128xf32, #tpu.memory_space<hbm>>
        %dma_start3A_61 = arith.constant 64 : i32
        %dma_start3A_62 = arith.constant 0 : i32
        %dma_start3A_63 = tpu.memref_slice %arg8[%dma_start3A_61, %dma_start3A_62] : memref<128x128xf32, #tpu.memory_space<hbm>> -> memref<64x128xf32, #tpu.memory_space<hbm>>
        tpu.enqueue_dma source(%dma_start3A_63 : memref<64x128xf32, #tpu.memory_space<hbm>>) target(%arg20 : memref<64x128xf32, #tpu.memory_space<vmem>>) target_semaphore(%run_scoped3A : memref<!tpu.dma_semaphore, #tpu.memory_space<semaphore_mem>>)
        %dma_wait3A = arith.constant 64 : i32
        %dma_wait3A_64 = arith.constant 0 : i32
        %dma_wait3A_65 = tpu.memref_slice %arg8[%dma_wait3A, %dma_wait3A_64] : memref<128x128xf32, #tpu.memory_space<hbm>> -> memref<64x128xf32, #tpu.memory_space<hbm>>
        %dma_wait3A_66 = arith.constant 64 : i32
        %dma_wait3A_67 = arith.constant 0 : i32
        %dma_wait3A_68 = tpu.memref_slice %arg8[%dma_wait3A_66, %dma_wait3A_67] : memref<128x128xf32, #tpu.memory_space<hbm>> -> memref<64x128xf32, #tpu.memory_space<hbm>>
        tpu.wait_dma2 semaphore(%run_scoped3A : memref<!tpu.dma_semaphore, #tpu.memory_space<semaphore_mem>>) src(%dma_wait3A_68 : memref<64x128xf32, #tpu.memory_space<hbm>>) dst(%arg20 : memref<64x128xf32, #tpu.memory_space<vmem>>)
        tpu.yield
      }) : () -> ()
      %scan3A_52 = arith.constant 0 : i32
      %scan3A_53 = arith.constant 0 : i32
      %scan3A_54 = arith.constant 4 : i32
      %scan3A_55 = arith.addi %scan3A_53, %scan3A_54 : i32
      %scan3A_56 = arith.constant 1 : i32
      %scan3A_57 = scf.for %scan3A_59 = %scan3A_53 to %scan3A_55 step %scan3A_56 iter_args(%scan3A_60 = %scan3A_52) -> (i32)  : i32 {
        %mul3A_61 = arith.constant 16 : i32
        %mul3A_62 = arith.muli %scan3A_59, %mul3A_61 : i32
        %add3A_63 = arith.constant 64 : i32
        %add3A_64 = arith.addi %add3A_63, %mul3A_62 : i32
        %iota3A = tpu.iota {dimensions = array<i32: 0>} : vector<16xi32>
        %add3A_65 = vector.broadcast %add3A_64 : i32 to vector<16xi32>
        %add3A_66 = arith.addi %add3A_65, %iota3A : vector<16xi32>
        %mul3A_67 = arith.constant 16 : i32
        %mul3A_68 = arith.muli %scan3A_59, %mul3A_67 : i32
        %swap3A = arith.index_cast %mul3A_68 : i32 to index
        %swap3A_69 = tpu.vector_load %arg17[%swap3A] {strides = array<i32>} : memref<64xi32, #tpu.memory_space<vmem>>, vector<16xi32>,
        %swap3A_70 = vector.shape_cast %swap3A_69 : vector<16xi32> to vector<16xi32>
        %swap3A_71 = vector.shape_cast %add3A_66 : vector<16xi32> to vector<16xi32>
        tpu.vector_store %arg17[%swap3A], %swap3A_71 {strides = array<i32>} : memref<64xi32, #tpu.memory_space<vmem>>, vector<16xi32>,
        %scan3A_72 = arith.constant 0 : i32
        scf.yield %scan3A_72 : i32
      }
      %scan3A_58 = arith.constant 4 : i32
      "tpu.region"() ({
        %run_scoped3A = tpu.sem_alloc : memref<!tpu.dma_semaphore, #tpu.memory_space<semaphore_mem>>
        %dma_start3A = arith.constant 0 : i32
        %dma_start3A_59 = arith.constant 0 : i32
        %dma_start3A_60 = tpu.memref_slice %arg15[%dma_start3A, %dma_start3A_59] : memref<128x128xf32, #tpu.memory_space<vmem_shared>> -> memref<128x128xf32, #tpu.memory_space<vmem_shared>>
        tpu.enqueue_indirect_dma source(%arg20 : memref<64x128xf32, #tpu.memory_space<vmem>>) target(%dma_start3A_60 : memref<128x128xf32, #tpu.memory_space<vmem_shared>>) offsets(%arg17 : memref<64xi32, #tpu.memory_space<vmem>>) semaphore(%run_scoped3A : memref<!tpu.dma_semaphore, #tpu.memory_space<semaphore_mem>>)
        %dma_wait3A = arith.constant 0 : i32
        %dma_wait3A_61 = arith.constant 0 : i32
        %dma_wait3A_62 = tpu.memref_slice %arg15[%dma_wait3A, %dma_wait3A_61] : memref<128x128xf32, #tpu.memory_space<vmem_shared>> -> memref<128x128xf32, #tpu.memory_space<vmem_shared>>
        tpu.wait_indirect_dma semaphore(%run_scoped3A : memref<!tpu.dma_semaphore, #tpu.memory_space<semaphore_mem>>) src(%arg20 : memref<64x128xf32, #tpu.memory_space<vmem>>) dst(%dma_wait3A_62 : memref<128x128xf32, #tpu.memory_space<vmem_shared>>)
        tpu.yield
      }) : () -> ()
    } else {
    }
    %scan3A = arith.constant 0 : i32
    %scan3A_6 = arith.constant 0 : i32
    %scan3A_7 = arith.constant 512 : i32
    %scan3A_8 = arith.addi %scan3A_6, %scan3A_7 : i32
    %scan3A_9 = arith.constant 1 : i32
    %scan3A_10 = scf.for %scan3A_45 = %scan3A_6 to %scan3A_8 step %scan3A_9 iter_args(%scan3A_46 = %scan3A) -> (i32)  : i32 {
      %broadcast_in_dim3A = arith.constant 0.000000e+00 : f32
      %broadcast_in_dim3A_47 = vector.broadcast %broadcast_in_dim3A : f32 to vector<16xf32>
      %jit3A = arith.constant 8 : i32
      %div3A = arith.divsi %scan3A_45, %jit3A : i32
      %sign3A = arith.constant 0 : i32
      %sign3A_48 = arith.cmpi sgt, %scan3A_45, %sign3A : i32
      %sign3A_49 = arith.extui %sign3A_48 : i1 to i32
      %sign3A_50 = arith.constant 0 : i32
      %sign3A_51 = arith.cmpi slt, %scan3A_45, %sign3A_50 : i32
      %sign3A_52 = arith.extui %sign3A_51 : i1 to i32
      %sign3A_53 = arith.subi %sign3A_49, %sign3A_52 : i32
      %sign3A_54 = arith.constant 0 : i32
      %sign3A_55 = arith.cmpi sgt, %jit3A, %sign3A_54 : i32
      %sign3A_56 = arith.extui %sign3A_55 : i1 to i32
      %sign3A_57 = arith.constant 0 : i32
      %sign3A_58 = arith.cmpi slt, %jit3A, %sign3A_57 : i32
      %sign3A_59 = arith.extui %sign3A_58 : i1 to i32
      %sign3A_60 = arith.subi %sign3A_56, %sign3A_59 : i32
      %ne3A = arith.cmpi ne, %sign3A_53, %sign3A_60 : i32
      %rem3A = arith.remsi %scan3A_45, %jit3A : i32
      %ne3A_61 = arith.constant 0 : i32
      %ne3A_62 = arith.cmpi ne, %rem3A, %ne3A_61 : i32
      %and3A = arith.andi %ne3A, %ne3A_62 : i1
      %sub3A_63 = arith.constant 1 : i32
      %sub3A_64 = arith.subi %div3A, %sub3A_63 : i32
      %select_n3A = arith.select %and3A, %sub3A_64, %div3A : i32
      %jit3A_65 = arith.constant 8 : i32
      %eq3A_66 = arith.constant 0 : i32
      %eq3A_67 = arith.cmpi eq, %jit3A_65, %eq3A_66 : i32
      %jit3A_68 = arith.constant 1 : i32
      %select_n3A_69 = arith.select %eq3A_67, %jit3A_68, %jit3A_65 : i32
      %rem3A_70 = arith.remsi %scan3A_45, %select_n3A_69 : i32
      %ne3A_71 = arith.constant 0 : i32
      %ne3A_72 = arith.cmpi ne, %rem3A_70, %ne3A_71 : i32
      %lt3A = arith.constant 0 : i32
      %lt3A_73 = arith.cmpi slt, %rem3A_70, %lt3A : i32
      %lt3A_74 = arith.constant 0 : i32
      %lt3A_75 = arith.cmpi slt, %select_n3A_69, %lt3A_74 : i32
      %ne3A_76 = arith.xori %lt3A_73, %lt3A_75 : i1
      %and3A_77 = arith.andi %ne3A_76, %ne3A_72 : i1
      %add3A_78 = arith.addi %rem3A_70, %select_n3A_69 : i32
      %select_n3A_79 = arith.select %and3A_77, %add3A_78, %rem3A_70 : i32
      %mul3A_80 = arith.constant 16 : i32
      %mul3A_81 = arith.muli %select_n3A_79, %mul3A_80 : i32
      %swap3A = arith.index_cast %select_n3A : i32 to index
      %swap3A_82 = arith.index_cast %mul3A_81 : i32 to index
      %swap3A_83 = tpu.vector_load %arg20[%swap3A, %swap3A_82] {strides = array<i32>} : memref<64x128xf32, #tpu.memory_space<vmem>>, vector<1x16xf32>,
      %swap3A_84 = vector.shape_cast %swap3A_83 : vector<1x16xf32> to vector<16xf32>
      %swap3A_85 = vector.shape_cast %broadcast_in_dim3A_47 : vector<16xf32> to vector<1x16xf32>
      tpu.vector_store %arg20[%swap3A, %swap3A_82], %swap3A_85 {strides = array<i32>} : memref<64x128xf32, #tpu.memory_space<vmem>>, vector<1x16xf32>,
      %broadcast_in_dim3A_86 = arith.constant 0.000000e+00 : f32
      %broadcast_in_dim3A_87 = vector.broadcast %broadcast_in_dim3A_86 : f32 to vector<16xf32>
      %jit3A_88 = arith.constant 8 : i32
      %div3A_89 = arith.divsi %scan3A_45, %jit3A_88 : i32
      %sign3A_90 = arith.constant 0 : i32
      %sign3A_91 = arith.cmpi sgt, %scan3A_45, %sign3A_90 : i32
      %sign3A_92 = arith.extui %sign3A_91 : i1 to i32
      %sign3A_93 = arith.constant 0 : i32
      %sign3A_94 = arith.cmpi slt, %scan3A_45, %sign3A_93 : i32
      %sign3A_95 = arith.extui %sign3A_94 : i1 to i32
      %sign3A_96 = arith.subi %sign3A_92, %sign3A_95 : i32
      %sign3A_97 = arith.constant 0 : i32
      %sign3A_98 = arith.cmpi sgt, %jit3A_88, %sign3A_97 : i32
      %sign3A_99 = arith.extui %sign3A_98 : i1 to i32
      %sign3A_100 = arith.constant 0 : i32
      %sign3A_101 = arith.cmpi slt, %jit3A_88, %sign3A_100 : i32
      %sign3A_102 = arith.extui %sign3A_101 : i1 to i32
      %sign3A_103 = arith.subi %sign3A_99, %sign3A_102 : i32
      %ne3A_104 = arith.cmpi ne, %sign3A_96, %sign3A_103 : i32
      %rem3A_105 = arith.remsi %scan3A_45, %jit3A_88 : i32
      %ne3A_106 = arith.constant 0 : i32
      %ne3A_107 = arith.cmpi ne, %rem3A_105, %ne3A_106 : i32
      %and3A_108 = arith.andi %ne3A_104, %ne3A_107 : i1
      %sub3A_109 = arith.constant 1 : i32
      %sub3A_110 = arith.subi %div3A_89, %sub3A_109 : i32
      %select_n3A_111 = arith.select %and3A_108, %sub3A_110, %div3A_89 : i32
      %jit3A_112 = arith.constant 8 : i32
      %eq3A_113 = arith.constant 0 : i32
      %eq3A_114 = arith.cmpi eq, %jit3A_112, %eq3A_113 : i32
      %jit3A_115 = arith.constant 1 : i32
      %select_n3A_116 = arith.select %eq3A_114, %jit3A_115, %jit3A_112 : i32
      %rem3A_117 = arith.remsi %scan3A_45, %select_n3A_116 : i32
      %ne3A_118 = arith.constant 0 : i32
      %ne3A_119 = arith.cmpi ne, %rem3A_117, %ne3A_118 : i32
      %lt3A_120 = arith.constant 0 : i32
      %lt3A_121 = arith.cmpi slt, %rem3A_117, %lt3A_120 : i32
      %lt3A_122 = arith.constant 0 : i32
      %lt3A_123 = arith.cmpi slt, %select_n3A_116, %lt3A_122 : i32
      %ne3A_124 = arith.xori %lt3A_121, %lt3A_123 : i1
      %and3A_125 = arith.andi %ne3A_124, %ne3A_119 : i1
      %add3A_126 = arith.addi %rem3A_117, %select_n3A_116 : i32
      %select_n3A_127 = arith.select %and3A_125, %add3A_126, %rem3A_117 : i32
      %mul3A_128 = arith.constant 16 : i32
      %mul3A_129 = arith.muli %select_n3A_127, %mul3A_128 : i32
      %swap3A_130 = arith.index_cast %select_n3A_111 : i32 to index
      %swap3A_131 = arith.index_cast %mul3A_129 : i32 to index
      %swap3A_132 = tpu.vector_load %arg21[%swap3A_130, %swap3A_131] {strides = array<i32>} : memref<64x128xf32, #tpu.memory_space<vmem>>, vector<1x16xf32>,
      %swap3A_133 = vector.shape_cast %swap3A_132 : vector<1x16xf32> to vector<16xf32>
      %swap3A_134 = vector.shape_cast %broadcast_in_dim3A_87 : vector<16xf32> to vector<1x16xf32>
      tpu.vector_store %arg21[%swap3A_130, %swap3A_131], %swap3A_134 {strides = array<i32>} : memref<64x128xf32, #tpu.memory_space<vmem>>, vector<1x16xf32>,
      %scan3A_135 = arith.constant 0 : i32
      scf.yield %scan3A_135 : i32
    }
    %scan3A_11 = arith.constant 512 : i32
    %scan3A_12 = arith.constant 0 : i32
    %scan3A_13 = arith.constant 0 : i32
    %scan3A_14 = arith.constant 10 : i32
    %scan3A_15 = arith.addi %scan3A_13, %scan3A_14 : i32
    %scan3A_16 = arith.constant 1 : i32
    %scan3A_17 = scf.for %scan3A_45 = %scan3A_13 to %scan3A_15 step %scan3A_16 iter_args(%scan3A_46 = %scan3A_12) -> (i32)  : i32 {
      %mul3A_47 = arith.constant 64 : i32
      %mul3A_48 = arith.muli %scan3A_45, %mul3A_47 : i32
      %add3A_49 = arith.addi %mul3A_0, %mul3A_48 : i32
      %scan3A_50 = arith.constant 0 : i32
      %scan3A_51 = arith.constant 0 : i32
      %scan3A_52 = arith.constant 4 : i32
      %scan3A_53 = arith.addi %scan3A_51, %scan3A_52 : i32
      %scan3A_54 = arith.constant 1 : i32
      %scan3A_55 = scf.for %scan3A_58 = %scan3A_51 to %scan3A_53 step %scan3A_54 iter_args(%scan3A_59 = %scan3A_50) -> (i32)  : i32 {
        %mul3A_60 = arith.constant 16 : i32
        %mul3A_61 = arith.muli %scan3A_58, %mul3A_60 : i32
        %add3A_62 = arith.addi %add3A_49, %mul3A_61 : i32
        %iota3A = tpu.iota {dimensions = array<i32: 0>} : vector<16xi32>
        %add3A_63 = vector.broadcast %add3A_62 : i32 to vector<16xi32>
        %add3A_64 = arith.addi %add3A_63, %iota3A : vector<16xi32>
        %min3A_65 = vector.broadcast %sub3A_3 : i32 to vector<16xi32>
        %min3A_66 = arith.minsi %add3A_64, %min3A_65 : vector<16xi32>
        %mul3A_67 = arith.constant 16 : i32
        %mul3A_68 = arith.muli %scan3A_58, %mul3A_67 : i32
        %swap3A = arith.index_cast %mul3A_68 : i32 to index
        %swap3A_69 = tpu.vector_load %arg17[%swap3A] {strides = array<i32>} : memref<64xi32, #tpu.memory_space<vmem>>, vector<16xi32>,
        %swap3A_70 = vector.shape_cast %swap3A_69 : vector<16xi32> to vector<16xi32>
        %swap3A_71 = vector.shape_cast %min3A_66 : vector<16xi32> to vector<16xi32>
        tpu.vector_store %arg17[%swap3A], %swap3A_71 {strides = array<i32>} : memref<64xi32, #tpu.memory_space<vmem>>, vector<16xi32>,
        %scan3A_72 = arith.constant 0 : i32
        scf.yield %scan3A_72 : i32
      }
      %scan3A_56 = arith.constant 4 : i32
      "tpu.region"() ({
        %run_scoped3A = tpu.sem_alloc : memref<!tpu.dma_semaphore, #tpu.memory_space<semaphore_mem>>
        %dma_start3A = arith.constant 0 : i32
        %dma_start3A_58 = arith.constant 0 : i32
        %dma_start3A_59 = tpu.memref_slice %arg13[%dma_start3A, %dma_start3A_58] : memref<10000x128xf32, #tpu.memory_space<vmem_shared>> -> memref<10000x128xf32, #tpu.memory_space<vmem_shared>>
        tpu.enqueue_indirect_dma source(%arg20 : memref<64x128xf32, #tpu.memory_space<vmem>>) target(%dma_start3A_59 : memref<10000x128xf32, #tpu.memory_space<vmem_shared>>) offsets(%arg17 : memref<64xi32, #tpu.memory_space<vmem>>) semaphore(%run_scoped3A : memref<!tpu.dma_semaphore, #tpu.memory_space<semaphore_mem>>)
        %dma_wait3A = arith.constant 0 : i32
        %dma_wait3A_60 = arith.constant 0 : i32
        %dma_wait3A_61 = tpu.memref_slice %arg13[%dma_wait3A, %dma_wait3A_60] : memref<10000x128xf32, #tpu.memory_space<vmem_shared>> -> memref<10000x128xf32, #tpu.memory_space<vmem_shared>>
        tpu.wait_indirect_dma semaphore(%run_scoped3A : memref<!tpu.dma_semaphore, #tpu.memory_space<semaphore_mem>>) src(%arg20 : memref<64x128xf32, #tpu.memory_space<vmem>>) dst(%dma_wait3A_61 : memref<10000x128xf32, #tpu.memory_space<vmem_shared>>)
        tpu.yield
      }) : () -> ()
      %scan3A_57 = arith.constant 0 : i32
      scf.yield %scan3A_57 : i32
    }
    %scan3A_18 = arith.constant 10 : i32
    %eq3A_19 = arith.constant 1 : i32
    %eq3A_20 = arith.cmpi eq, %arg1, %eq3A_19 : i32
    %convert_element_type3A_21 = arith.extui %eq3A_20 : i1 to i32
    %cond3A_22 = arith.constant 0 : i32
    %cond3A_23 = arith.cmpi ne, %convert_element_type3A_21, %cond3A_22 : i32
    scf.if %cond3A_23 {
      %scan3A_45 = arith.constant 0 : i32
      %scan3A_46 = arith.constant 0 : i32
      %scan3A_47 = arith.constant 4 : i32
      %scan3A_48 = arith.addi %scan3A_46, %scan3A_47 : i32
      %scan3A_49 = arith.constant 1 : i32
      %scan3A_50 = scf.for %scan3A_59 = %scan3A_46 to %scan3A_48 step %scan3A_49 iter_args(%scan3A_60 = %scan3A_45) -> (i32)  : i32 {
        %mul3A_61 = arith.constant 16 : i32
        %mul3A_62 = arith.muli %scan3A_59, %mul3A_61 : i32
        %iota3A = tpu.iota {dimensions = array<i32: 0>} : vector<16xi32>
        %add3A_63 = vector.broadcast %mul3A_62 : i32 to vector<16xi32>
        %add3A_64 = arith.addi %add3A_63, %iota3A : vector<16xi32>
        %min3A_65 = arith.constant 78 : i32
        %min3A_66 = vector.broadcast %min3A_65 : i32 to vector<16xi32>
        %min3A_67 = arith.minsi %add3A_64, %min3A_66 : vector<16xi32>
        %mul3A_68 = arith.constant 16 : i32
        %mul3A_69 = arith.muli %scan3A_59, %mul3A_68 : i32
        %swap3A = arith.index_cast %mul3A_69 : i32 to index
        %swap3A_70 = tpu.vector_load %arg17[%swap3A] {strides = array<i32>} : memref<64xi32, #tpu.memory_space<vmem>>, vector<16xi32>,
        %swap3A_71 = vector.shape_cast %swap3A_70 : vector<16xi32> to vector<16xi32>
        %swap3A_72 = vector.shape_cast %min3A_67 : vector<16xi32> to vector<16xi32>
        tpu.vector_store %arg17[%swap3A], %swap3A_72 {strides = array<i32>} : memref<64xi32, #tpu.memory_space<vmem>>, vector<16xi32>,
        %scan3A_73 = arith.constant 0 : i32
        scf.yield %scan3A_73 : i32
      }
      %scan3A_51 = arith.constant 4 : i32
      "tpu.region"() ({
        %run_scoped3A = tpu.sem_alloc : memref<!tpu.dma_semaphore, #tpu.memory_space<semaphore_mem>>
        %dma_start3A = arith.constant 0 : i32
        %dma_start3A_59 = arith.constant 0 : i32
        %dma_start3A_60 = tpu.memref_slice %arg14[%dma_start3A, %dma_start3A_59] : memref<80x128xf32, #tpu.memory_space<vmem_shared>> -> memref<80x128xf32, #tpu.memory_space<vmem_shared>>
        tpu.enqueue_indirect_dma source(%arg20 : memref<64x128xf32, #tpu.memory_space<vmem>>) target(%dma_start3A_60 : memref<80x128xf32, #tpu.memory_space<vmem_shared>>) offsets(%arg17 : memref<64xi32, #tpu.memory_space<vmem>>) semaphore(%run_scoped3A : memref<!tpu.dma_semaphore, #tpu.memory_space<semaphore_mem>>)
        %dma_wait3A = arith.constant 0 : i32
        %dma_wait3A_61 = arith.constant 0 : i32
        %dma_wait3A_62 = tpu.memref_slice %arg14[%dma_wait3A, %dma_wait3A_61] : memref<80x128xf32, #tpu.memory_space<vmem_shared>> -> memref<80x128xf32, #tpu.memory_space<vmem_shared>>
        tpu.wait_indirect_dma semaphore(%run_scoped3A : memref<!tpu.dma_semaphore, #tpu.memory_space<semaphore_mem>>) src(%arg20 : memref<64x128xf32, #tpu.memory_space<vmem>>) dst(%dma_wait3A_62 : memref<80x128xf32, #tpu.memory_space<vmem_shared>>)
        tpu.yield
      }) : () -> ()
      %scan3A_52 = arith.constant 0 : i32
      %scan3A_53 = arith.constant 0 : i32
      %scan3A_54 = arith.constant 4 : i32
      %scan3A_55 = arith.addi %scan3A_53, %scan3A_54 : i32
      %scan3A_56 = arith.constant 1 : i32
      %scan3A_57 = scf.for %scan3A_59 = %scan3A_53 to %scan3A_55 step %scan3A_56 iter_args(%scan3A_60 = %scan3A_52) -> (i32)  : i32 {
        %mul3A_61 = arith.constant 16 : i32
        %mul3A_62 = arith.muli %scan3A_59, %mul3A_61 : i32
        %add3A_63 = arith.constant 64 : i32
        %add3A_64 = arith.addi %add3A_63, %mul3A_62 : i32
        %iota3A = tpu.iota {dimensions = array<i32: 0>} : vector<16xi32>
        %add3A_65 = vector.broadcast %add3A_64 : i32 to vector<16xi32>
        %add3A_66 = arith.addi %add3A_65, %iota3A : vector<16xi32>
        %min3A_67 = arith.constant 78 : i32
        %min3A_68 = vector.broadcast %min3A_67 : i32 to vector<16xi32>
        %min3A_69 = arith.minsi %add3A_66, %min3A_68 : vector<16xi32>
        %mul3A_70 = arith.constant 16 : i32
        %mul3A_71 = arith.muli %scan3A_59, %mul3A_70 : i32
        %swap3A = arith.index_cast %mul3A_71 : i32 to index
        %swap3A_72 = tpu.vector_load %arg17[%swap3A] {strides = array<i32>} : memref<64xi32, #tpu.memory_space<vmem>>, vector<16xi32>,
        %swap3A_73 = vector.shape_cast %swap3A_72 : vector<16xi32> to vector<16xi32>
        %swap3A_74 = vector.shape_cast %min3A_69 : vector<16xi32> to vector<16xi32>
        tpu.vector_store %arg17[%swap3A], %swap3A_74 {strides = array<i32>} : memref<64xi32, #tpu.memory_space<vmem>>, vector<16xi32>,
        %scan3A_75 = arith.constant 0 : i32
        scf.yield %scan3A_75 : i32
      }
      %scan3A_58 = arith.constant 4 : i32
      "tpu.region"() ({
        %run_scoped3A = tpu.sem_alloc : memref<!tpu.dma_semaphore, #tpu.memory_space<semaphore_mem>>
        %dma_start3A = arith.constant 0 : i32
        %dma_start3A_59 = arith.constant 0 : i32
        %dma_start3A_60 = tpu.memref_slice %arg14[%dma_start3A, %dma_start3A_59] : memref<80x128xf32, #tpu.memory_space<vmem_shared>> -> memref<80x128xf32, #tpu.memory_space<vmem_shared>>
        tpu.enqueue_indirect_dma source(%arg20 : memref<64x128xf32, #tpu.memory_space<vmem>>) target(%dma_start3A_60 : memref<80x128xf32, #tpu.memory_space<vmem_shared>>) offsets(%arg17 : memref<64xi32, #tpu.memory_space<vmem>>) semaphore(%run_scoped3A : memref<!tpu.dma_semaphore, #tpu.memory_space<semaphore_mem>>)
        %dma_wait3A = arith.constant 0 : i32
        %dma_wait3A_61 = arith.constant 0 : i32
        %dma_wait3A_62 = tpu.memref_slice %arg14[%dma_wait3A, %dma_wait3A_61] : memref<80x128xf32, #tpu.memory_space<vmem_shared>> -> memref<80x128xf32, #tpu.memory_space<vmem_shared>>
        tpu.wait_indirect_dma semaphore(%run_scoped3A : memref<!tpu.dma_semaphore, #tpu.memory_space<semaphore_mem>>) src(%arg20 : memref<64x128xf32, #tpu.memory_space<vmem>>) dst(%dma_wait3A_62 : memref<80x128xf32, #tpu.memory_space<vmem_shared>>)
        tpu.yield
      }) : () -> ()
    } else {
    }
    %barrier3A = arith.constant 0 : index
    tpu.barrier barrier_id(%barrier3A)
    %eq3A_24 = arith.constant 0 : i32
    %eq3A_25 = arith.cmpi eq, %arg0, %eq3A_24 : i32
    %convert_element_type3A_26 = arith.extui %eq3A_25 : i1 to i32
    %cond3A_27 = arith.constant 0 : i32
    %cond3A_28 = arith.cmpi ne, %convert_element_type3A_26, %cond3A_27 : i32
    scf.if %cond3A_28 {
      %mul3A_45 = arith.constant 20000 : i32
      %mul3A_46 = arith.muli %arg1, %mul3A_45 : i32
      %dma_start3A = tpu.memref_slice %arg4[%mul3A_46] : memref<320000xi32, #tpu.memory_space<hbm>> -> memref<64xi32, #tpu.memory_space<hbm>>
      %dma_start3A_47 = tpu.memref_slice %arg4[%mul3A_46] : memref<320000xi32, #tpu.memory_space<hbm>> -> memref<64xi32, #tpu.memory_space<hbm>>
      tpu.enqueue_dma source(%dma_start3A_47 : memref<64xi32, #tpu.memory_space<hbm>>) target(%arg16 : memref<64xi32, #tpu.memory_space<vmem>>) target_semaphore(%arg32 : memref<!tpu.dma_semaphore, #tpu.memory_space<semaphore_mem>>)
      %dma_start3A_48 = tpu.memref_slice %arg5[%mul3A_46] : memref<320000xi32, #tpu.memory_space<hbm>> -> memref<64xi32, #tpu.memory_space<hbm>>
      %dma_start3A_49 = tpu.memref_slice %arg5[%mul3A_46] : memref<320000xi32, #tpu.memory_space<hbm>> -> memref<64xi32, #tpu.memory_space<hbm>>
      tpu.enqueue_dma source(%dma_start3A_49 : memref<64xi32, #tpu.memory_space<hbm>>) target(%arg17 : memref<64xi32, #tpu.memory_space<vmem>>) target_semaphore(%arg33 : memref<!tpu.dma_semaphore, #tpu.memory_space<semaphore_mem>>)
      %scan3A_50 = arith.constant 0 : i32
      %scan3A_51 = arith.constant 0 : i32
      %scan3A_52 = arith.constant 4 : i32
      %scan3A_53 = arith.addi %scan3A_51, %scan3A_52 : i32
      %scan3A_54 = arith.constant 1 : i32
      %scan3A_55 = scf.for %scan3A_112 = %scan3A_51 to %scan3A_53 step %scan3A_54 iter_args(%scan3A_113 = %scan3A_50) -> (i32)  : i32 {
        %mul3A_114 = arith.constant 16 : i32
        %mul3A_115 = arith.muli %scan3A_112, %mul3A_114 : i32
        %iota3A = tpu.iota {dimensions = array<i32: 0>} : vector<16xi32>
        %add3A_116 = vector.broadcast %mul3A_115 : i32 to vector<16xi32>
        %add3A_117 = arith.addi %add3A_116, %iota3A : vector<16xi32>
        %mul3A_118 = arith.constant 16 : i32
        %mul3A_119 = arith.muli %scan3A_112, %mul3A_118 : i32
        %swap3A = arith.index_cast %mul3A_119 : i32 to index
        %swap3A_120 = tpu.vector_load %arg23[%swap3A] {strides = array<i32>} : memref<64xi32, #tpu.memory_space<vmem>>, vector<16xi32>,
        %swap3A_121 = vector.shape_cast %swap3A_120 : vector<16xi32> to vector<16xi32>
        %swap3A_122 = vector.shape_cast %add3A_117 : vector<16xi32> to vector<16xi32>
        tpu.vector_store %arg23[%swap3A], %swap3A_122 {strides = array<i32>} : memref<64xi32, #tpu.memory_space<vmem>>, vector<16xi32>,
        %mul3A_123 = arith.constant 16 : i32
        %mul3A_124 = arith.muli %scan3A_112, %mul3A_123 : i32
        %swap3A_125 = arith.index_cast %mul3A_124 : i32 to index
        %swap3A_126 = tpu.vector_load %arg24[%swap3A_125] {strides = array<i32>} : memref<64xi32, #tpu.memory_space<vmem>>, vector<16xi32>,
        %swap3A_127 = vector.shape_cast %swap3A_126 : vector<16xi32> to vector<16xi32>
        %swap3A_128 = vector.shape_cast %add3A_117 : vector<16xi32> to vector<16xi32>
        tpu.vector_store %arg24[%swap3A_125], %swap3A_128 {strides = array<i32>} : memref<64xi32, #tpu.memory_space<vmem>>, vector<16xi32>,
        %scan3A_129 = arith.constant 0 : i32
        scf.yield %scan3A_129 : i32
      }
      %scan3A_56 = arith.constant 4 : i32
      %dma_start3A_57 = arith.constant 0 : i32
      %dma_start3A_58 = arith.constant 0 : i32
      %dma_start3A_59 = tpu.memref_slice %arg13[%dma_start3A_57, %dma_start3A_58] : memref<10000x128xf32, #tpu.memory_space<vmem_shared>> -> memref<10000x128xf32, #tpu.memory_space<vmem_shared>>
      tpu.enqueue_indirect_dma source(%arg20 : memref<64x128xf32, #tpu.memory_space<vmem>>) target(%dma_start3A_59 : memref<10000x128xf32, #tpu.memory_space<vmem_shared>>) offsets(%arg23 : memref<64xi32, #tpu.memory_space<vmem>>) semaphore(%arg34 : memref<!tpu.dma_semaphore, #tpu.memory_space<semaphore_mem>>) {add = true}
      %dma_start3A_60 = arith.constant 0 : i32
      %dma_start3A_61 = arith.constant 0 : i32
      %dma_start3A_62 = tpu.memref_slice %arg14[%dma_start3A_60, %dma_start3A_61] : memref<80x128xf32, #tpu.memory_space<vmem_shared>> -> memref<80x128xf32, #tpu.memory_space<vmem_shared>>
      tpu.enqueue_indirect_dma source(%arg21 : memref<64x128xf32, #tpu.memory_space<vmem>>) target(%dma_start3A_62 : memref<80x128xf32, #tpu.memory_space<vmem_shared>>) offsets(%arg24 : memref<64xi32, #tpu.memory_space<vmem>>) semaphore(%arg35 : memref<!tpu.dma_semaphore, #tpu.memory_space<semaphore_mem>>) {add = true}
      %scan3A_63 = arith.constant 0 : i32
      %scan3A_64 = arith.constant 0 : i32
      %scan3A_65 = arith.constant 156 : i32
      %scan3A_66 = arith.addi %scan3A_64, %scan3A_65 : i32
      %scan3A_67 = arith.constant 1 : i32
      %scan3A_68 = scf.for %scan3A_112 = %scan3A_64 to %scan3A_66 step %scan3A_67 iter_args(%scan3A_113 = %scan3A_63) -> (i32)  : i32 {
        %mul3A_114 = arith.constant 2 : i32
        %mul3A_115 = arith.muli %mul3A_114, %scan3A_112 : i32
        %mul3A_116 = arith.constant 64 : i32
        %mul3A_117 = arith.muli %mul3A_115, %mul3A_116 : i32
        %add3A_118 = arith.addi %mul3A_46, %mul3A_117 : i32
        %add3A_119 = arith.constant 64 : i32
        %add3A_120 = arith.addi %add3A_118, %add3A_119 : i32
        %min3A_121 = arith.constant 319936 : i32
        %min3A_122 = arith.minsi %add3A_120, %min3A_121 : i32
        %dma_wait3A_123 = tpu.memref_slice %arg4[%add3A_118] : memref<320000xi32, #tpu.memory_space<hbm>> -> memref<64xi32, #tpu.memory_space<hbm>>
        %dma_wait3A_124 = tpu.memref_slice %arg4[%add3A_118] : memref<320000xi32, #tpu.memory_space<hbm>> -> memref<64xi32, #tpu.memory_space<hbm>>
        tpu.wait_dma2 semaphore(%arg32 : memref<!tpu.dma_semaphore, #tpu.memory_space<semaphore_mem>>) src(%dma_wait3A_124 : memref<64xi32, #tpu.memory_space<hbm>>) dst(%arg16 : memref<64xi32, #tpu.memory_space<vmem>>)
        %dma_wait3A_125 = tpu.memref_slice %arg5[%add3A_118] : memref<320000xi32, #tpu.memory_space<hbm>> -> memref<64xi32, #tpu.memory_space<hbm>>
        %dma_wait3A_126 = tpu.memref_slice %arg5[%add3A_118] : memref<320000xi32, #tpu.memory_space<hbm>> -> memref<64xi32, #tpu.memory_space<hbm>>
        tpu.wait_dma2 semaphore(%arg33 : memref<!tpu.dma_semaphore, #tpu.memory_space<semaphore_mem>>) src(%dma_wait3A_126 : memref<64xi32, #tpu.memory_space<hbm>>) dst(%arg17 : memref<64xi32, #tpu.memory_space<vmem>>)
        %scan3A_127 = arith.constant 0 : i32
        %scan3A_128 = arith.constant 0 : i32
        %scan3A_129 = arith.constant 4 : i32
        %scan3A_130 = arith.addi %scan3A_128, %scan3A_129 : i32
        %scan3A_131 = arith.constant 1 : i32
        %scan3A_132 = scf.for %scan3A_213 = %scan3A_128 to %scan3A_130 step %scan3A_131 iter_args(%scan3A_214 = %scan3A_127) -> (i32)  : i32 {
          %mul3A_215 = arith.constant 16 : i32
          %mul3A_216 = arith.muli %scan3A_213, %mul3A_215 : i32
          %get3A = arith.index_cast %mul3A_216 : i32 to index
          %get3A_217 = tpu.vector_load %arg17[%get3A] {strides = array<i32>} : memref<64xi32, #tpu.memory_space<vmem>>, vector<16xi32>,
          %get3A_218 = vector.shape_cast %get3A_217 : vector<16xi32> to vector<16xi32>
          %shift_right_arithmetic3A = arith.constant 7 : i32
          %shift_right_arithmetic3A_219 = vector.broadcast %shift_right_arithmetic3A : i32 to vector<16xi32>
          %shift_right_arithmetic3A_220 = arith.shrsi %get3A_218, %shift_right_arithmetic3A_219 : vector<16xi32>
          %mul3A_221 = arith.constant 16 : i32
          %mul3A_222 = arith.muli %scan3A_213, %mul3A_221 : i32
          %swap3A = arith.index_cast %mul3A_222 : i32 to index
          %swap3A_223 = tpu.vector_load %arg18[%swap3A] {strides = array<i32>} : memref<64xi32, #tpu.memory_space<vmem>>, vector<16xi32>,
          %swap3A_224 = vector.shape_cast %swap3A_223 : vector<16xi32> to vector<16xi32>
          %swap3A_225 = vector.shape_cast %shift_right_arithmetic3A_220 : vector<16xi32> to vector<16xi32>
          tpu.vector_store %arg18[%swap3A], %swap3A_225 {strides = array<i32>} : memref<64xi32, #tpu.memory_space<vmem>>, vector<16xi32>,
          %and3A = arith.constant 127 : i32
          %and3A_226 = vector.broadcast %and3A : i32 to vector<16xi32>
          %and3A_227 = arith.andi %get3A_218, %and3A_226 : vector<16xi32>
          %mul3A_228 = arith.constant 16 : i32
          %mul3A_229 = arith.muli %scan3A_213, %mul3A_228 : i32
          %swap3A_230 = arith.index_cast %mul3A_229 : i32 to index
          %swap3A_231 = tpu.vector_load %arg19[%swap3A_230] {strides = array<i32>} : memref<64xi32, #tpu.memory_space<vmem>>, vector<16xi32>,
          %swap3A_232 = vector.shape_cast %swap3A_231 : vector<16xi32> to vector<16xi32>
          %swap3A_233 = vector.shape_cast %and3A_227 : vector<16xi32> to vector<16xi32>
          tpu.vector_store %arg19[%swap3A_230], %swap3A_233 {strides = array<i32>} : memref<64xi32, #tpu.memory_space<vmem>>, vector<16xi32>,
          %scan3A_234 = arith.constant 0 : i32
          scf.yield %scan3A_234 : i32
        }
        %scan3A_133 = arith.constant 4 : i32
        %dma_wait3A_134 = arith.constant 0 : i32
        %dma_wait3A_135 = arith.constant 0 : i32
        %dma_wait3A_136 = tpu.memref_slice %arg13[%dma_wait3A_134, %dma_wait3A_135] : memref<10000x128xf32, #tpu.memory_space<vmem_shared>> -> memref<10000x128xf32, #tpu.memory_space<vmem_shared>>
        tpu.wait_indirect_dma semaphore(%arg34 : memref<!tpu.dma_semaphore, #tpu.memory_space<semaphore_mem>>) src(%arg20 : memref<64x128xf32, #tpu.memory_space<vmem>>) dst(%dma_wait3A_136 : memref<10000x128xf32, #tpu.memory_space<vmem_shared>>)
        %dma_wait3A_137 = arith.constant 0 : i32
        %dma_wait3A_138 = arith.constant 0 : i32
        %dma_wait3A_139 = tpu.memref_slice %arg14[%dma_wait3A_137, %dma_wait3A_138] : memref<80x128xf32, #tpu.memory_space<vmem_shared>> -> memref<80x128xf32, #tpu.memory_space<vmem_shared>>
        tpu.wait_indirect_dma semaphore(%arg35 : memref<!tpu.dma_semaphore, #tpu.memory_space<semaphore_mem>>) src(%arg21 : memref<64x128xf32, #tpu.memory_space<vmem>>) dst(%dma_wait3A_139 : memref<80x128xf32, #tpu.memory_space<vmem_shared>>)
        %dma_start3A_140 = tpu.memref_slice %arg4[%min3A_122] : memref<320000xi32, #tpu.memory_space<hbm>> -> memref<64xi32, #tpu.memory_space<hbm>>
        %dma_start3A_141 = tpu.memref_slice %arg4[%min3A_122] : memref<320000xi32, #tpu.memory_space<hbm>> -> memref<64xi32, #tpu.memory_space<hbm>>
        tpu.enqueue_dma source(%dma_start3A_141 : memref<64xi32, #tpu.memory_space<hbm>>) target(%arg22 : memref<64xi32, #tpu.memory_space<vmem>>) target_semaphore(%arg32 : memref<!tpu.dma_semaphore, #tpu.memory_space<semaphore_mem>>)
        %dma_start3A_142 = tpu.memref_slice %arg5[%min3A_122] : memref<320000xi32, #tpu.memory_space<hbm>> -> memref<64xi32, #tpu.memory_space<hbm>>
        %dma_start3A_143 = tpu.memref_slice %arg5[%min3A_122] : memref<320000xi32, #tpu.memory_space<hbm>> -> memref<64xi32, #tpu.memory_space<hbm>>
        tpu.enqueue_dma source(%dma_start3A_143 : memref<64xi32, #tpu.memory_space<hbm>>) target(%arg23 : memref<64xi32, #tpu.memory_space<vmem>>) target_semaphore(%arg33 : memref<!tpu.dma_semaphore, #tpu.memory_space<semaphore_mem>>)
        %dma_start3A_144 = arith.constant 0 : i32
        %dma_start3A_145 = arith.constant 0 : i32
        %dma_start3A_146 = tpu.memref_slice %arg2[%dma_start3A_144, %dma_start3A_145] : memref<10000x128xf32, #tpu.memory_space<hbm>> -> memref<10000x128xf32, #tpu.memory_space<hbm>>
        tpu.enqueue_indirect_dma source(%dma_start3A_146 : memref<10000x128xf32, #tpu.memory_space<hbm>>) target(%arg20 : memref<64x128xf32, #tpu.memory_space<vmem>>) offsets(%arg16 : memref<64xi32, #tpu.memory_space<vmem>>) semaphore(%arg30 : memref<!tpu.dma_semaphore, #tpu.memory_space<semaphore_mem>>)
        %dma_start3A_147 = arith.constant 0 : i32
        %dma_start3A_148 = arith.constant 0 : i32
        %dma_start3A_149 = tpu.memref_slice %arg15[%dma_start3A_147, %dma_start3A_148] : memref<128x128xf32, #tpu.memory_space<vmem_shared>> -> memref<128x128xf32, #tpu.memory_space<vmem_shared>>
        tpu.enqueue_indirect_dma source(%dma_start3A_149 : memref<128x128xf32, #tpu.memory_space<vmem_shared>>) target(%arg21 : memref<64x128xf32, #tpu.memory_space<vmem>>) offsets(%arg19 : memref<64xi32, #tpu.memory_space<vmem>>) semaphore(%arg31 : memref<!tpu.dma_semaphore, #tpu.memory_space<semaphore_mem>>)
        %dma_wait3A_150 = arith.constant 0 : i32
        %dma_wait3A_151 = arith.constant 0 : i32
        %dma_wait3A_152 = tpu.memref_slice %arg2[%dma_wait3A_150, %dma_wait3A_151] : memref<10000x128xf32, #tpu.memory_space<hbm>> -> memref<10000x128xf32, #tpu.memory_space<hbm>>
        tpu.wait_indirect_dma semaphore(%arg30 : memref<!tpu.dma_semaphore, #tpu.memory_space<semaphore_mem>>) src(%dma_wait3A_152 : memref<10000x128xf32, #tpu.memory_space<hbm>>) dst(%arg20 : memref<64x128xf32, #tpu.memory_space<vmem>>)
        %dma_start3A_153 = arith.constant 0 : i32
        %dma_start3A_154 = arith.constant 0 : i32
        %dma_start3A_155 = tpu.memref_slice %arg13[%dma_start3A_153, %dma_start3A_154] : memref<10000x128xf32, #tpu.memory_space<vmem_shared>> -> memref<10000x128xf32, #tpu.memory_space<vmem_shared>>
        tpu.enqueue_indirect_dma source(%arg20 : memref<64x128xf32, #tpu.memory_space<vmem>>) target(%dma_start3A_155 : memref<10000x128xf32, #tpu.memory_space<vmem_shared>>) offsets(%arg17 : memref<64xi32, #tpu.memory_space<vmem>>) semaphore(%arg34 : memref<!tpu.dma_semaphore, #tpu.memory_space<semaphore_mem>>) {add = true}
        %dma_wait3A_156 = arith.constant 0 : i32
        %dma_wait3A_157 = arith.constant 0 : i32
        %dma_wait3A_158 = tpu.memref_slice %arg15[%dma_wait3A_156, %dma_wait3A_157] : memref<128x128xf32, #tpu.memory_space<vmem_shared>> -> memref<128x128xf32, #tpu.memory_space<vmem_shared>>
        tpu.wait_indirect_dma semaphore(%arg31 : memref<!tpu.dma_semaphore, #tpu.memory_space<semaphore_mem>>) src(%dma_wait3A_158 : memref<128x128xf32, #tpu.memory_space<vmem_shared>>) dst(%arg21 : memref<64x128xf32, #tpu.memory_space<vmem>>)
        %dma_start3A_159 = arith.constant 0 : i32
        %dma_start3A_160 = arith.constant 0 : i32
        %dma_start3A_161 = tpu.memref_slice %arg14[%dma_start3A_159, %dma_start3A_160] : memref<80x128xf32, #tpu.memory_space<vmem_shared>> -> memref<80x128xf32, #tpu.memory_space<vmem_shared>>
        tpu.enqueue_indirect_dma source(%arg21 : memref<64x128xf32, #tpu.memory_space<vmem>>) target(%dma_start3A_161 : memref<80x128xf32, #tpu.memory_space<vmem_shared>>) offsets(%arg18 : memref<64xi32, #tpu.memory_space<vmem>>) semaphore(%arg35 : memref<!tpu.dma_semaphore, #tpu.memory_space<semaphore_mem>>) {add = true}
        %mul3A_162 = arith.constant 2 : i32
        %mul3A_163 = arith.muli %mul3A_162, %scan3A_112 : i32
        %add3A_164 = arith.constant 1 : i32
        %add3A_165 = arith.addi %mul3A_163, %add3A_164 : i32
        %mul3A_166 = arith.constant 64 : i32
        %mul3A_167 = arith.muli %add3A_165, %mul3A_166 : i32
        %add3A_168 = arith.addi %mul3A_46, %mul3A_167 : i32
        %add3A_169 = arith.constant 64 : i32
        %add3A_170 = arith.addi %add3A_168, %add3A_169 : i32
        %min3A_171 = arith.constant 319936 : i32
        %min3A_172 = arith.minsi %add3A_170, %min3A_171 : i32
        %dma_wait3A_173 = tpu.memref_slice %arg4[%add3A_168] : memref<320000xi32, #tpu.memory_space<hbm>> -> memref<64xi32, #tpu.memory_space<hbm>>
        %dma_wait3A_174 = tpu.memref_slice %arg4[%add3A_168] : memref<320000xi32, #tpu.memory_space<hbm>> -> memref<64xi32, #tpu.memory_space<hbm>>
        tpu.wait_dma2 semaphore(%arg32 : memref<!tpu.dma_semaphore, #tpu.memory_space<semaphore_mem>>) src(%dma_wait3A_174 : memref<64xi32, #tpu.memory_space<hbm>>) dst(%arg22 : memref<64xi32, #tpu.memory_space<vmem>>)
        %dma_wait3A_175 = tpu.memref_slice %arg5[%add3A_168] : memref<320000xi32, #tpu.memory_space<hbm>> -> memref<64xi32, #tpu.memory_space<hbm>>
        %dma_wait3A_176 = tpu.memref_slice %arg5[%add3A_168] : memref<320000xi32, #tpu.memory_space<hbm>> -> memref<64xi32, #tpu.memory_space<hbm>>
        tpu.wait_dma2 semaphore(%arg33 : memref<!tpu.dma_semaphore, #tpu.memory_space<semaphore_mem>>) src(%dma_wait3A_176 : memref<64xi32, #tpu.memory_space<hbm>>) dst(%arg23 : memref<64xi32, #tpu.memory_space<vmem>>)
        %scan3A_177 = arith.constant 0 : i32
        %scan3A_178 = arith.constant 0 : i32
        %scan3A_179 = arith.constant 4 : i32
        %scan3A_180 = arith.addi %scan3A_178, %scan3A_179 : i32
        %scan3A_181 = arith.constant 1 : i32
        %scan3A_182 = scf.for %scan3A_213 = %scan3A_178 to %scan3A_180 step %scan3A_181 iter_args(%scan3A_214 = %scan3A_177) -> (i32)  : i32 {
          %mul3A_215 = arith.constant 16 : i32
          %mul3A_216 = arith.muli %scan3A_213, %mul3A_215 : i32
          %get3A = arith.index_cast %mul3A_216 : i32 to index
          %get3A_217 = tpu.vector_load %arg23[%get3A] {strides = array<i32>} : memref<64xi32, #tpu.memory_space<vmem>>, vector<16xi32>,
          %get3A_218 = vector.shape_cast %get3A_217 : vector<16xi32> to vector<16xi32>
          %shift_right_arithmetic3A = arith.constant 7 : i32
          %shift_right_arithmetic3A_219 = vector.broadcast %shift_right_arithmetic3A : i32 to vector<16xi32>
          %shift_right_arithmetic3A_220 = arith.shrsi %get3A_218, %shift_right_arithmetic3A_219 : vector<16xi32>
          %mul3A_221 = arith.constant 16 : i32
          %mul3A_222 = arith.muli %scan3A_213, %mul3A_221 : i32
          %swap3A = arith.index_cast %mul3A_222 : i32 to index
          %swap3A_223 = tpu.vector_load %arg24[%swap3A] {strides = array<i32>} : memref<64xi32, #tpu.memory_space<vmem>>, vector<16xi32>,
          %swap3A_224 = vector.shape_cast %swap3A_223 : vector<16xi32> to vector<16xi32>
          %swap3A_225 = vector.shape_cast %shift_right_arithmetic3A_220 : vector<16xi32> to vector<16xi32>
          tpu.vector_store %arg24[%swap3A], %swap3A_225 {strides = array<i32>} : memref<64xi32, #tpu.memory_space<vmem>>, vector<16xi32>,
          %and3A = arith.constant 127 : i32
          %and3A_226 = vector.broadcast %and3A : i32 to vector<16xi32>
          %and3A_227 = arith.andi %get3A_218, %and3A_226 : vector<16xi32>
          %mul3A_228 = arith.constant 16 : i32
          %mul3A_229 = arith.muli %scan3A_213, %mul3A_228 : i32
          %swap3A_230 = arith.index_cast %mul3A_229 : i32 to index
          %swap3A_231 = tpu.vector_load %arg25[%swap3A_230] {strides = array<i32>} : memref<64xi32, #tpu.memory_space<vmem>>, vector<16xi32>,
          %swap3A_232 = vector.shape_cast %swap3A_231 : vector<16xi32> to vector<16xi32>
          %swap3A_233 = vector.shape_cast %and3A_227 : vector<16xi32> to vector<16xi32>
          tpu.vector_store %arg25[%swap3A_230], %swap3A_233 {strides = array<i32>} : memref<64xi32, #tpu.memory_space<vmem>>, vector<16xi32>,
          %scan3A_234 = arith.constant 0 : i32
          scf.yield %scan3A_234 : i32
        }
        %scan3A_183 = arith.constant 4 : i32
        %dma_wait3A_184 = arith.constant 0 : i32
        %dma_wait3A_185 = arith.constant 0 : i32
        %dma_wait3A_186 = tpu.memref_slice %arg13[%dma_wait3A_184, %dma_wait3A_185] : memref<10000x128xf32, #tpu.memory_space<vmem_shared>> -> memref<10000x128xf32, #tpu.memory_space<vmem_shared>>
        tpu.wait_indirect_dma semaphore(%arg34 : memref<!tpu.dma_semaphore, #tpu.memory_space<semaphore_mem>>) src(%arg20 : memref<64x128xf32, #tpu.memory_space<vmem>>) dst(%dma_wait3A_186 : memref<10000x128xf32, #tpu.memory_space<vmem_shared>>)
        %dma_wait3A_187 = arith.constant 0 : i32
        %dma_wait3A_188 = arith.constant 0 : i32
        %dma_wait3A_189 = tpu.memref_slice %arg14[%dma_wait3A_187, %dma_wait3A_188] : memref<80x128xf32, #tpu.memory_space<vmem_shared>> -> memref<80x128xf32, #tpu.memory_space<vmem_shared>>
        tpu.wait_indirect_dma semaphore(%arg35 : memref<!tpu.dma_semaphore, #tpu.memory_space<semaphore_mem>>) src(%arg21 : memref<64x128xf32, #tpu.memory_space<vmem>>) dst(%dma_wait3A_189 : memref<80x128xf32, #tpu.memory_space<vmem_shared>>)
        %dma_start3A_190 = tpu.memref_slice %arg4[%min3A_172] : memref<320000xi32, #tpu.memory_space<hbm>> -> memref<64xi32, #tpu.memory_space<hbm>>
        %dma_start3A_191 = tpu.memref_slice %arg4[%min3A_172] : memref<320000xi32, #tpu.memory_space<hbm>> -> memref<64xi32, #tpu.memory_space<hbm>>
        tpu.enqueue_dma source(%dma_start3A_191 : memref<64xi32, #tpu.memory_space<hbm>>) target(%arg16 : memref<64xi32, #tpu.memory_space<vmem>>) target_semaphore(%arg32 : memref<!tpu.dma_semaphore, #tpu.memory_space<semaphore_mem>>)
        %dma_start3A_192 = tpu.memref_slice %arg5[%min3A_172] : memref<320000xi32, #tpu.memory_space<hbm>> -> memref<64xi32, #tpu.memory_space<hbm>>
        %dma_start3A_193 = tpu.memref_slice %arg5[%min3A_172] : memref<320000xi32, #tpu.memory_space<hbm>> -> memref<64xi32, #tpu.memory_space<hbm>>
        tpu.enqueue_dma source(%dma_start3A_193 : memref<64xi32, #tpu.memory_space<hbm>>) target(%arg17 : memref<64xi32, #tpu.memory_space<vmem>>) target_semaphore(%arg33 : memref<!tpu.dma_semaphore, #tpu.memory_space<semaphore_mem>>)
        %dma_start3A_194 = arith.constant 0 : i32
        %dma_start3A_195 = arith.constant 0 : i32
        %dma_start3A_196 = tpu.memref_slice %arg2[%dma_start3A_194, %dma_start3A_195] : memref<10000x128xf32, #tpu.memory_space<hbm>> -> memref<10000x128xf32, #tpu.memory_space<hbm>>
        tpu.enqueue_indirect_dma source(%dma_start3A_196 : memref<10000x128xf32, #tpu.memory_space<hbm>>) target(%arg20 : memref<64x128xf32, #tpu.memory_space<vmem>>) offsets(%arg22 : memref<64xi32, #tpu.memory_space<vmem>>) semaphore(%arg30 : memref<!tpu.dma_semaphore, #tpu.memory_space<semaphore_mem>>)
        %dma_start3A_197 = arith.constant 0 : i32
        %dma_start3A_198 = arith.constant 0 : i32
        %dma_start3A_199 = tpu.memref_slice %arg15[%dma_start3A_197, %dma_start3A_198] : memref<128x128xf32, #tpu.memory_space<vmem_shared>> -> memref<128x128xf32, #tpu.memory_space<vmem_shared>>
        tpu.enqueue_indirect_dma source(%dma_start3A_199 : memref<128x128xf32, #tpu.memory_space<vmem_shared>>) target(%arg21 : memref<64x128xf32, #tpu.memory_space<vmem>>) offsets(%arg25 : memref<64xi32, #tpu.memory_space<vmem>>) semaphore(%arg31 : memref<!tpu.dma_semaphore, #tpu.memory_space<semaphore_mem>>)
        %dma_wait3A_200 = arith.constant 0 : i32
        %dma_wait3A_201 = arith.constant 0 : i32
        %dma_wait3A_202 = tpu.memref_slice %arg2[%dma_wait3A_200, %dma_wait3A_201] : memref<10000x128xf32, #tpu.memory_space<hbm>> -> memref<10000x128xf32, #tpu.memory_space<hbm>>
        tpu.wait_indirect_dma semaphore(%arg30 : memref<!tpu.dma_semaphore, #tpu.memory_space<semaphore_mem>>) src(%dma_wait3A_202 : memref<10000x128xf32, #tpu.memory_space<hbm>>) dst(%arg20 : memref<64x128xf32, #tpu.memory_space<vmem>>)
        %dma_start3A_203 = arith.constant 0 : i32
        %dma_start3A_204 = arith.constant 0 : i32
        %dma_start3A_205 = tpu.memref_slice %arg13[%dma_start3A_203, %dma_start3A_204] : memref<10000x128xf32, #tpu.memory_space<vmem_shared>> -> memref<10000x128xf32, #tpu.memory_space<vmem_shared>>
        tpu.enqueue_indirect_dma source(%arg20 : memref<64x128xf32, #tpu.memory_space<vmem>>) target(%dma_start3A_205 : memref<10000x128xf32, #tpu.memory_space<vmem_shared>>) offsets(%arg23 : memref<64xi32, #tpu.memory_space<vmem>>) semaphore(%arg34 : memref<!tpu.dma_semaphore, #tpu.memory_space<semaphore_mem>>) {add = true}
        %dma_wait3A_206 = arith.constant 0 : i32
        %dma_wait3A_207 = arith.constant 0 : i32
        %dma_wait3A_208 = tpu.memref_slice %arg15[%dma_wait3A_206, %dma_wait3A_207] : memref<128x128xf32, #tpu.memory_space<vmem_shared>> -> memref<128x128xf32, #tpu.memory_space<vmem_shared>>
        tpu.wait_indirect_dma semaphore(%arg31 : memref<!tpu.dma_semaphore, #tpu.memory_space<semaphore_mem>>) src(%dma_wait3A_208 : memref<128x128xf32, #tpu.memory_space<vmem_shared>>) dst(%arg21 : memref<64x128xf32, #tpu.memory_space<vmem>>)
        %dma_start3A_209 = arith.constant 0 : i32
        %dma_start3A_210 = arith.constant 0 : i32
        %dma_start3A_211 = tpu.memref_slice %arg14[%dma_start3A_209, %dma_start3A_210] : memref<80x128xf32, #tpu.memory_space<vmem_shared>> -> memref<80x128xf32, #tpu.memory_space<vmem_shared>>
        tpu.enqueue_indirect_dma source(%arg21 : memref<64x128xf32, #tpu.memory_space<vmem>>) target(%dma_start3A_211 : memref<80x128xf32, #tpu.memory_space<vmem_shared>>) offsets(%arg24 : memref<64xi32, #tpu.memory_space<vmem>>) semaphore(%arg35 : memref<!tpu.dma_semaphore, #tpu.memory_space<semaphore_mem>>) {add = true}
        %scan3A_212 = arith.constant 0 : i32
        scf.yield %scan3A_212 : i32
      }
      %scan3A_69 = arith.constant 156 : i32
      %dma_wait3A = arith.constant 0 : i32
      %dma_wait3A_70 = arith.constant 0 : i32
      %dma_wait3A_71 = tpu.memref_slice %arg13[%dma_wait3A, %dma_wait3A_70] : memref<10000x128xf32, #tpu.memory_space<vmem_shared>> -> memref<10000x128xf32, #tpu.memory_space<vmem_shared>>
      tpu.wait_indirect_dma semaphore(%arg34 : memref<!tpu.dma_semaphore, #tpu.memory_space<semaphore_mem>>) src(%arg20 : memref<64x128xf32, #tpu.memory_space<vmem>>) dst(%dma_wait3A_71 : memref<10000x128xf32, #tpu.memory_space<vmem_shared>>)
      %dma_wait3A_72 = arith.constant 0 : i32
      %dma_wait3A_73 = arith.constant 0 : i32
      %dma_wait3A_74 = tpu.memref_slice %arg14[%dma_wait3A_72, %dma_wait3A_73] : memref<80x128xf32, #tpu.memory_space<vmem_shared>> -> memref<80x128xf32, #tpu.memory_space<vmem_shared>>
      tpu.wait_indirect_dma semaphore(%arg35 : memref<!tpu.dma_semaphore, #tpu.memory_space<semaphore_mem>>) src(%arg21 : memref<64x128xf32, #tpu.memory_space<vmem>>) dst(%dma_wait3A_74 : memref<80x128xf32, #tpu.memory_space<vmem_shared>>)
      %dma_wait3A_75 = tpu.memref_slice %arg4[%mul3A_46] : memref<320000xi32, #tpu.memory_space<hbm>> -> memref<64xi32, #tpu.memory_space<hbm>>
      %dma_wait3A_76 = tpu.memref_slice %arg4[%mul3A_46] : memref<320000xi32, #tpu.memory_space<hbm>> -> memref<64xi32, #tpu.memory_space<hbm>>
      tpu.wait_dma2 semaphore(%arg32 : memref<!tpu.dma_semaphore, #tpu.memory_space<semaphore_mem>>) src(%dma_wait3A_76 : memref<64xi32, #tpu.memory_space<hbm>>) dst(%arg16 : memref<64xi32, #tpu.memory_space<vmem>>)
      %dma_wait3A_77 = tpu.memref_slice %arg5[%mul3A_46] : memref<320000xi32, #tpu.memory_space<hbm>> -> memref<64xi32, #tpu.memory_space<hbm>>
      %dma_wait3A_78 = tpu.memref_slice %arg5[%mul3A_46] : memref<320000xi32, #tpu.memory_space<hbm>> -> memref<64xi32, #tpu.memory_space<hbm>>
      tpu.wait_dma2 semaphore(%arg33 : memref<!tpu.dma_semaphore, #tpu.memory_space<semaphore_mem>>) src(%dma_wait3A_78 : memref<64xi32, #tpu.memory_space<hbm>>) dst(%arg17 : memref<64xi32, #tpu.memory_space<vmem>>)
      %add3A_79 = arith.constant 19968 : i32
      %add3A_80 = arith.addi %mul3A_46, %add3A_79 : i32
      "tpu.region"() ({
        %run_scoped3A = tpu.sem_alloc : memref<!tpu.dma_semaphore, #tpu.memory_space<semaphore_mem>>
        %dma_start3A_112 = tpu.memref_slice %arg4[%add3A_80] : memref<320000xi32, #tpu.memory_space<hbm>> -> memref<32xi32, #tpu.memory_space<hbm>>
        %dma_start3A_113 = tpu.memref_slice %arg4[%add3A_80] : memref<320000xi32, #tpu.memory_space<hbm>> -> memref<32xi32, #tpu.memory_space<hbm>>
        tpu.enqueue_dma source(%dma_start3A_113 : memref<32xi32, #tpu.memory_space<hbm>>) target(%arg26 : memref<32xi32, #tpu.memory_space<vmem>>) target_semaphore(%run_scoped3A : memref<!tpu.dma_semaphore, #tpu.memory_space<semaphore_mem>>)
        %dma_wait3A_114 = tpu.memref_slice %arg4[%add3A_80] : memref<320000xi32, #tpu.memory_space<hbm>> -> memref<32xi32, #tpu.memory_space<hbm>>
        %dma_wait3A_115 = tpu.memref_slice %arg4[%add3A_80] : memref<320000xi32, #tpu.memory_space<hbm>> -> memref<32xi32, #tpu.memory_space<hbm>>
        tpu.wait_dma2 semaphore(%run_scoped3A : memref<!tpu.dma_semaphore, #tpu.memory_space<semaphore_mem>>) src(%dma_wait3A_115 : memref<32xi32, #tpu.memory_space<hbm>>) dst(%arg26 : memref<32xi32, #tpu.memory_space<vmem>>)
        tpu.yield
      }) : () -> ()
      "tpu.region"() ({
        %run_scoped3A = tpu.sem_alloc : memref<!tpu.dma_semaphore, #tpu.memory_space<semaphore_mem>>
        %dma_start3A_112 = tpu.memref_slice %arg5[%add3A_80] : memref<320000xi32, #tpu.memory_space<hbm>> -> memref<32xi32, #tpu.memory_space<hbm>>
        %dma_start3A_113 = tpu.memref_slice %arg5[%add3A_80] : memref<320000xi32, #tpu.memory_space<hbm>> -> memref<32xi32, #tpu.memory_space<hbm>>
        tpu.enqueue_dma source(%dma_start3A_113 : memref<32xi32, #tpu.memory_space<hbm>>) target(%arg27 : memref<32xi32, #tpu.memory_space<vmem>>) target_semaphore(%run_scoped3A : memref<!tpu.dma_semaphore, #tpu.memory_space<semaphore_mem>>)
        %dma_wait3A_114 = tpu.memref_slice %arg5[%add3A_80] : memref<320000xi32, #tpu.memory_space<hbm>> -> memref<32xi32, #tpu.memory_space<hbm>>
        %dma_wait3A_115 = tpu.memref_slice %arg5[%add3A_80] : memref<320000xi32, #tpu.memory_space<hbm>> -> memref<32xi32, #tpu.memory_space<hbm>>
        tpu.wait_dma2 semaphore(%run_scoped3A : memref<!tpu.dma_semaphore, #tpu.memory_space<semaphore_mem>>) src(%dma_wait3A_115 : memref<32xi32, #tpu.memory_space<hbm>>) dst(%arg27 : memref<32xi32, #tpu.memory_space<vmem>>)
        tpu.yield
      }) : () -> ()
      %scan3A_81 = arith.constant 0 : i32
      %scan3A_82 = arith.constant 0 : i32
      %scan3A_83 = arith.constant 2 : i32
      %scan3A_84 = arith.addi %scan3A_82, %scan3A_83 : i32
      %scan3A_85 = arith.constant 1 : i32
      %scan3A_86 = scf.for %scan3A_112 = %scan3A_82 to %scan3A_84 step %scan3A_85 iter_args(%scan3A_113 = %scan3A_81) -> (i32)  : i32 {
        %mul3A_114 = arith.constant 16 : i32
        %mul3A_115 = arith.muli %scan3A_112, %mul3A_114 : i32
        %get3A = arith.index_cast %mul3A_115 : i32 to index
        %get3A_116 = tpu.vector_load %arg27[%get3A] {strides = array<i32>} : memref<32xi32, #tpu.memory_space<vmem>>, vector<16xi32>,
        %get3A_117 = vector.shape_cast %get3A_116 : vector<16xi32> to vector<16xi32>
        %shift_right_arithmetic3A = arith.constant 7 : i32
        %shift_right_arithmetic3A_118 = vector.broadcast %shift_right_arithmetic3A : i32 to vector<16xi32>
        %shift_right_arithmetic3A_119 = arith.shrsi %get3A_117, %shift_right_arithmetic3A_118 : vector<16xi32>
        %mul3A_120 = arith.constant 16 : i32
        %mul3A_121 = arith.muli %scan3A_112, %mul3A_120 : i32
        %swap3A = arith.index_cast %mul3A_121 : i32 to index
        %swap3A_122 = tpu.vector_load %arg28[%swap3A] {strides = array<i32>} : memref<32xi32, #tpu.memory_space<vmem>>, vector<16xi32>,
        %swap3A_123 = vector.shape_cast %swap3A_122 : vector<16xi32> to vector<16xi32>
        %swap3A_124 = vector.shape_cast %shift_right_arithmetic3A_119 : vector<16xi32> to vector<16xi32>
        tpu.vector_store %arg28[%swap3A], %swap3A_124 {strides = array<i32>} : memref<32xi32, #tpu.memory_space<vmem>>, vector<16xi32>,
        %and3A = arith.constant 127 : i32
        %and3A_125 = vector.broadcast %and3A : i32 to vector<16xi32>
        %and3A_126 = arith.andi %get3A_117, %and3A_125 : vector<16xi32>
        %mul3A_127 = arith.constant 16 : i32
        %mul3A_128 = arith.muli %scan3A_112, %mul3A_127 : i32
        %swap3A_129 = arith.index_cast %mul3A_128 : i32 to index
        %swap3A_130 = tpu.vector_load %arg29[%swap3A_129] {strides = array<i32>} : memref<32xi32, #tpu.memory_space<vmem>>, vector<16xi32>,
        %swap3A_131 = vector.shape_cast %swap3A_130 : vector<16xi32> to vector<16xi32>
        %swap3A_132 = vector.shape_cast %and3A_126 : vector<16xi32> to vector<16xi32>
        tpu.vector_store %arg29[%swap3A_129], %swap3A_132 {strides = array<i32>} : memref<32xi32, #tpu.memory_space<vmem>>, vector<16xi32>,
        %scan3A_133 = arith.constant 0 : i32
        scf.yield %scan3A_133 : i32
      }
      %scan3A_87 = arith.constant 2 : i32
      %dma_start3A_88 = arith.constant 0 : i32
      %dma_start3A_89 = arith.constant 0 : i32
      %dma_start3A_90 = tpu.memref_slice %arg20[%dma_start3A_88, %dma_start3A_89] : memref<64x128xf32, #tpu.memory_space<vmem>> -> memref<32x128xf32, #tpu.memory_space<vmem>>
      %dma_start3A_91 = arith.constant 0 : i32
      %dma_start3A_92 = arith.constant 0 : i32
      %dma_start3A_93 = tpu.memref_slice %arg2[%dma_start3A_91, %dma_start3A_92] : memref<10000x128xf32, #tpu.memory_space<hbm>> -> memref<10000x128xf32, #tpu.memory_space<hbm>>
      tpu.enqueue_indirect_dma source(%dma_start3A_93 : memref<10000x128xf32, #tpu.memory_space<hbm>>) target(%dma_start3A_90 : memref<32x128xf32, #tpu.memory_space<vmem>>) offsets(%arg26 : memref<32xi32, #tpu.memory_space<vmem>>) semaphore(%arg30 : memref<!tpu.dma_semaphore, #tpu.memory_space<semaphore_mem>>)
      %dma_wait3A_94 = arith.constant 0 : i32
      %dma_wait3A_95 = arith.constant 0 : i32
      %dma_wait3A_96 = tpu.memref_slice %arg20[%dma_wait3A_94, %dma_wait3A_95] : memref<64x128xf32, #tpu.memory_space<vmem>> -> memref<32x128xf32, #tpu.memory_space<vmem>>
      %dma_wait3A_97 = arith.constant 0 : i32
      %dma_wait3A_98 = arith.constant 0 : i32
      %dma_wait3A_99 = tpu.memref_slice %arg2[%dma_wait3A_97, %dma_wait3A_98] : memref<10000x128xf32, #tpu.memory_space<hbm>> -> memref<10000x128xf32, #tpu.memory_space<hbm>>
      tpu.wait_indirect_dma semaphore(%arg30 : memref<!tpu.dma_semaphore, #tpu.memory_space<semaphore_mem>>) src(%dma_wait3A_99 : memref<10000x128xf32, #tpu.memory_space<hbm>>) dst(%dma_wait3A_96 : memref<32x128xf32, #tpu.memory_space<vmem>>)
      "tpu.region"() ({
        %run_scoped3A = tpu.sem_alloc : memref<!tpu.dma_semaphore, #tpu.memory_space<semaphore_mem>>
        %dma_start3A_112 = arith.constant 0 : i32
        %dma_start3A_113 = arith.constant 0 : i32
        %dma_start3A_114 = tpu.memref_slice %arg20[%dma_start3A_112, %dma_start3A_113] : memref<64x128xf32, #tpu.memory_space<vmem>> -> memref<32x128xf32, #tpu.memory_space<vmem>>
        %dma_start3A_115 = arith.constant 0 : i32
        %dma_start3A_116 = arith.constant 0 : i32
        %dma_start3A_117 = tpu.memref_slice %arg13[%dma_start3A_115, %dma_start3A_116] : memref<10000x128xf32, #tpu.memory_space<vmem_shared>> -> memref<10000x128xf32, #tpu.memory_space<vmem_shared>>
        tpu.enqueue_indirect_dma source(%dma_start3A_114 : memref<32x128xf32, #tpu.memory_space<vmem>>) target(%dma_start3A_117 : memref<10000x128xf32, #tpu.memory_space<vmem_shared>>) offsets(%arg27 : memref<32xi32, #tpu.memory_space<vmem>>) semaphore(%run_scoped3A : memref<!tpu.dma_semaphore, #tpu.memory_space<semaphore_mem>>) {add = true}
        %dma_wait3A_118 = arith.constant 0 : i32
        %dma_wait3A_119 = arith.constant 0 : i32
        %dma_wait3A_120 = tpu.memref_slice %arg20[%dma_wait3A_118, %dma_wait3A_119] : memref<64x128xf32, #tpu.memory_space<vmem>> -> memref<32x128xf32, #tpu.memory_space<vmem>>
        %dma_wait3A_121 = arith.constant 0 : i32
        %dma_wait3A_122 = arith.constant 0 : i32
        %dma_wait3A_123 = tpu.memref_slice %arg13[%dma_wait3A_121, %dma_wait3A_122] : memref<10000x128xf32, #tpu.memory_space<vmem_shared>> -> memref<10000x128xf32, #tpu.memory_space<vmem_shared>>
        tpu.wait_indirect_dma semaphore(%run_scoped3A : memref<!tpu.dma_semaphore, #tpu.memory_space<semaphore_mem>>) src(%dma_wait3A_120 : memref<32x128xf32, #tpu.memory_space<vmem>>) dst(%dma_wait3A_123 : memref<10000x128xf32, #tpu.memory_space<vmem_shared>>)
        tpu.yield
      }) : () -> ()
      %dma_start3A_100 = arith.constant 0 : i32
      %dma_start3A_101 = arith.constant 0 : i32
      %dma_start3A_102 = tpu.memref_slice %arg21[%dma_start3A_100, %dma_start3A_101] : memref<64x128xf32, #tpu.memory_space<vmem>> -> memref<32x128xf32, #tpu.memory_space<vmem>>
      %dma_start3A_103 = arith.constant 0 : i32
      %dma_start3A_104 = arith.constant 0 : i32
      %dma_start3A_105 = tpu.memref_slice %arg15[%dma_start3A_103, %dma_start3A_104] : memref<128x128xf32, #tpu.memory_space<vmem_shared>> -> memref<128x128xf32, #tpu.memory_space<vmem_shared>>
      tpu.enqueue_indirect_dma source(%dma_start3A_105 : memref<128x128xf32, #tpu.memory_space<vmem_shared>>) target(%dma_start3A_102 : memref<32x128xf32, #tpu.memory_space<vmem>>) offsets(%arg29 : memref<32xi32, #tpu.memory_space<vmem>>) semaphore(%arg31 : memref<!tpu.dma_semaphore, #tpu.memory_space<semaphore_mem>>)
      %dma_wait3A_106 = arith.constant 0 : i32
      %dma_wait3A_107 = arith.constant 0 : i32
      %dma_wait3A_108 = tpu.memref_slice %arg21[%dma_wait3A_106, %dma_wait3A_107] : memref<64x128xf32, #tpu.memory_space<vmem>> -> memref<32x128xf32, #tpu.memory_space<vmem>>
      %dma_wait3A_109 = arith.constant 0 : i32
      %dma_wait3A_110 = arith.constant 0 : i32
      %dma_wait3A_111 = tpu.memref_slice %arg15[%dma_wait3A_109, %dma_wait3A_110] : memref<128x128xf32, #tpu.memory_space<vmem_shared>> -> memref<128x128xf32, #tpu.memory_space<vmem_shared>>
      tpu.wait_indirect_dma semaphore(%arg31 : memref<!tpu.dma_semaphore, #tpu.memory_space<semaphore_mem>>) src(%dma_wait3A_111 : memref<128x128xf32, #tpu.memory_space<vmem_shared>>) dst(%dma_wait3A_108 : memref<32x128xf32, #tpu.memory_space<vmem>>)
      "tpu.region"() ({
        %run_scoped3A = tpu.sem_alloc : memref<!tpu.dma_semaphore, #tpu.memory_space<semaphore_mem>>
        %dma_start3A_112 = arith.constant 0 : i32
        %dma_start3A_113 = arith.constant 0 : i32
        %dma_start3A_114 = tpu.memref_slice %arg21[%dma_start3A_112, %dma_start3A_113] : memref<64x128xf32, #tpu.memory_space<vmem>> -> memref<32x128xf32, #tpu.memory_space<vmem>>
        %dma_start3A_115 = arith.constant 0 : i32
        %dma_start3A_116 = arith.constant 0 : i32
        %dma_start3A_117 = tpu.memref_slice %arg14[%dma_start3A_115, %dma_start3A_116] : memref<80x128xf32, #tpu.memory_space<vmem_shared>> -> memref<80x128xf32, #tpu.memory_space<vmem_shared>>
        tpu.enqueue_indirect_dma source(%dma_start3A_114 : memref<32x128xf32, #tpu.memory_space<vmem>>) target(%dma_start3A_117 : memref<80x128xf32, #tpu.memory_space<vmem_shared>>) offsets(%arg28 : memref<32xi32, #tpu.memory_space<vmem>>) semaphore(%run_scoped3A : memref<!tpu.dma_semaphore, #tpu.memory_space<semaphore_mem>>) {add = true}
        %dma_wait3A_118 = arith.constant 0 : i32
        %dma_wait3A_119 = arith.constant 0 : i32
        %dma_wait3A_120 = tpu.memref_slice %arg21[%dma_wait3A_118, %dma_wait3A_119] : memref<64x128xf32, #tpu.memory_space<vmem>> -> memref<32x128xf32, #tpu.memory_space<vmem>>
        %dma_wait3A_121 = arith.constant 0 : i32
        %dma_wait3A_122 = arith.constant 0 : i32
        %dma_wait3A_123 = tpu.memref_slice %arg14[%dma_wait3A_121, %dma_wait3A_122] : memref<80x128xf32, #tpu.memory_space<vmem_shared>> -> memref<80x128xf32, #tpu.memory_space<vmem_shared>>
        tpu.wait_indirect_dma semaphore(%run_scoped3A : memref<!tpu.dma_semaphore, #tpu.memory_space<semaphore_mem>>) src(%dma_wait3A_120 : memref<32x128xf32, #tpu.memory_space<vmem>>) dst(%dma_wait3A_123 : memref<80x128xf32, #tpu.memory_space<vmem_shared>>)
        tpu.yield
      }) : () -> ()
    } else {
    }
    %eq3A_29 = arith.constant 1 : i32
    %eq3A_30 = arith.cmpi eq, %arg0, %eq3A_29 : i32
    %convert_element_type3A_31 = arith.extui %eq3A_30 : i1 to i32
    %cond3A_32 = arith.constant 0 : i32
    %cond3A_33 = arith.cmpi ne, %convert_element_type3A_31, %cond3A_32 : i32
    scf.if %cond3A_33 {
      %mul3A_45 = arith.constant 20000 : i32
      %mul3A_46 = arith.muli %arg1, %mul3A_45 : i32
      %dma_start3A = tpu.memref_slice %arg6[%mul3A_46] : memref<320000xi32, #tpu.memory_space<hbm>> -> memref<64xi32, #tpu.memory_space<hbm>>
      %dma_start3A_47 = tpu.memref_slice %arg6[%mul3A_46] : memref<320000xi32, #tpu.memory_space<hbm>> -> memref<64xi32, #tpu.memory_space<hbm>>
      tpu.enqueue_dma source(%dma_start3A_47 : memref<64xi32, #tpu.memory_space<hbm>>) target(%arg16 : memref<64xi32, #tpu.memory_space<vmem>>) target_semaphore(%arg32 : memref<!tpu.dma_semaphore, #tpu.memory_space<semaphore_mem>>)
      %dma_start3A_48 = tpu.memref_slice %arg7[%mul3A_46] : memref<320000xi32, #tpu.memory_space<hbm>> -> memref<64xi32, #tpu.memory_space<hbm>>
      %dma_start3A_49 = tpu.memref_slice %arg7[%mul3A_46] : memref<320000xi32, #tpu.memory_space<hbm>> -> memref<64xi32, #tpu.memory_space<hbm>>
      tpu.enqueue_dma source(%dma_start3A_49 : memref<64xi32, #tpu.memory_space<hbm>>) target(%arg17 : memref<64xi32, #tpu.memory_space<vmem>>) target_semaphore(%arg33 : memref<!tpu.dma_semaphore, #tpu.memory_space<semaphore_mem>>)
      %scan3A_50 = arith.constant 0 : i32
      %scan3A_51 = arith.constant 0 : i32
      %scan3A_52 = arith.constant 4 : i32
      %scan3A_53 = arith.addi %scan3A_51, %scan3A_52 : i32
      %scan3A_54 = arith.constant 1 : i32
      %scan3A_55 = scf.for %scan3A_112 = %scan3A_51 to %scan3A_53 step %scan3A_54 iter_args(%scan3A_113 = %scan3A_50) -> (i32)  : i32 {
        %mul3A_114 = arith.constant 16 : i32
        %mul3A_115 = arith.muli %scan3A_112, %mul3A_114 : i32
        %iota3A = tpu.iota {dimensions = array<i32: 0>} : vector<16xi32>
        %add3A_116 = vector.broadcast %mul3A_115 : i32 to vector<16xi32>
        %add3A_117 = arith.addi %add3A_116, %iota3A : vector<16xi32>
        %mul3A_118 = arith.constant 16 : i32
        %mul3A_119 = arith.muli %scan3A_112, %mul3A_118 : i32
        %swap3A = arith.index_cast %mul3A_119 : i32 to index
        %swap3A_120 = tpu.vector_load %arg23[%swap3A] {strides = array<i32>} : memref<64xi32, #tpu.memory_space<vmem>>, vector<16xi32>,
        %swap3A_121 = vector.shape_cast %swap3A_120 : vector<16xi32> to vector<16xi32>
        %swap3A_122 = vector.shape_cast %add3A_117 : vector<16xi32> to vector<16xi32>
        tpu.vector_store %arg23[%swap3A], %swap3A_122 {strides = array<i32>} : memref<64xi32, #tpu.memory_space<vmem>>, vector<16xi32>,
        %mul3A_123 = arith.constant 16 : i32
        %mul3A_124 = arith.muli %scan3A_112, %mul3A_123 : i32
        %swap3A_125 = arith.index_cast %mul3A_124 : i32 to index
        %swap3A_126 = tpu.vector_load %arg24[%swap3A_125] {strides = array<i32>} : memref<64xi32, #tpu.memory_space<vmem>>, vector<16xi32>,
        %swap3A_127 = vector.shape_cast %swap3A_126 : vector<16xi32> to vector<16xi32>
        %swap3A_128 = vector.shape_cast %add3A_117 : vector<16xi32> to vector<16xi32>
        tpu.vector_store %arg24[%swap3A_125], %swap3A_128 {strides = array<i32>} : memref<64xi32, #tpu.memory_space<vmem>>, vector<16xi32>,
        %scan3A_129 = arith.constant 0 : i32
        scf.yield %scan3A_129 : i32
      }
      %scan3A_56 = arith.constant 4 : i32
      %dma_start3A_57 = arith.constant 0 : i32
      %dma_start3A_58 = arith.constant 0 : i32
      %dma_start3A_59 = tpu.memref_slice %arg13[%dma_start3A_57, %dma_start3A_58] : memref<10000x128xf32, #tpu.memory_space<vmem_shared>> -> memref<10000x128xf32, #tpu.memory_space<vmem_shared>>
      tpu.enqueue_indirect_dma source(%arg20 : memref<64x128xf32, #tpu.memory_space<vmem>>) target(%dma_start3A_59 : memref<10000x128xf32, #tpu.memory_space<vmem_shared>>) offsets(%arg23 : memref<64xi32, #tpu.memory_space<vmem>>) semaphore(%arg34 : memref<!tpu.dma_semaphore, #tpu.memory_space<semaphore_mem>>) {add = true}
      %dma_start3A_60 = arith.constant 0 : i32
      %dma_start3A_61 = arith.constant 0 : i32
      %dma_start3A_62 = tpu.memref_slice %arg14[%dma_start3A_60, %dma_start3A_61] : memref<80x128xf32, #tpu.memory_space<vmem_shared>> -> memref<80x128xf32, #tpu.memory_space<vmem_shared>>
      tpu.enqueue_indirect_dma source(%arg21 : memref<64x128xf32, #tpu.memory_space<vmem>>) target(%dma_start3A_62 : memref<80x128xf32, #tpu.memory_space<vmem_shared>>) offsets(%arg24 : memref<64xi32, #tpu.memory_space<vmem>>) semaphore(%arg35 : memref<!tpu.dma_semaphore, #tpu.memory_space<semaphore_mem>>) {add = true}
      %scan3A_63 = arith.constant 0 : i32
      %scan3A_64 = arith.constant 0 : i32
      %scan3A_65 = arith.constant 156 : i32
      %scan3A_66 = arith.addi %scan3A_64, %scan3A_65 : i32
      %scan3A_67 = arith.constant 1 : i32
      %scan3A_68 = scf.for %scan3A_112 = %scan3A_64 to %scan3A_66 step %scan3A_67 iter_args(%scan3A_113 = %scan3A_63) -> (i32)  : i32 {
        %mul3A_114 = arith.constant 2 : i32
        %mul3A_115 = arith.muli %mul3A_114, %scan3A_112 : i32
        %mul3A_116 = arith.constant 64 : i32
        %mul3A_117 = arith.muli %mul3A_115, %mul3A_116 : i32
        %add3A_118 = arith.addi %mul3A_46, %mul3A_117 : i32
        %add3A_119 = arith.constant 64 : i32
        %add3A_120 = arith.addi %add3A_118, %add3A_119 : i32
        %min3A_121 = arith.constant 319936 : i32
        %min3A_122 = arith.minsi %add3A_120, %min3A_121 : i32
        %dma_wait3A_123 = tpu.memref_slice %arg6[%add3A_118] : memref<320000xi32, #tpu.memory_space<hbm>> -> memref<64xi32, #tpu.memory_space<hbm>>
        %dma_wait3A_124 = tpu.memref_slice %arg6[%add3A_118] : memref<320000xi32, #tpu.memory_space<hbm>> -> memref<64xi32, #tpu.memory_space<hbm>>
        tpu.wait_dma2 semaphore(%arg32 : memref<!tpu.dma_semaphore, #tpu.memory_space<semaphore_mem>>) src(%dma_wait3A_124 : memref<64xi32, #tpu.memory_space<hbm>>) dst(%arg16 : memref<64xi32, #tpu.memory_space<vmem>>)
        %dma_wait3A_125 = tpu.memref_slice %arg7[%add3A_118] : memref<320000xi32, #tpu.memory_space<hbm>> -> memref<64xi32, #tpu.memory_space<hbm>>
        %dma_wait3A_126 = tpu.memref_slice %arg7[%add3A_118] : memref<320000xi32, #tpu.memory_space<hbm>> -> memref<64xi32, #tpu.memory_space<hbm>>
        tpu.wait_dma2 semaphore(%arg33 : memref<!tpu.dma_semaphore, #tpu.memory_space<semaphore_mem>>) src(%dma_wait3A_126 : memref<64xi32, #tpu.memory_space<hbm>>) dst(%arg17 : memref<64xi32, #tpu.memory_space<vmem>>)
        %scan3A_127 = arith.constant 0 : i32
        %scan3A_128 = arith.constant 0 : i32
        %scan3A_129 = arith.constant 4 : i32
        %scan3A_130 = arith.addi %scan3A_128, %scan3A_129 : i32
        %scan3A_131 = arith.constant 1 : i32
        %scan3A_132 = scf.for %scan3A_213 = %scan3A_128 to %scan3A_130 step %scan3A_131 iter_args(%scan3A_214 = %scan3A_127) -> (i32)  : i32 {
          %mul3A_215 = arith.constant 16 : i32
          %mul3A_216 = arith.muli %scan3A_213, %mul3A_215 : i32
          %get3A = arith.index_cast %mul3A_216 : i32 to index
          %get3A_217 = tpu.vector_load %arg17[%get3A] {strides = array<i32>} : memref<64xi32, #tpu.memory_space<vmem>>, vector<16xi32>,
          %get3A_218 = vector.shape_cast %get3A_217 : vector<16xi32> to vector<16xi32>
          %shift_right_arithmetic3A = arith.constant 7 : i32
          %shift_right_arithmetic3A_219 = vector.broadcast %shift_right_arithmetic3A : i32 to vector<16xi32>
          %shift_right_arithmetic3A_220 = arith.shrsi %get3A_218, %shift_right_arithmetic3A_219 : vector<16xi32>
          %mul3A_221 = arith.constant 16 : i32
          %mul3A_222 = arith.muli %scan3A_213, %mul3A_221 : i32
          %swap3A = arith.index_cast %mul3A_222 : i32 to index
          %swap3A_223 = tpu.vector_load %arg18[%swap3A] {strides = array<i32>} : memref<64xi32, #tpu.memory_space<vmem>>, vector<16xi32>,
          %swap3A_224 = vector.shape_cast %swap3A_223 : vector<16xi32> to vector<16xi32>
          %swap3A_225 = vector.shape_cast %shift_right_arithmetic3A_220 : vector<16xi32> to vector<16xi32>
          tpu.vector_store %arg18[%swap3A], %swap3A_225 {strides = array<i32>} : memref<64xi32, #tpu.memory_space<vmem>>, vector<16xi32>,
          %and3A = arith.constant 127 : i32
          %and3A_226 = vector.broadcast %and3A : i32 to vector<16xi32>
          %and3A_227 = arith.andi %get3A_218, %and3A_226 : vector<16xi32>
          %mul3A_228 = arith.constant 16 : i32
          %mul3A_229 = arith.muli %scan3A_213, %mul3A_228 : i32
          %swap3A_230 = arith.index_cast %mul3A_229 : i32 to index
          %swap3A_231 = tpu.vector_load %arg19[%swap3A_230] {strides = array<i32>} : memref<64xi32, #tpu.memory_space<vmem>>, vector<16xi32>,
          %swap3A_232 = vector.shape_cast %swap3A_231 : vector<16xi32> to vector<16xi32>
          %swap3A_233 = vector.shape_cast %and3A_227 : vector<16xi32> to vector<16xi32>
          tpu.vector_store %arg19[%swap3A_230], %swap3A_233 {strides = array<i32>} : memref<64xi32, #tpu.memory_space<vmem>>, vector<16xi32>,
          %scan3A_234 = arith.constant 0 : i32
          scf.yield %scan3A_234 : i32
        }
        %scan3A_133 = arith.constant 4 : i32
        %dma_wait3A_134 = arith.constant 0 : i32
        %dma_wait3A_135 = arith.constant 0 : i32
        %dma_wait3A_136 = tpu.memref_slice %arg13[%dma_wait3A_134, %dma_wait3A_135] : memref<10000x128xf32, #tpu.memory_space<vmem_shared>> -> memref<10000x128xf32, #tpu.memory_space<vmem_shared>>
        tpu.wait_indirect_dma semaphore(%arg34 : memref<!tpu.dma_semaphore, #tpu.memory_space<semaphore_mem>>) src(%arg20 : memref<64x128xf32, #tpu.memory_space<vmem>>) dst(%dma_wait3A_136 : memref<10000x128xf32, #tpu.memory_space<vmem_shared>>)
        %dma_wait3A_137 = arith.constant 0 : i32
        %dma_wait3A_138 = arith.constant 0 : i32
        %dma_wait3A_139 = tpu.memref_slice %arg14[%dma_wait3A_137, %dma_wait3A_138] : memref<80x128xf32, #tpu.memory_space<vmem_shared>> -> memref<80x128xf32, #tpu.memory_space<vmem_shared>>
        tpu.wait_indirect_dma semaphore(%arg35 : memref<!tpu.dma_semaphore, #tpu.memory_space<semaphore_mem>>) src(%arg21 : memref<64x128xf32, #tpu.memory_space<vmem>>) dst(%dma_wait3A_139 : memref<80x128xf32, #tpu.memory_space<vmem_shared>>)
        %dma_start3A_140 = tpu.memref_slice %arg6[%min3A_122] : memref<320000xi32, #tpu.memory_space<hbm>> -> memref<64xi32, #tpu.memory_space<hbm>>
        %dma_start3A_141 = tpu.memref_slice %arg6[%min3A_122] : memref<320000xi32, #tpu.memory_space<hbm>> -> memref<64xi32, #tpu.memory_space<hbm>>
        tpu.enqueue_dma source(%dma_start3A_141 : memref<64xi32, #tpu.memory_space<hbm>>) target(%arg22 : memref<64xi32, #tpu.memory_space<vmem>>) target_semaphore(%arg32 : memref<!tpu.dma_semaphore, #tpu.memory_space<semaphore_mem>>)
        %dma_start3A_142 = tpu.memref_slice %arg7[%min3A_122] : memref<320000xi32, #tpu.memory_space<hbm>> -> memref<64xi32, #tpu.memory_space<hbm>>
        %dma_start3A_143 = tpu.memref_slice %arg7[%min3A_122] : memref<320000xi32, #tpu.memory_space<hbm>> -> memref<64xi32, #tpu.memory_space<hbm>>
        tpu.enqueue_dma source(%dma_start3A_143 : memref<64xi32, #tpu.memory_space<hbm>>) target(%arg23 : memref<64xi32, #tpu.memory_space<vmem>>) target_semaphore(%arg33 : memref<!tpu.dma_semaphore, #tpu.memory_space<semaphore_mem>>)
        %dma_start3A_144 = arith.constant 0 : i32
        %dma_start3A_145 = arith.constant 0 : i32
        %dma_start3A_146 = tpu.memref_slice %arg3[%dma_start3A_144, %dma_start3A_145] : memref<10000x128xf32, #tpu.memory_space<hbm>> -> memref<10000x128xf32, #tpu.memory_space<hbm>>
        tpu.enqueue_indirect_dma source(%dma_start3A_146 : memref<10000x128xf32, #tpu.memory_space<hbm>>) target(%arg20 : memref<64x128xf32, #tpu.memory_space<vmem>>) offsets(%arg16 : memref<64xi32, #tpu.memory_space<vmem>>) semaphore(%arg30 : memref<!tpu.dma_semaphore, #tpu.memory_space<semaphore_mem>>)
        %dma_start3A_147 = arith.constant 0 : i32
        %dma_start3A_148 = arith.constant 0 : i32
        %dma_start3A_149 = tpu.memref_slice %arg15[%dma_start3A_147, %dma_start3A_148] : memref<128x128xf32, #tpu.memory_space<vmem_shared>> -> memref<128x128xf32, #tpu.memory_space<vmem_shared>>
        tpu.enqueue_indirect_dma source(%dma_start3A_149 : memref<128x128xf32, #tpu.memory_space<vmem_shared>>) target(%arg21 : memref<64x128xf32, #tpu.memory_space<vmem>>) offsets(%arg19 : memref<64xi32, #tpu.memory_space<vmem>>) semaphore(%arg31 : memref<!tpu.dma_semaphore, #tpu.memory_space<semaphore_mem>>)
        %dma_wait3A_150 = arith.constant 0 : i32
        %dma_wait3A_151 = arith.constant 0 : i32
        %dma_wait3A_152 = tpu.memref_slice %arg3[%dma_wait3A_150, %dma_wait3A_151] : memref<10000x128xf32, #tpu.memory_space<hbm>> -> memref<10000x128xf32, #tpu.memory_space<hbm>>
        tpu.wait_indirect_dma semaphore(%arg30 : memref<!tpu.dma_semaphore, #tpu.memory_space<semaphore_mem>>) src(%dma_wait3A_152 : memref<10000x128xf32, #tpu.memory_space<hbm>>) dst(%arg20 : memref<64x128xf32, #tpu.memory_space<vmem>>)
        %dma_start3A_153 = arith.constant 0 : i32
        %dma_start3A_154 = arith.constant 0 : i32
        %dma_start3A_155 = tpu.memref_slice %arg13[%dma_start3A_153, %dma_start3A_154] : memref<10000x128xf32, #tpu.memory_space<vmem_shared>> -> memref<10000x128xf32, #tpu.memory_space<vmem_shared>>
        tpu.enqueue_indirect_dma source(%arg20 : memref<64x128xf32, #tpu.memory_space<vmem>>) target(%dma_start3A_155 : memref<10000x128xf32, #tpu.memory_space<vmem_shared>>) offsets(%arg17 : memref<64xi32, #tpu.memory_space<vmem>>) semaphore(%arg34 : memref<!tpu.dma_semaphore, #tpu.memory_space<semaphore_mem>>) {add = true}
        %dma_wait3A_156 = arith.constant 0 : i32
        %dma_wait3A_157 = arith.constant 0 : i32
        %dma_wait3A_158 = tpu.memref_slice %arg15[%dma_wait3A_156, %dma_wait3A_157] : memref<128x128xf32, #tpu.memory_space<vmem_shared>> -> memref<128x128xf32, #tpu.memory_space<vmem_shared>>
        tpu.wait_indirect_dma semaphore(%arg31 : memref<!tpu.dma_semaphore, #tpu.memory_space<semaphore_mem>>) src(%dma_wait3A_158 : memref<128x128xf32, #tpu.memory_space<vmem_shared>>) dst(%arg21 : memref<64x128xf32, #tpu.memory_space<vmem>>)
        %dma_start3A_159 = arith.constant 0 : i32
        %dma_start3A_160 = arith.constant 0 : i32
        %dma_start3A_161 = tpu.memref_slice %arg14[%dma_start3A_159, %dma_start3A_160] : memref<80x128xf32, #tpu.memory_space<vmem_shared>> -> memref<80x128xf32, #tpu.memory_space<vmem_shared>>
        tpu.enqueue_indirect_dma source(%arg21 : memref<64x128xf32, #tpu.memory_space<vmem>>) target(%dma_start3A_161 : memref<80x128xf32, #tpu.memory_space<vmem_shared>>) offsets(%arg18 : memref<64xi32, #tpu.memory_space<vmem>>) semaphore(%arg35 : memref<!tpu.dma_semaphore, #tpu.memory_space<semaphore_mem>>) {add = true}
        %mul3A_162 = arith.constant 2 : i32
        %mul3A_163 = arith.muli %mul3A_162, %scan3A_112 : i32
        %add3A_164 = arith.constant 1 : i32
        %add3A_165 = arith.addi %mul3A_163, %add3A_164 : i32
        %mul3A_166 = arith.constant 64 : i32
        %mul3A_167 = arith.muli %add3A_165, %mul3A_166 : i32
        %add3A_168 = arith.addi %mul3A_46, %mul3A_167 : i32
        %add3A_169 = arith.constant 64 : i32
        %add3A_170 = arith.addi %add3A_168, %add3A_169 : i32
        %min3A_171 = arith.constant 319936 : i32
        %min3A_172 = arith.minsi %add3A_170, %min3A_171 : i32
        %dma_wait3A_173 = tpu.memref_slice %arg6[%add3A_168] : memref<320000xi32, #tpu.memory_space<hbm>> -> memref<64xi32, #tpu.memory_space<hbm>>
        %dma_wait3A_174 = tpu.memref_slice %arg6[%add3A_168] : memref<320000xi32, #tpu.memory_space<hbm>> -> memref<64xi32, #tpu.memory_space<hbm>>
        tpu.wait_dma2 semaphore(%arg32 : memref<!tpu.dma_semaphore, #tpu.memory_space<semaphore_mem>>) src(%dma_wait3A_174 : memref<64xi32, #tpu.memory_space<hbm>>) dst(%arg22 : memref<64xi32, #tpu.memory_space<vmem>>)
        %dma_wait3A_175 = tpu.memref_slice %arg7[%add3A_168] : memref<320000xi32, #tpu.memory_space<hbm>> -> memref<64xi32, #tpu.memory_space<hbm>>
        %dma_wait3A_176 = tpu.memref_slice %arg7[%add3A_168] : memref<320000xi32, #tpu.memory_space<hbm>> -> memref<64xi32, #tpu.memory_space<hbm>>
        tpu.wait_dma2 semaphore(%arg33 : memref<!tpu.dma_semaphore, #tpu.memory_space<semaphore_mem>>) src(%dma_wait3A_176 : memref<64xi32, #tpu.memory_space<hbm>>) dst(%arg23 : memref<64xi32, #tpu.memory_space<vmem>>)
        %scan3A_177 = arith.constant 0 : i32
        %scan3A_178 = arith.constant 0 : i32
        %scan3A_179 = arith.constant 4 : i32
        %scan3A_180 = arith.addi %scan3A_178, %scan3A_179 : i32
        %scan3A_181 = arith.constant 1 : i32
        %scan3A_182 = scf.for %scan3A_213 = %scan3A_178 to %scan3A_180 step %scan3A_181 iter_args(%scan3A_214 = %scan3A_177) -> (i32)  : i32 {
          %mul3A_215 = arith.constant 16 : i32
          %mul3A_216 = arith.muli %scan3A_213, %mul3A_215 : i32
          %get3A = arith.index_cast %mul3A_216 : i32 to index
          %get3A_217 = tpu.vector_load %arg23[%get3A] {strides = array<i32>} : memref<64xi32, #tpu.memory_space<vmem>>, vector<16xi32>,
          %get3A_218 = vector.shape_cast %get3A_217 : vector<16xi32> to vector<16xi32>
          %shift_right_arithmetic3A = arith.constant 7 : i32
          %shift_right_arithmetic3A_219 = vector.broadcast %shift_right_arithmetic3A : i32 to vector<16xi32>
          %shift_right_arithmetic3A_220 = arith.shrsi %get3A_218, %shift_right_arithmetic3A_219 : vector<16xi32>
          %mul3A_221 = arith.constant 16 : i32
          %mul3A_222 = arith.muli %scan3A_213, %mul3A_221 : i32
          %swap3A = arith.index_cast %mul3A_222 : i32 to index
          %swap3A_223 = tpu.vector_load %arg24[%swap3A] {strides = array<i32>} : memref<64xi32, #tpu.memory_space<vmem>>, vector<16xi32>,
          %swap3A_224 = vector.shape_cast %swap3A_223 : vector<16xi32> to vector<16xi32>
          %swap3A_225 = vector.shape_cast %shift_right_arithmetic3A_220 : vector<16xi32> to vector<16xi32>
          tpu.vector_store %arg24[%swap3A], %swap3A_225 {strides = array<i32>} : memref<64xi32, #tpu.memory_space<vmem>>, vector<16xi32>,
          %and3A = arith.constant 127 : i32
          %and3A_226 = vector.broadcast %and3A : i32 to vector<16xi32>
          %and3A_227 = arith.andi %get3A_218, %and3A_226 : vector<16xi32>
          %mul3A_228 = arith.constant 16 : i32
          %mul3A_229 = arith.muli %scan3A_213, %mul3A_228 : i32
          %swap3A_230 = arith.index_cast %mul3A_229 : i32 to index
          %swap3A_231 = tpu.vector_load %arg25[%swap3A_230] {strides = array<i32>} : memref<64xi32, #tpu.memory_space<vmem>>, vector<16xi32>,
          %swap3A_232 = vector.shape_cast %swap3A_231 : vector<16xi32> to vector<16xi32>
          %swap3A_233 = vector.shape_cast %and3A_227 : vector<16xi32> to vector<16xi32>
          tpu.vector_store %arg25[%swap3A_230], %swap3A_233 {strides = array<i32>} : memref<64xi32, #tpu.memory_space<vmem>>, vector<16xi32>,
          %scan3A_234 = arith.constant 0 : i32
          scf.yield %scan3A_234 : i32
        }
        %scan3A_183 = arith.constant 4 : i32
        %dma_wait3A_184 = arith.constant 0 : i32
        %dma_wait3A_185 = arith.constant 0 : i32
        %dma_wait3A_186 = tpu.memref_slice %arg13[%dma_wait3A_184, %dma_wait3A_185] : memref<10000x128xf32, #tpu.memory_space<vmem_shared>> -> memref<10000x128xf32, #tpu.memory_space<vmem_shared>>
        tpu.wait_indirect_dma semaphore(%arg34 : memref<!tpu.dma_semaphore, #tpu.memory_space<semaphore_mem>>) src(%arg20 : memref<64x128xf32, #tpu.memory_space<vmem>>) dst(%dma_wait3A_186 : memref<10000x128xf32, #tpu.memory_space<vmem_shared>>)
        %dma_wait3A_187 = arith.constant 0 : i32
        %dma_wait3A_188 = arith.constant 0 : i32
        %dma_wait3A_189 = tpu.memref_slice %arg14[%dma_wait3A_187, %dma_wait3A_188] : memref<80x128xf32, #tpu.memory_space<vmem_shared>> -> memref<80x128xf32, #tpu.memory_space<vmem_shared>>
        tpu.wait_indirect_dma semaphore(%arg35 : memref<!tpu.dma_semaphore, #tpu.memory_space<semaphore_mem>>) src(%arg21 : memref<64x128xf32, #tpu.memory_space<vmem>>) dst(%dma_wait3A_189 : memref<80x128xf32, #tpu.memory_space<vmem_shared>>)
        %dma_start3A_190 = tpu.memref_slice %arg6[%min3A_172] : memref<320000xi32, #tpu.memory_space<hbm>> -> memref<64xi32, #tpu.memory_space<hbm>>
        %dma_start3A_191 = tpu.memref_slice %arg6[%min3A_172] : memref<320000xi32, #tpu.memory_space<hbm>> -> memref<64xi32, #tpu.memory_space<hbm>>
        tpu.enqueue_dma source(%dma_start3A_191 : memref<64xi32, #tpu.memory_space<hbm>>) target(%arg16 : memref<64xi32, #tpu.memory_space<vmem>>) target_semaphore(%arg32 : memref<!tpu.dma_semaphore, #tpu.memory_space<semaphore_mem>>)
        %dma_start3A_192 = tpu.memref_slice %arg7[%min3A_172] : memref<320000xi32, #tpu.memory_space<hbm>> -> memref<64xi32, #tpu.memory_space<hbm>>
        %dma_start3A_193 = tpu.memref_slice %arg7[%min3A_172] : memref<320000xi32, #tpu.memory_space<hbm>> -> memref<64xi32, #tpu.memory_space<hbm>>
        tpu.enqueue_dma source(%dma_start3A_193 : memref<64xi32, #tpu.memory_space<hbm>>) target(%arg17 : memref<64xi32, #tpu.memory_space<vmem>>) target_semaphore(%arg33 : memref<!tpu.dma_semaphore, #tpu.memory_space<semaphore_mem>>)
        %dma_start3A_194 = arith.constant 0 : i32
        %dma_start3A_195 = arith.constant 0 : i32
        %dma_start3A_196 = tpu.memref_slice %arg3[%dma_start3A_194, %dma_start3A_195] : memref<10000x128xf32, #tpu.memory_space<hbm>> -> memref<10000x128xf32, #tpu.memory_space<hbm>>
        tpu.enqueue_indirect_dma source(%dma_start3A_196 : memref<10000x128xf32, #tpu.memory_space<hbm>>) target(%arg20 : memref<64x128xf32, #tpu.memory_space<vmem>>) offsets(%arg22 : memref<64xi32, #tpu.memory_space<vmem>>) semaphore(%arg30 : memref<!tpu.dma_semaphore, #tpu.memory_space<semaphore_mem>>)
        %dma_start3A_197 = arith.constant 0 : i32
        %dma_start3A_198 = arith.constant 0 : i32
        %dma_start3A_199 = tpu.memref_slice %arg15[%dma_start3A_197, %dma_start3A_198] : memref<128x128xf32, #tpu.memory_space<vmem_shared>> -> memref<128x128xf32, #tpu.memory_space<vmem_shared>>
        tpu.enqueue_indirect_dma source(%dma_start3A_199 : memref<128x128xf32, #tpu.memory_space<vmem_shared>>) target(%arg21 : memref<64x128xf32, #tpu.memory_space<vmem>>) offsets(%arg25 : memref<64xi32, #tpu.memory_space<vmem>>) semaphore(%arg31 : memref<!tpu.dma_semaphore, #tpu.memory_space<semaphore_mem>>)
        %dma_wait3A_200 = arith.constant 0 : i32
        %dma_wait3A_201 = arith.constant 0 : i32
        %dma_wait3A_202 = tpu.memref_slice %arg3[%dma_wait3A_200, %dma_wait3A_201] : memref<10000x128xf32, #tpu.memory_space<hbm>> -> memref<10000x128xf32, #tpu.memory_space<hbm>>
        tpu.wait_indirect_dma semaphore(%arg30 : memref<!tpu.dma_semaphore, #tpu.memory_space<semaphore_mem>>) src(%dma_wait3A_202 : memref<10000x128xf32, #tpu.memory_space<hbm>>) dst(%arg20 : memref<64x128xf32, #tpu.memory_space<vmem>>)
        %dma_start3A_203 = arith.constant 0 : i32
        %dma_start3A_204 = arith.constant 0 : i32
        %dma_start3A_205 = tpu.memref_slice %arg13[%dma_start3A_203, %dma_start3A_204] : memref<10000x128xf32, #tpu.memory_space<vmem_shared>> -> memref<10000x128xf32, #tpu.memory_space<vmem_shared>>
        tpu.enqueue_indirect_dma source(%arg20 : memref<64x128xf32, #tpu.memory_space<vmem>>) target(%dma_start3A_205 : memref<10000x128xf32, #tpu.memory_space<vmem_shared>>) offsets(%arg23 : memref<64xi32, #tpu.memory_space<vmem>>) semaphore(%arg34 : memref<!tpu.dma_semaphore, #tpu.memory_space<semaphore_mem>>) {add = true}
        %dma_wait3A_206 = arith.constant 0 : i32
        %dma_wait3A_207 = arith.constant 0 : i32
        %dma_wait3A_208 = tpu.memref_slice %arg15[%dma_wait3A_206, %dma_wait3A_207] : memref<128x128xf32, #tpu.memory_space<vmem_shared>> -> memref<128x128xf32, #tpu.memory_space<vmem_shared>>
        tpu.wait_indirect_dma semaphore(%arg31 : memref<!tpu.dma_semaphore, #tpu.memory_space<semaphore_mem>>) src(%dma_wait3A_208 : memref<128x128xf32, #tpu.memory_space<vmem_shared>>) dst(%arg21 : memref<64x128xf32, #tpu.memory_space<vmem>>)
        %dma_start3A_209 = arith.constant 0 : i32
        %dma_start3A_210 = arith.constant 0 : i32
        %dma_start3A_211 = tpu.memref_slice %arg14[%dma_start3A_209, %dma_start3A_210] : memref<80x128xf32, #tpu.memory_space<vmem_shared>> -> memref<80x128xf32, #tpu.memory_space<vmem_shared>>
        tpu.enqueue_indirect_dma source(%arg21 : memref<64x128xf32, #tpu.memory_space<vmem>>) target(%dma_start3A_211 : memref<80x128xf32, #tpu.memory_space<vmem_shared>>) offsets(%arg24 : memref<64xi32, #tpu.memory_space<vmem>>) semaphore(%arg35 : memref<!tpu.dma_semaphore, #tpu.memory_space<semaphore_mem>>) {add = true}
        %scan3A_212 = arith.constant 0 : i32
        scf.yield %scan3A_212 : i32
      }
      %scan3A_69 = arith.constant 156 : i32
      %dma_wait3A = arith.constant 0 : i32
      %dma_wait3A_70 = arith.constant 0 : i32
      %dma_wait3A_71 = tpu.memref_slice %arg13[%dma_wait3A, %dma_wait3A_70] : memref<10000x128xf32, #tpu.memory_space<vmem_shared>> -> memref<10000x128xf32, #tpu.memory_space<vmem_shared>>
      tpu.wait_indirect_dma semaphore(%arg34 : memref<!tpu.dma_semaphore, #tpu.memory_space<semaphore_mem>>) src(%arg20 : memref<64x128xf32, #tpu.memory_space<vmem>>) dst(%dma_wait3A_71 : memref<10000x128xf32, #tpu.memory_space<vmem_shared>>)
      %dma_wait3A_72 = arith.constant 0 : i32
      %dma_wait3A_73 = arith.constant 0 : i32
      %dma_wait3A_74 = tpu.memref_slice %arg14[%dma_wait3A_72, %dma_wait3A_73] : memref<80x128xf32, #tpu.memory_space<vmem_shared>> -> memref<80x128xf32, #tpu.memory_space<vmem_shared>>
      tpu.wait_indirect_dma semaphore(%arg35 : memref<!tpu.dma_semaphore, #tpu.memory_space<semaphore_mem>>) src(%arg21 : memref<64x128xf32, #tpu.memory_space<vmem>>) dst(%dma_wait3A_74 : memref<80x128xf32, #tpu.memory_space<vmem_shared>>)
      %dma_wait3A_75 = tpu.memref_slice %arg6[%mul3A_46] : memref<320000xi32, #tpu.memory_space<hbm>> -> memref<64xi32, #tpu.memory_space<hbm>>
      %dma_wait3A_76 = tpu.memref_slice %arg6[%mul3A_46] : memref<320000xi32, #tpu.memory_space<hbm>> -> memref<64xi32, #tpu.memory_space<hbm>>
      tpu.wait_dma2 semaphore(%arg32 : memref<!tpu.dma_semaphore, #tpu.memory_space<semaphore_mem>>) src(%dma_wait3A_76 : memref<64xi32, #tpu.memory_space<hbm>>) dst(%arg16 : memref<64xi32, #tpu.memory_space<vmem>>)
      %dma_wait3A_77 = tpu.memref_slice %arg7[%mul3A_46] : memref<320000xi32, #tpu.memory_space<hbm>> -> memref<64xi32, #tpu.memory_space<hbm>>
      %dma_wait3A_78 = tpu.memref_slice %arg7[%mul3A_46] : memref<320000xi32, #tpu.memory_space<hbm>> -> memref<64xi32, #tpu.memory_space<hbm>>
      tpu.wait_dma2 semaphore(%arg33 : memref<!tpu.dma_semaphore, #tpu.memory_space<semaphore_mem>>) src(%dma_wait3A_78 : memref<64xi32, #tpu.memory_space<hbm>>) dst(%arg17 : memref<64xi32, #tpu.memory_space<vmem>>)
      %add3A_79 = arith.constant 19968 : i32
      %add3A_80 = arith.addi %mul3A_46, %add3A_79 : i32
      "tpu.region"() ({
        %run_scoped3A = tpu.sem_alloc : memref<!tpu.dma_semaphore, #tpu.memory_space<semaphore_mem>>
        %dma_start3A_112 = tpu.memref_slice %arg6[%add3A_80] : memref<320000xi32, #tpu.memory_space<hbm>> -> memref<32xi32, #tpu.memory_space<hbm>>
        %dma_start3A_113 = tpu.memref_slice %arg6[%add3A_80] : memref<320000xi32, #tpu.memory_space<hbm>> -> memref<32xi32, #tpu.memory_space<hbm>>
        tpu.enqueue_dma source(%dma_start3A_113 : memref<32xi32, #tpu.memory_space<hbm>>) target(%arg26 : memref<32xi32, #tpu.memory_space<vmem>>) target_semaphore(%run_scoped3A : memref<!tpu.dma_semaphore, #tpu.memory_space<semaphore_mem>>)
        %dma_wait3A_114 = tpu.memref_slice %arg6[%add3A_80] : memref<320000xi32, #tpu.memory_space<hbm>> -> memref<32xi32, #tpu.memory_space<hbm>>
        %dma_wait3A_115 = tpu.memref_slice %arg6[%add3A_80] : memref<320000xi32, #tpu.memory_space<hbm>> -> memref<32xi32, #tpu.memory_space<hbm>>
        tpu.wait_dma2 semaphore(%run_scoped3A : memref<!tpu.dma_semaphore, #tpu.memory_space<semaphore_mem>>) src(%dma_wait3A_115 : memref<32xi32, #tpu.memory_space<hbm>>) dst(%arg26 : memref<32xi32, #tpu.memory_space<vmem>>)
        tpu.yield
      }) : () -> ()
      "tpu.region"() ({
        %run_scoped3A = tpu.sem_alloc : memref<!tpu.dma_semaphore, #tpu.memory_space<semaphore_mem>>
        %dma_start3A_112 = tpu.memref_slice %arg7[%add3A_80] : memref<320000xi32, #tpu.memory_space<hbm>> -> memref<32xi32, #tpu.memory_space<hbm>>
        %dma_start3A_113 = tpu.memref_slice %arg7[%add3A_80] : memref<320000xi32, #tpu.memory_space<hbm>> -> memref<32xi32, #tpu.memory_space<hbm>>
        tpu.enqueue_dma source(%dma_start3A_113 : memref<32xi32, #tpu.memory_space<hbm>>) target(%arg27 : memref<32xi32, #tpu.memory_space<vmem>>) target_semaphore(%run_scoped3A : memref<!tpu.dma_semaphore, #tpu.memory_space<semaphore_mem>>)
        %dma_wait3A_114 = tpu.memref_slice %arg7[%add3A_80] : memref<320000xi32, #tpu.memory_space<hbm>> -> memref<32xi32, #tpu.memory_space<hbm>>
        %dma_wait3A_115 = tpu.memref_slice %arg7[%add3A_80] : memref<320000xi32, #tpu.memory_space<hbm>> -> memref<32xi32, #tpu.memory_space<hbm>>
        tpu.wait_dma2 semaphore(%run_scoped3A : memref<!tpu.dma_semaphore, #tpu.memory_space<semaphore_mem>>) src(%dma_wait3A_115 : memref<32xi32, #tpu.memory_space<hbm>>) dst(%arg27 : memref<32xi32, #tpu.memory_space<vmem>>)
        tpu.yield
      }) : () -> ()
      %scan3A_81 = arith.constant 0 : i32
      %scan3A_82 = arith.constant 0 : i32
      %scan3A_83 = arith.constant 2 : i32
      %scan3A_84 = arith.addi %scan3A_82, %scan3A_83 : i32
      %scan3A_85 = arith.constant 1 : i32
      %scan3A_86 = scf.for %scan3A_112 = %scan3A_82 to %scan3A_84 step %scan3A_85 iter_args(%scan3A_113 = %scan3A_81) -> (i32)  : i32 {
        %mul3A_114 = arith.constant 16 : i32
        %mul3A_115 = arith.muli %scan3A_112, %mul3A_114 : i32
        %get3A = arith.index_cast %mul3A_115 : i32 to index
        %get3A_116 = tpu.vector_load %arg27[%get3A] {strides = array<i32>} : memref<32xi32, #tpu.memory_space<vmem>>, vector<16xi32>,
        %get3A_117 = vector.shape_cast %get3A_116 : vector<16xi32> to vector<16xi32>
        %shift_right_arithmetic3A = arith.constant 7 : i32
        %shift_right_arithmetic3A_118 = vector.broadcast %shift_right_arithmetic3A : i32 to vector<16xi32>
        %shift_right_arithmetic3A_119 = arith.shrsi %get3A_117, %shift_right_arithmetic3A_118 : vector<16xi32>
        %mul3A_120 = arith.constant 16 : i32
        %mul3A_121 = arith.muli %scan3A_112, %mul3A_120 : i32
        %swap3A = arith.index_cast %mul3A_121 : i32 to index
        %swap3A_122 = tpu.vector_load %arg28[%swap3A] {strides = array<i32>} : memref<32xi32, #tpu.memory_space<vmem>>, vector<16xi32>,
        %swap3A_123 = vector.shape_cast %swap3A_122 : vector<16xi32> to vector<16xi32>
        %swap3A_124 = vector.shape_cast %shift_right_arithmetic3A_119 : vector<16xi32> to vector<16xi32>
        tpu.vector_store %arg28[%swap3A], %swap3A_124 {strides = array<i32>} : memref<32xi32, #tpu.memory_space<vmem>>, vector<16xi32>,
        %and3A = arith.constant 127 : i32
        %and3A_125 = vector.broadcast %and3A : i32 to vector<16xi32>
        %and3A_126 = arith.andi %get3A_117, %and3A_125 : vector<16xi32>
        %mul3A_127 = arith.constant 16 : i32
        %mul3A_128 = arith.muli %scan3A_112, %mul3A_127 : i32
        %swap3A_129 = arith.index_cast %mul3A_128 : i32 to index
        %swap3A_130 = tpu.vector_load %arg29[%swap3A_129] {strides = array<i32>} : memref<32xi32, #tpu.memory_space<vmem>>, vector<16xi32>,
        %swap3A_131 = vector.shape_cast %swap3A_130 : vector<16xi32> to vector<16xi32>
        %swap3A_132 = vector.shape_cast %and3A_126 : vector<16xi32> to vector<16xi32>
        tpu.vector_store %arg29[%swap3A_129], %swap3A_132 {strides = array<i32>} : memref<32xi32, #tpu.memory_space<vmem>>, vector<16xi32>,
        %scan3A_133 = arith.constant 0 : i32
        scf.yield %scan3A_133 : i32
      }
      %scan3A_87 = arith.constant 2 : i32
      %dma_start3A_88 = arith.constant 0 : i32
      %dma_start3A_89 = arith.constant 0 : i32
      %dma_start3A_90 = tpu.memref_slice %arg20[%dma_start3A_88, %dma_start3A_89] : memref<64x128xf32, #tpu.memory_space<vmem>> -> memref<32x128xf32, #tpu.memory_space<vmem>>
      %dma_start3A_91 = arith.constant 0 : i32
      %dma_start3A_92 = arith.constant 0 : i32
      %dma_start3A_93 = tpu.memref_slice %arg3[%dma_start3A_91, %dma_start3A_92] : memref<10000x128xf32, #tpu.memory_space<hbm>> -> memref<10000x128xf32, #tpu.memory_space<hbm>>
      tpu.enqueue_indirect_dma source(%dma_start3A_93 : memref<10000x128xf32, #tpu.memory_space<hbm>>) target(%dma_start3A_90 : memref<32x128xf32, #tpu.memory_space<vmem>>) offsets(%arg26 : memref<32xi32, #tpu.memory_space<vmem>>) semaphore(%arg30 : memref<!tpu.dma_semaphore, #tpu.memory_space<semaphore_mem>>)
      %dma_wait3A_94 = arith.constant 0 : i32
      %dma_wait3A_95 = arith.constant 0 : i32
      %dma_wait3A_96 = tpu.memref_slice %arg20[%dma_wait3A_94, %dma_wait3A_95] : memref<64x128xf32, #tpu.memory_space<vmem>> -> memref<32x128xf32, #tpu.memory_space<vmem>>
      %dma_wait3A_97 = arith.constant 0 : i32
      %dma_wait3A_98 = arith.constant 0 : i32
      %dma_wait3A_99 = tpu.memref_slice %arg3[%dma_wait3A_97, %dma_wait3A_98] : memref<10000x128xf32, #tpu.memory_space<hbm>> -> memref<10000x128xf32, #tpu.memory_space<hbm>>
      tpu.wait_indirect_dma semaphore(%arg30 : memref<!tpu.dma_semaphore, #tpu.memory_space<semaphore_mem>>) src(%dma_wait3A_99 : memref<10000x128xf32, #tpu.memory_space<hbm>>) dst(%dma_wait3A_96 : memref<32x128xf32, #tpu.memory_space<vmem>>)
      "tpu.region"() ({
        %run_scoped3A = tpu.sem_alloc : memref<!tpu.dma_semaphore, #tpu.memory_space<semaphore_mem>>
        %dma_start3A_112 = arith.constant 0 : i32
        %dma_start3A_113 = arith.constant 0 : i32
        %dma_start3A_114 = tpu.memref_slice %arg20[%dma_start3A_112, %dma_start3A_113] : memref<64x128xf32, #tpu.memory_space<vmem>> -> memref<32x128xf32, #tpu.memory_space<vmem>>
        %dma_start3A_115 = arith.constant 0 : i32
        %dma_start3A_116 = arith.constant 0 : i32
        %dma_start3A_117 = tpu.memref_slice %arg13[%dma_start3A_115, %dma_start3A_116] : memref<10000x128xf32, #tpu.memory_space<vmem_shared>> -> memref<10000x128xf32, #tpu.memory_space<vmem_shared>>
        tpu.enqueue_indirect_dma source(%dma_start3A_114 : memref<32x128xf32, #tpu.memory_space<vmem>>) target(%dma_start3A_117 : memref<10000x128xf32, #tpu.memory_space<vmem_shared>>) offsets(%arg27 : memref<32xi32, #tpu.memory_space<vmem>>) semaphore(%run_scoped3A : memref<!tpu.dma_semaphore, #tpu.memory_space<semaphore_mem>>) {add = true}
        %dma_wait3A_118 = arith.constant 0 : i32
        %dma_wait3A_119 = arith.constant 0 : i32
        %dma_wait3A_120 = tpu.memref_slice %arg20[%dma_wait3A_118, %dma_wait3A_119] : memref<64x128xf32, #tpu.memory_space<vmem>> -> memref<32x128xf32, #tpu.memory_space<vmem>>
        %dma_wait3A_121 = arith.constant 0 : i32
        %dma_wait3A_122 = arith.constant 0 : i32
        %dma_wait3A_123 = tpu.memref_slice %arg13[%dma_wait3A_121, %dma_wait3A_122] : memref<10000x128xf32, #tpu.memory_space<vmem_shared>> -> memref<10000x128xf32, #tpu.memory_space<vmem_shared>>
        tpu.wait_indirect_dma semaphore(%run_scoped3A : memref<!tpu.dma_semaphore, #tpu.memory_space<semaphore_mem>>) src(%dma_wait3A_120 : memref<32x128xf32, #tpu.memory_space<vmem>>) dst(%dma_wait3A_123 : memref<10000x128xf32, #tpu.memory_space<vmem_shared>>)
        tpu.yield
      }) : () -> ()
      %dma_start3A_100 = arith.constant 0 : i32
      %dma_start3A_101 = arith.constant 0 : i32
      %dma_start3A_102 = tpu.memref_slice %arg21[%dma_start3A_100, %dma_start3A_101] : memref<64x128xf32, #tpu.memory_space<vmem>> -> memref<32x128xf32, #tpu.memory_space<vmem>>
      %dma_start3A_103 = arith.constant 0 : i32
      %dma_start3A_104 = arith.constant 0 : i32
      %dma_start3A_105 = tpu.memref_slice %arg15[%dma_start3A_103, %dma_start3A_104] : memref<128x128xf32, #tpu.memory_space<vmem_shared>> -> memref<128x128xf32, #tpu.memory_space<vmem_shared>>
      tpu.enqueue_indirect_dma source(%dma_start3A_105 : memref<128x128xf32, #tpu.memory_space<vmem_shared>>) target(%dma_start3A_102 : memref<32x128xf32, #tpu.memory_space<vmem>>) offsets(%arg29 : memref<32xi32, #tpu.memory_space<vmem>>) semaphore(%arg31 : memref<!tpu.dma_semaphore, #tpu.memory_space<semaphore_mem>>)
      %dma_wait3A_106 = arith.constant 0 : i32
      %dma_wait3A_107 = arith.constant 0 : i32
      %dma_wait3A_108 = tpu.memref_slice %arg21[%dma_wait3A_106, %dma_wait3A_107] : memref<64x128xf32, #tpu.memory_space<vmem>> -> memref<32x128xf32, #tpu.memory_space<vmem>>
      %dma_wait3A_109 = arith.constant 0 : i32
      %dma_wait3A_110 = arith.constant 0 : i32
      %dma_wait3A_111 = tpu.memref_slice %arg15[%dma_wait3A_109, %dma_wait3A_110] : memref<128x128xf32, #tpu.memory_space<vmem_shared>> -> memref<128x128xf32, #tpu.memory_space<vmem_shared>>
      tpu.wait_indirect_dma semaphore(%arg31 : memref<!tpu.dma_semaphore, #tpu.memory_space<semaphore_mem>>) src(%dma_wait3A_111 : memref<128x128xf32, #tpu.memory_space<vmem_shared>>) dst(%dma_wait3A_108 : memref<32x128xf32, #tpu.memory_space<vmem>>)
      "tpu.region"() ({
        %run_scoped3A = tpu.sem_alloc : memref<!tpu.dma_semaphore, #tpu.memory_space<semaphore_mem>>
        %dma_start3A_112 = arith.constant 0 : i32
        %dma_start3A_113 = arith.constant 0 : i32
        %dma_start3A_114 = tpu.memref_slice %arg21[%dma_start3A_112, %dma_start3A_113] : memref<64x128xf32, #tpu.memory_space<vmem>> -> memref<32x128xf32, #tpu.memory_space<vmem>>
        %dma_start3A_115 = arith.constant 0 : i32
        %dma_start3A_116 = arith.constant 0 : i32
        %dma_start3A_117 = tpu.memref_slice %arg14[%dma_start3A_115, %dma_start3A_116] : memref<80x128xf32, #tpu.memory_space<vmem_shared>> -> memref<80x128xf32, #tpu.memory_space<vmem_shared>>
        tpu.enqueue_indirect_dma source(%dma_start3A_114 : memref<32x128xf32, #tpu.memory_space<vmem>>) target(%dma_start3A_117 : memref<80x128xf32, #tpu.memory_space<vmem_shared>>) offsets(%arg28 : memref<32xi32, #tpu.memory_space<vmem>>) semaphore(%run_scoped3A : memref<!tpu.dma_semaphore, #tpu.memory_space<semaphore_mem>>) {add = true}
        %dma_wait3A_118 = arith.constant 0 : i32
        %dma_wait3A_119 = arith.constant 0 : i32
        %dma_wait3A_120 = tpu.memref_slice %arg21[%dma_wait3A_118, %dma_wait3A_119] : memref<64x128xf32, #tpu.memory_space<vmem>> -> memref<32x128xf32, #tpu.memory_space<vmem>>
        %dma_wait3A_121 = arith.constant 0 : i32
        %dma_wait3A_122 = arith.constant 0 : i32
        %dma_wait3A_123 = tpu.memref_slice %arg14[%dma_wait3A_121, %dma_wait3A_122] : memref<80x128xf32, #tpu.memory_space<vmem_shared>> -> memref<80x128xf32, #tpu.memory_space<vmem_shared>>
        tpu.wait_indirect_dma semaphore(%run_scoped3A : memref<!tpu.dma_semaphore, #tpu.memory_space<semaphore_mem>>) src(%dma_wait3A_120 : memref<32x128xf32, #tpu.memory_space<vmem>>) dst(%dma_wait3A_123 : memref<80x128xf32, #tpu.memory_space<vmem_shared>>)
        tpu.yield
      }) : () -> ()
    } else {
    }
    %barrier3A_34 = arith.constant 0 : index
    tpu.barrier barrier_id(%barrier3A_34)
    %eq3A_35 = arith.constant 0 : i32
    %eq3A_36 = arith.cmpi eq, %arg0, %eq3A_35 : i32
    %convert_element_type3A_37 = arith.extui %eq3A_36 : i1 to i32
    %cond3A_38 = arith.constant 0 : i32
    %cond3A_39 = arith.cmpi ne, %convert_element_type3A_37, %cond3A_38 : i32
    scf.if %cond3A_39 {
      %scan3A_45 = arith.constant 0 : i32
      %scan3A_46 = arith.constant 0 : i32
      %scan3A_47 = arith.constant 10 : i32
      %scan3A_48 = arith.addi %scan3A_46, %scan3A_47 : i32
      %scan3A_49 = arith.constant 1 : i32
      %scan3A_50 = scf.for %scan3A_57 = %scan3A_46 to %scan3A_48 step %scan3A_49 iter_args(%scan3A_58 = %scan3A_45) -> (i32)  : i32 {
        %mul3A_59 = arith.constant 64 : i32
        %mul3A_60 = arith.muli %scan3A_57, %mul3A_59 : i32
        %add3A_61 = arith.addi %mul3A_0, %mul3A_60 : i32
        %scan3A_62 = arith.constant 0 : i32
        %scan3A_63 = arith.constant 0 : i32
        %scan3A_64 = arith.constant 4 : i32
        %scan3A_65 = arith.addi %scan3A_63, %scan3A_64 : i32
        %scan3A_66 = arith.constant 1 : i32
        %scan3A_67 = scf.for %scan3A_74 = %scan3A_63 to %scan3A_65 step %scan3A_66 iter_args(%scan3A_75 = %scan3A_62) -> (i32)  : i32 {
          %mul3A_76 = arith.constant 16 : i32
          %mul3A_77 = arith.muli %scan3A_74, %mul3A_76 : i32
          %add3A_78 = arith.addi %add3A_61, %mul3A_77 : i32
          %iota3A = tpu.iota {dimensions = array<i32: 0>} : vector<16xi32>
          %add3A_79 = vector.broadcast %add3A_78 : i32 to vector<16xi32>
          %add3A_80 = arith.addi %add3A_79, %iota3A : vector<16xi32>
          %min3A_81 = vector.broadcast %sub3A_3 : i32 to vector<16xi32>
          %min3A_82 = arith.minsi %add3A_80, %min3A_81 : vector<16xi32>
          %mul3A_83 = arith.constant 16 : i32
          %mul3A_84 = arith.muli %scan3A_74, %mul3A_83 : i32
          %swap3A = arith.index_cast %mul3A_84 : i32 to index
          %swap3A_85 = tpu.vector_load %arg17[%swap3A] {strides = array<i32>} : memref<64xi32, #tpu.memory_space<vmem>>, vector<16xi32>,
          %swap3A_86 = vector.shape_cast %swap3A_85 : vector<16xi32> to vector<16xi32>
          %swap3A_87 = vector.shape_cast %min3A_82 : vector<16xi32> to vector<16xi32>
          tpu.vector_store %arg17[%swap3A], %swap3A_87 {strides = array<i32>} : memref<64xi32, #tpu.memory_space<vmem>>, vector<16xi32>,
          %scan3A_88 = arith.constant 0 : i32
          scf.yield %scan3A_88 : i32
        }
        %scan3A_68 = arith.constant 4 : i32
        %dma_start3A = arith.constant 0 : i32
        %dma_start3A_69 = arith.constant 0 : i32
        %dma_start3A_70 = tpu.memref_slice %arg13[%dma_start3A, %dma_start3A_69] : memref<10000x128xf32, #tpu.memory_space<vmem_shared>> -> memref<10000x128xf32, #tpu.memory_space<vmem_shared>>
        tpu.enqueue_indirect_dma source(%dma_start3A_70 : memref<10000x128xf32, #tpu.memory_space<vmem_shared>>) target(%arg20 : memref<64x128xf32, #tpu.memory_space<vmem>>) offsets(%arg17 : memref<64xi32, #tpu.memory_space<vmem>>) semaphore(%arg30 : memref<!tpu.dma_semaphore, #tpu.memory_space<semaphore_mem>>)
        %dma_wait3A = arith.constant 0 : i32
        %dma_wait3A_71 = arith.constant 0 : i32
        %dma_wait3A_72 = tpu.memref_slice %arg13[%dma_wait3A, %dma_wait3A_71] : memref<10000x128xf32, #tpu.memory_space<vmem_shared>> -> memref<10000x128xf32, #tpu.memory_space<vmem_shared>>
        tpu.wait_indirect_dma semaphore(%arg30 : memref<!tpu.dma_semaphore, #tpu.memory_space<semaphore_mem>>) src(%dma_wait3A_72 : memref<10000x128xf32, #tpu.memory_space<vmem_shared>>) dst(%arg20 : memref<64x128xf32, #tpu.memory_space<vmem>>)
        "tpu.region"() ({
          %run_scoped3A = tpu.sem_alloc : memref<!tpu.dma_semaphore, #tpu.memory_space<semaphore_mem>>
          %dma_start3A_74 = arith.constant 0 : i32
          %dma_start3A_75 = arith.constant 0 : i32
          %dma_start3A_76 = tpu.memref_slice %arg9[%dma_start3A_74, %dma_start3A_75] : memref<10000x128xf32, #tpu.memory_space<hbm>> -> memref<10000x128xf32, #tpu.memory_space<hbm>>
          tpu.enqueue_indirect_dma source(%arg20 : memref<64x128xf32, #tpu.memory_space<vmem>>) target(%dma_start3A_76 : memref<10000x128xf32, #tpu.memory_space<hbm>>) offsets(%arg17 : memref<64xi32, #tpu.memory_space<vmem>>) semaphore(%run_scoped3A : memref<!tpu.dma_semaphore, #tpu.memory_space<semaphore_mem>>)
          %dma_wait3A_77 = arith.constant 0 : i32
          %dma_wait3A_78 = arith.constant 0 : i32
          %dma_wait3A_79 = tpu.memref_slice %arg9[%dma_wait3A_77, %dma_wait3A_78] : memref<10000x128xf32, #tpu.memory_space<hbm>> -> memref<10000x128xf32, #tpu.memory_space<hbm>>
          tpu.wait_indirect_dma semaphore(%run_scoped3A : memref<!tpu.dma_semaphore, #tpu.memory_space<semaphore_mem>>) src(%arg20 : memref<64x128xf32, #tpu.memory_space<vmem>>) dst(%dma_wait3A_79 : memref<10000x128xf32, #tpu.memory_space<hbm>>)
          tpu.yield
        }) : () -> ()
        %scan3A_73 = arith.constant 0 : i32
        scf.yield %scan3A_73 : i32
      }
      %scan3A_51 = arith.constant 10 : i32
      %eq3A_52 = arith.constant 1 : i32
      %eq3A_53 = arith.cmpi eq, %arg1, %eq3A_52 : i32
      %convert_element_type3A_54 = arith.extui %eq3A_53 : i1 to i32
      %cond3A_55 = arith.constant 0 : i32
      %cond3A_56 = arith.cmpi ne, %convert_element_type3A_54, %cond3A_55 : i32
      scf.if %cond3A_56 {
        %scan3A_57 = arith.constant 0 : i32
        %scan3A_58 = arith.constant 0 : i32
        %scan3A_59 = arith.constant 4 : i32
        %scan3A_60 = arith.addi %scan3A_58, %scan3A_59 : i32
        %scan3A_61 = arith.constant 1 : i32
        %scan3A_62 = scf.for %scan3A_81 = %scan3A_58 to %scan3A_60 step %scan3A_61 iter_args(%scan3A_82 = %scan3A_57) -> (i32)  : i32 {
          %mul3A_83 = arith.constant 16 : i32
          %mul3A_84 = arith.muli %scan3A_81, %mul3A_83 : i32
          %add3A_85 = arith.constant 0 : i32
          %add3A_86 = arith.addi %add3A_85, %mul3A_84 : i32
          %iota3A = tpu.iota {dimensions = array<i32: 0>} : vector<16xi32>
          %add3A_87 = vector.broadcast %add3A_86 : i32 to vector<16xi32>
          %add3A_88 = arith.addi %add3A_87, %iota3A : vector<16xi32>
          %min3A_89 = arith.constant 79 : i32
          %min3A_90 = vector.broadcast %min3A_89 : i32 to vector<16xi32>
          %min3A_91 = arith.minsi %add3A_88, %min3A_90 : vector<16xi32>
          %mul3A_92 = arith.constant 16 : i32
          %mul3A_93 = arith.muli %scan3A_81, %mul3A_92 : i32
          %swap3A = arith.index_cast %mul3A_93 : i32 to index
          %swap3A_94 = tpu.vector_load %arg17[%swap3A] {strides = array<i32>} : memref<64xi32, #tpu.memory_space<vmem>>, vector<16xi32>,
          %swap3A_95 = vector.shape_cast %swap3A_94 : vector<16xi32> to vector<16xi32>
          %swap3A_96 = vector.shape_cast %min3A_91 : vector<16xi32> to vector<16xi32>
          tpu.vector_store %arg17[%swap3A], %swap3A_96 {strides = array<i32>} : memref<64xi32, #tpu.memory_space<vmem>>, vector<16xi32>,
          %scan3A_97 = arith.constant 0 : i32
          scf.yield %scan3A_97 : i32
        }
        %scan3A_63 = arith.constant 4 : i32
        %dma_start3A = arith.constant 0 : i32
        %dma_start3A_64 = arith.constant 0 : i32
        %dma_start3A_65 = tpu.memref_slice %arg14[%dma_start3A, %dma_start3A_64] : memref<80x128xf32, #tpu.memory_space<vmem_shared>> -> memref<80x128xf32, #tpu.memory_space<vmem_shared>>
        tpu.enqueue_indirect_dma source(%dma_start3A_65 : memref<80x128xf32, #tpu.memory_space<vmem_shared>>) target(%arg21 : memref<64x128xf32, #tpu.memory_space<vmem>>) offsets(%arg17 : memref<64xi32, #tpu.memory_space<vmem>>) semaphore(%arg30 : memref<!tpu.dma_semaphore, #tpu.memory_space<semaphore_mem>>)
        %dma_wait3A = arith.constant 0 : i32
        %dma_wait3A_66 = arith.constant 0 : i32
        %dma_wait3A_67 = tpu.memref_slice %arg14[%dma_wait3A, %dma_wait3A_66] : memref<80x128xf32, #tpu.memory_space<vmem_shared>> -> memref<80x128xf32, #tpu.memory_space<vmem_shared>>
        tpu.wait_indirect_dma semaphore(%arg30 : memref<!tpu.dma_semaphore, #tpu.memory_space<semaphore_mem>>) src(%dma_wait3A_67 : memref<80x128xf32, #tpu.memory_space<vmem_shared>>) dst(%arg21 : memref<64x128xf32, #tpu.memory_space<vmem>>)
        "tpu.region"() ({
          %run_scoped3A = tpu.sem_alloc : memref<!tpu.dma_semaphore, #tpu.memory_space<semaphore_mem>>
          %dma_start3A_81 = arith.constant 0 : i32
          %dma_start3A_82 = arith.constant 0 : i32
          %dma_start3A_83 = tpu.memref_slice %arg10[%dma_start3A_81, %dma_start3A_82] : memref<80x128xf32, #tpu.memory_space<hbm>> -> memref<80x128xf32, #tpu.memory_space<hbm>>
          tpu.enqueue_indirect_dma source(%arg21 : memref<64x128xf32, #tpu.memory_space<vmem>>) target(%dma_start3A_83 : memref<80x128xf32, #tpu.memory_space<hbm>>) offsets(%arg17 : memref<64xi32, #tpu.memory_space<vmem>>) semaphore(%run_scoped3A : memref<!tpu.dma_semaphore, #tpu.memory_space<semaphore_mem>>)
          %dma_wait3A_84 = arith.constant 0 : i32
          %dma_wait3A_85 = arith.constant 0 : i32
          %dma_wait3A_86 = tpu.memref_slice %arg10[%dma_wait3A_84, %dma_wait3A_85] : memref<80x128xf32, #tpu.memory_space<hbm>> -> memref<80x128xf32, #tpu.memory_space<hbm>>
          tpu.wait_indirect_dma semaphore(%run_scoped3A : memref<!tpu.dma_semaphore, #tpu.memory_space<semaphore_mem>>) src(%arg21 : memref<64x128xf32, #tpu.memory_space<vmem>>) dst(%dma_wait3A_86 : memref<80x128xf32, #tpu.memory_space<hbm>>)
          tpu.yield
        }) : () -> ()
        %scan3A_68 = arith.constant 0 : i32
        %scan3A_69 = arith.constant 0 : i32
        %scan3A_70 = arith.constant 4 : i32
        %scan3A_71 = arith.addi %scan3A_69, %scan3A_70 : i32
        %scan3A_72 = arith.constant 1 : i32
        %scan3A_73 = scf.for %scan3A_81 = %scan3A_69 to %scan3A_71 step %scan3A_72 iter_args(%scan3A_82 = %scan3A_68) -> (i32)  : i32 {
          %mul3A_83 = arith.constant 16 : i32
          %mul3A_84 = arith.muli %scan3A_81, %mul3A_83 : i32
          %add3A_85 = arith.constant 64 : i32
          %add3A_86 = arith.addi %add3A_85, %mul3A_84 : i32
          %iota3A = tpu.iota {dimensions = array<i32: 0>} : vector<16xi32>
          %add3A_87 = vector.broadcast %add3A_86 : i32 to vector<16xi32>
          %add3A_88 = arith.addi %add3A_87, %iota3A : vector<16xi32>
          %min3A_89 = arith.constant 79 : i32
          %min3A_90 = vector.broadcast %min3A_89 : i32 to vector<16xi32>
          %min3A_91 = arith.minsi %add3A_88, %min3A_90 : vector<16xi32>
          %mul3A_92 = arith.constant 16 : i32
          %mul3A_93 = arith.muli %scan3A_81, %mul3A_92 : i32
          %swap3A = arith.index_cast %mul3A_93 : i32 to index
          %swap3A_94 = tpu.vector_load %arg17[%swap3A] {strides = array<i32>} : memref<64xi32, #tpu.memory_space<vmem>>, vector<16xi32>,
          %swap3A_95 = vector.shape_cast %swap3A_94 : vector<16xi32> to vector<16xi32>
          %swap3A_96 = vector.shape_cast %min3A_91 : vector<16xi32> to vector<16xi32>
          tpu.vector_store %arg17[%swap3A], %swap3A_96 {strides = array<i32>} : memref<64xi32, #tpu.memory_space<vmem>>, vector<16xi32>,
          %scan3A_97 = arith.constant 0 : i32
          scf.yield %scan3A_97 : i32
        }
        %scan3A_74 = arith.constant 4 : i32
        %dma_start3A_75 = arith.constant 0 : i32
        %dma_start3A_76 = arith.constant 0 : i32
        %dma_start3A_77 = tpu.memref_slice %arg14[%dma_start3A_75, %dma_start3A_76] : memref<80x128xf32, #tpu.memory_space<vmem_shared>> -> memref<80x128xf32, #tpu.memory_space<vmem_shared>>
        tpu.enqueue_indirect_dma source(%dma_start3A_77 : memref<80x128xf32, #tpu.memory_space<vmem_shared>>) target(%arg21 : memref<64x128xf32, #tpu.memory_space<vmem>>) offsets(%arg17 : memref<64xi32, #tpu.memory_space<vmem>>) semaphore(%arg30 : memref<!tpu.dma_semaphore, #tpu.memory_space<semaphore_mem>>)
        %dma_wait3A_78 = arith.constant 0 : i32
        %dma_wait3A_79 = arith.constant 0 : i32
        %dma_wait3A_80 = tpu.memref_slice %arg14[%dma_wait3A_78, %dma_wait3A_79] : memref<80x128xf32, #tpu.memory_space<vmem_shared>> -> memref<80x128xf32, #tpu.memory_space<vmem_shared>>
        tpu.wait_indirect_dma semaphore(%arg30 : memref<!tpu.dma_semaphore, #tpu.memory_space<semaphore_mem>>) src(%dma_wait3A_80 : memref<80x128xf32, #tpu.memory_space<vmem_shared>>) dst(%arg21 : memref<64x128xf32, #tpu.memory_space<vmem>>)
        "tpu.region"() ({
          %run_scoped3A = tpu.sem_alloc : memref<!tpu.dma_semaphore, #tpu.memory_space<semaphore_mem>>
          %dma_start3A_81 = arith.constant 0 : i32
          %dma_start3A_82 = arith.constant 0 : i32
          %dma_start3A_83 = tpu.memref_slice %arg10[%dma_start3A_81, %dma_start3A_82] : memref<80x128xf32, #tpu.memory_space<hbm>> -> memref<80x128xf32, #tpu.memory_space<hbm>>
          tpu.enqueue_indirect_dma source(%arg21 : memref<64x128xf32, #tpu.memory_space<vmem>>) target(%dma_start3A_83 : memref<80x128xf32, #tpu.memory_space<hbm>>) offsets(%arg17 : memref<64xi32, #tpu.memory_space<vmem>>) semaphore(%run_scoped3A : memref<!tpu.dma_semaphore, #tpu.memory_space<semaphore_mem>>)
          %dma_wait3A_84 = arith.constant 0 : i32
          %dma_wait3A_85 = arith.constant 0 : i32
          %dma_wait3A_86 = tpu.memref_slice %arg10[%dma_wait3A_84, %dma_wait3A_85] : memref<80x128xf32, #tpu.memory_space<hbm>> -> memref<80x128xf32, #tpu.memory_space<hbm>>
          tpu.wait_indirect_dma semaphore(%run_scoped3A : memref<!tpu.dma_semaphore, #tpu.memory_space<semaphore_mem>>) src(%arg21 : memref<64x128xf32, #tpu.memory_space<vmem>>) dst(%dma_wait3A_86 : memref<80x128xf32, #tpu.memory_space<hbm>>)
          tpu.yield
        }) : () -> ()
      } else {
      }
    } else {
    }
    %eq3A_40 = arith.constant 1 : i32
    %eq3A_41 = arith.cmpi eq, %arg0, %eq3A_40 : i32
    %convert_element_type3A_42 = arith.extui %eq3A_41 : i1 to i32
    %cond3A_43 = arith.constant 0 : i32
    %cond3A_44 = arith.cmpi ne, %convert_element_type3A_42, %cond3A_43 : i32
    scf.if %cond3A_44 {
      %scan3A_45 = arith.constant 0 : i32
      %scan3A_46 = arith.constant 0 : i32
      %scan3A_47 = arith.constant 10 : i32
      %scan3A_48 = arith.addi %scan3A_46, %scan3A_47 : i32
      %scan3A_49 = arith.constant 1 : i32
      %scan3A_50 = scf.for %scan3A_57 = %scan3A_46 to %scan3A_48 step %scan3A_49 iter_args(%scan3A_58 = %scan3A_45) -> (i32)  : i32 {
        %mul3A_59 = arith.constant 64 : i32
        %mul3A_60 = arith.muli %scan3A_57, %mul3A_59 : i32
        %add3A_61 = arith.addi %mul3A_0, %mul3A_60 : i32
        %scan3A_62 = arith.constant 0 : i32
        %scan3A_63 = arith.constant 0 : i32
        %scan3A_64 = arith.constant 4 : i32
        %scan3A_65 = arith.addi %scan3A_63, %scan3A_64 : i32
        %scan3A_66 = arith.constant 1 : i32
        %scan3A_67 = scf.for %scan3A_74 = %scan3A_63 to %scan3A_65 step %scan3A_66 iter_args(%scan3A_75 = %scan3A_62) -> (i32)  : i32 {
          %mul3A_76 = arith.constant 16 : i32
          %mul3A_77 = arith.muli %scan3A_74, %mul3A_76 : i32
          %add3A_78 = arith.addi %add3A_61, %mul3A_77 : i32
          %iota3A = tpu.iota {dimensions = array<i32: 0>} : vector<16xi32>
          %add3A_79 = vector.broadcast %add3A_78 : i32 to vector<16xi32>
          %add3A_80 = arith.addi %add3A_79, %iota3A : vector<16xi32>
          %min3A_81 = vector.broadcast %sub3A_3 : i32 to vector<16xi32>
          %min3A_82 = arith.minsi %add3A_80, %min3A_81 : vector<16xi32>
          %mul3A_83 = arith.constant 16 : i32
          %mul3A_84 = arith.muli %scan3A_74, %mul3A_83 : i32
          %swap3A = arith.index_cast %mul3A_84 : i32 to index
          %swap3A_85 = tpu.vector_load %arg17[%swap3A] {strides = array<i32>} : memref<64xi32, #tpu.memory_space<vmem>>, vector<16xi32>,
          %swap3A_86 = vector.shape_cast %swap3A_85 : vector<16xi32> to vector<16xi32>
          %swap3A_87 = vector.shape_cast %min3A_82 : vector<16xi32> to vector<16xi32>
          tpu.vector_store %arg17[%swap3A], %swap3A_87 {strides = array<i32>} : memref<64xi32, #tpu.memory_space<vmem>>, vector<16xi32>,
          %scan3A_88 = arith.constant 0 : i32
          scf.yield %scan3A_88 : i32
        }
        %scan3A_68 = arith.constant 4 : i32
        %dma_start3A = arith.constant 0 : i32
        %dma_start3A_69 = arith.constant 0 : i32
        %dma_start3A_70 = tpu.memref_slice %arg13[%dma_start3A, %dma_start3A_69] : memref<10000x128xf32, #tpu.memory_space<vmem_shared>> -> memref<10000x128xf32, #tpu.memory_space<vmem_shared>>
        tpu.enqueue_indirect_dma source(%dma_start3A_70 : memref<10000x128xf32, #tpu.memory_space<vmem_shared>>) target(%arg20 : memref<64x128xf32, #tpu.memory_space<vmem>>) offsets(%arg17 : memref<64xi32, #tpu.memory_space<vmem>>) semaphore(%arg30 : memref<!tpu.dma_semaphore, #tpu.memory_space<semaphore_mem>>)
        %dma_wait3A = arith.constant 0 : i32
        %dma_wait3A_71 = arith.constant 0 : i32
        %dma_wait3A_72 = tpu.memref_slice %arg13[%dma_wait3A, %dma_wait3A_71] : memref<10000x128xf32, #tpu.memory_space<vmem_shared>> -> memref<10000x128xf32, #tpu.memory_space<vmem_shared>>
        tpu.wait_indirect_dma semaphore(%arg30 : memref<!tpu.dma_semaphore, #tpu.memory_space<semaphore_mem>>) src(%dma_wait3A_72 : memref<10000x128xf32, #tpu.memory_space<vmem_shared>>) dst(%arg20 : memref<64x128xf32, #tpu.memory_space<vmem>>)
        "tpu.region"() ({
          %run_scoped3A = tpu.sem_alloc : memref<!tpu.dma_semaphore, #tpu.memory_space<semaphore_mem>>
          %dma_start3A_74 = arith.constant 0 : i32
          %dma_start3A_75 = arith.constant 0 : i32
          %dma_start3A_76 = tpu.memref_slice %arg11[%dma_start3A_74, %dma_start3A_75] : memref<10000x128xf32, #tpu.memory_space<hbm>> -> memref<10000x128xf32, #tpu.memory_space<hbm>>
          tpu.enqueue_indirect_dma source(%arg20 : memref<64x128xf32, #tpu.memory_space<vmem>>) target(%dma_start3A_76 : memref<10000x128xf32, #tpu.memory_space<hbm>>) offsets(%arg17 : memref<64xi32, #tpu.memory_space<vmem>>) semaphore(%run_scoped3A : memref<!tpu.dma_semaphore, #tpu.memory_space<semaphore_mem>>)
          %dma_wait3A_77 = arith.constant 0 : i32
          %dma_wait3A_78 = arith.constant 0 : i32
          %dma_wait3A_79 = tpu.memref_slice %arg11[%dma_wait3A_77, %dma_wait3A_78] : memref<10000x128xf32, #tpu.memory_space<hbm>> -> memref<10000x128xf32, #tpu.memory_space<hbm>>
          tpu.wait_indirect_dma semaphore(%run_scoped3A : memref<!tpu.dma_semaphore, #tpu.memory_space<semaphore_mem>>) src(%arg20 : memref<64x128xf32, #tpu.memory_space<vmem>>) dst(%dma_wait3A_79 : memref<10000x128xf32, #tpu.memory_space<hbm>>)
          tpu.yield
        }) : () -> ()
        %scan3A_73 = arith.constant 0 : i32
        scf.yield %scan3A_73 : i32
      }
      %scan3A_51 = arith.constant 10 : i32
      %eq3A_52 = arith.constant 1 : i32
      %eq3A_53 = arith.cmpi eq, %arg1, %eq3A_52 : i32
      %convert_element_type3A_54 = arith.extui %eq3A_53 : i1 to i32
      %cond3A_55 = arith.constant 0 : i32
      %cond3A_56 = arith.cmpi ne, %convert_element_type3A_54, %cond3A_55 : i32
      scf.if %cond3A_56 {
        %scan3A_57 = arith.constant 0 : i32
        %scan3A_58 = arith.constant 0 : i32
        %scan3A_59 = arith.constant 4 : i32
        %scan3A_60 = arith.addi %scan3A_58, %scan3A_59 : i32
        %scan3A_61 = arith.constant 1 : i32
        %scan3A_62 = scf.for %scan3A_81 = %scan3A_58 to %scan3A_60 step %scan3A_61 iter_args(%scan3A_82 = %scan3A_57) -> (i32)  : i32 {
          %mul3A_83 = arith.constant 16 : i32
          %mul3A_84 = arith.muli %scan3A_81, %mul3A_83 : i32
          %add3A_85 = arith.constant 0 : i32
          %add3A_86 = arith.addi %add3A_85, %mul3A_84 : i32
          %iota3A = tpu.iota {dimensions = array<i32: 0>} : vector<16xi32>
          %add3A_87 = vector.broadcast %add3A_86 : i32 to vector<16xi32>
          %add3A_88 = arith.addi %add3A_87, %iota3A : vector<16xi32>
          %min3A_89 = arith.constant 79 : i32
          %min3A_90 = vector.broadcast %min3A_89 : i32 to vector<16xi32>
          %min3A_91 = arith.minsi %add3A_88, %min3A_90 : vector<16xi32>
          %mul3A_92 = arith.constant 16 : i32
          %mul3A_93 = arith.muli %scan3A_81, %mul3A_92 : i32
          %swap3A = arith.index_cast %mul3A_93 : i32 to index
          %swap3A_94 = tpu.vector_load %arg17[%swap3A] {strides = array<i32>} : memref<64xi32, #tpu.memory_space<vmem>>, vector<16xi32>,
          %swap3A_95 = vector.shape_cast %swap3A_94 : vector<16xi32> to vector<16xi32>
          %swap3A_96 = vector.shape_cast %min3A_91 : vector<16xi32> to vector<16xi32>
          tpu.vector_store %arg17[%swap3A], %swap3A_96 {strides = array<i32>} : memref<64xi32, #tpu.memory_space<vmem>>, vector<16xi32>,
          %scan3A_97 = arith.constant 0 : i32
          scf.yield %scan3A_97 : i32
        }
        %scan3A_63 = arith.constant 4 : i32
        %dma_start3A = arith.constant 0 : i32
        %dma_start3A_64 = arith.constant 0 : i32
        %dma_start3A_65 = tpu.memref_slice %arg14[%dma_start3A, %dma_start3A_64] : memref<80x128xf32, #tpu.memory_space<vmem_shared>> -> memref<80x128xf32, #tpu.memory_space<vmem_shared>>
        tpu.enqueue_indirect_dma source(%dma_start3A_65 : memref<80x128xf32, #tpu.memory_space<vmem_shared>>) target(%arg21 : memref<64x128xf32, #tpu.memory_space<vmem>>) offsets(%arg17 : memref<64xi32, #tpu.memory_space<vmem>>) semaphore(%arg30 : memref<!tpu.dma_semaphore, #tpu.memory_space<semaphore_mem>>)
        %dma_wait3A = arith.constant 0 : i32
        %dma_wait3A_66 = arith.constant 0 : i32
        %dma_wait3A_67 = tpu.memref_slice %arg14[%dma_wait3A, %dma_wait3A_66] : memref<80x128xf32, #tpu.memory_space<vmem_shared>> -> memref<80x128xf32, #tpu.memory_space<vmem_shared>>
        tpu.wait_indirect_dma semaphore(%arg30 : memref<!tpu.dma_semaphore, #tpu.memory_space<semaphore_mem>>) src(%dma_wait3A_67 : memref<80x128xf32, #tpu.memory_space<vmem_shared>>) dst(%arg21 : memref<64x128xf32, #tpu.memory_space<vmem>>)
        "tpu.region"() ({
          %run_scoped3A = tpu.sem_alloc : memref<!tpu.dma_semaphore, #tpu.memory_space<semaphore_mem>>
          %dma_start3A_81 = arith.constant 0 : i32
          %dma_start3A_82 = arith.constant 0 : i32
          %dma_start3A_83 = tpu.memref_slice %arg12[%dma_start3A_81, %dma_start3A_82] : memref<80x128xf32, #tpu.memory_space<hbm>> -> memref<80x128xf32, #tpu.memory_space<hbm>>
          tpu.enqueue_indirect_dma source(%arg21 : memref<64x128xf32, #tpu.memory_space<vmem>>) target(%dma_start3A_83 : memref<80x128xf32, #tpu.memory_space<hbm>>) offsets(%arg17 : memref<64xi32, #tpu.memory_space<vmem>>) semaphore(%run_scoped3A : memref<!tpu.dma_semaphore, #tpu.memory_space<semaphore_mem>>)
          %dma_wait3A_84 = arith.constant 0 : i32
          %dma_wait3A_85 = arith.constant 0 : i32
          %dma_wait3A_86 = tpu.memref_slice %arg12[%dma_wait3A_84, %dma_wait3A_85] : memref<80x128xf32, #tpu.memory_space<hbm>> -> memref<80x128xf32, #tpu.memory_space<hbm>>
          tpu.wait_indirect_dma semaphore(%run_scoped3A : memref<!tpu.dma_semaphore, #tpu.memory_space<semaphore_mem>>) src(%arg21 : memref<64x128xf32, #tpu.memory_space<vmem>>) dst(%dma_wait3A_86 : memref<80x128xf32, #tpu.memory_space<hbm>>)
          tpu.yield
        }) : () -> ()
        %scan3A_68 = arith.constant 0 : i32
        %scan3A_69 = arith.constant 0 : i32
        %scan3A_70 = arith.constant 4 : i32
        %scan3A_71 = arith.addi %scan3A_69, %scan3A_70 : i32
        %scan3A_72 = arith.constant 1 : i32
        %scan3A_73 = scf.for %scan3A_81 = %scan3A_69 to %scan3A_71 step %scan3A_72 iter_args(%scan3A_82 = %scan3A_68) -> (i32)  : i32 {
          %mul3A_83 = arith.constant 16 : i32
          %mul3A_84 = arith.muli %scan3A_81, %mul3A_83 : i32
          %add3A_85 = arith.constant 64 : i32
          %add3A_86 = arith.addi %add3A_85, %mul3A_84 : i32
          %iota3A = tpu.iota {dimensions = array<i32: 0>} : vector<16xi32>
          %add3A_87 = vector.broadcast %add3A_86 : i32 to vector<16xi32>
          %add3A_88 = arith.addi %add3A_87, %iota3A : vector<16xi32>
          %min3A_89 = arith.constant 79 : i32
          %min3A_90 = vector.broadcast %min3A_89 : i32 to vector<16xi32>
          %min3A_91 = arith.minsi %add3A_88, %min3A_90 : vector<16xi32>
          %mul3A_92 = arith.constant 16 : i32
          %mul3A_93 = arith.muli %scan3A_81, %mul3A_92 : i32
          %swap3A = arith.index_cast %mul3A_93 : i32 to index
          %swap3A_94 = tpu.vector_load %arg17[%swap3A] {strides = array<i32>} : memref<64xi32, #tpu.memory_space<vmem>>, vector<16xi32>,
          %swap3A_95 = vector.shape_cast %swap3A_94 : vector<16xi32> to vector<16xi32>
          %swap3A_96 = vector.shape_cast %min3A_91 : vector<16xi32> to vector<16xi32>
          tpu.vector_store %arg17[%swap3A], %swap3A_96 {strides = array<i32>} : memref<64xi32, #tpu.memory_space<vmem>>, vector<16xi32>,
          %scan3A_97 = arith.constant 0 : i32
          scf.yield %scan3A_97 : i32
        }
        %scan3A_74 = arith.constant 4 : i32
        %dma_start3A_75 = arith.constant 0 : i32
        %dma_start3A_76 = arith.constant 0 : i32
        %dma_start3A_77 = tpu.memref_slice %arg14[%dma_start3A_75, %dma_start3A_76] : memref<80x128xf32, #tpu.memory_space<vmem_shared>> -> memref<80x128xf32, #tpu.memory_space<vmem_shared>>
        tpu.enqueue_indirect_dma source(%dma_start3A_77 : memref<80x128xf32, #tpu.memory_space<vmem_shared>>) target(%arg21 : memref<64x128xf32, #tpu.memory_space<vmem>>) offsets(%arg17 : memref<64xi32, #tpu.memory_space<vmem>>) semaphore(%arg30 : memref<!tpu.dma_semaphore, #tpu.memory_space<semaphore_mem>>)
        %dma_wait3A_78 = arith.constant 0 : i32
        %dma_wait3A_79 = arith.constant 0 : i32
        %dma_wait3A_80 = tpu.memref_slice %arg14[%dma_wait3A_78, %dma_wait3A_79] : memref<80x128xf32, #tpu.memory_space<vmem_shared>> -> memref<80x128xf32, #tpu.memory_space<vmem_shared>>
        tpu.wait_indirect_dma semaphore(%arg30 : memref<!tpu.dma_semaphore, #tpu.memory_space<semaphore_mem>>) src(%dma_wait3A_80 : memref<80x128xf32, #tpu.memory_space<vmem_shared>>) dst(%arg21 : memref<64x128xf32, #tpu.memory_space<vmem>>)
        "tpu.region"() ({
          %run_scoped3A = tpu.sem_alloc : memref<!tpu.dma_semaphore, #tpu.memory_space<semaphore_mem>>
          %dma_start3A_81 = arith.constant 0 : i32
          %dma_start3A_82 = arith.constant 0 : i32
          %dma_start3A_83 = tpu.memref_slice %arg12[%dma_start3A_81, %dma_start3A_82] : memref<80x128xf32, #tpu.memory_space<hbm>> -> memref<80x128xf32, #tpu.memory_space<hbm>>
          tpu.enqueue_indirect_dma source(%arg21 : memref<64x128xf32, #tpu.memory_space<vmem>>) target(%dma_start3A_83 : memref<80x128xf32, #tpu.memory_space<hbm>>) offsets(%arg17 : memref<64xi32, #tpu.memory_space<vmem>>) semaphore(%run_scoped3A : memref<!tpu.dma_semaphore, #tpu.memory_space<semaphore_mem>>)
          %dma_wait3A_84 = arith.constant 0 : i32
          %dma_wait3A_85 = arith.constant 0 : i32
          %dma_wait3A_86 = tpu.memref_slice %arg12[%dma_wait3A_84, %dma_wait3A_85] : memref<80x128xf32, #tpu.memory_space<hbm>> -> memref<80x128xf32, #tpu.memory_space<hbm>>
          tpu.wait_indirect_dma semaphore(%run_scoped3A : memref<!tpu.dma_semaphore, #tpu.memory_space<semaphore_mem>>) src(%arg21 : memref<64x128xf32, #tpu.memory_space<vmem>>) dst(%dma_wait3A_86 : memref<80x128xf32, #tpu.memory_space<hbm>>)
          tpu.yield
        }) : () -> ()
      } else {
      }
    } else {
    }
    return
  }
}

module attributes {stable_mosaic.version = 14 : i64} {
  func.func @_post_body(%arg0: memref<10000x128xf32, #tpu.memory_space<vmem>>, %arg1: memref<80x128xf32, #tpu.memory_space<vmem>>, %arg2: memref<10000x128xf32, #tpu.memory_space<vmem>>, %arg3: memref<80x128xf32, #tpu.memory_space<vmem>>, %arg4: memref<10000x128xf32, #tpu.memory_space<vmem>>, %arg5: memref<10000x128xf32, #tpu.memory_space<vmem>>, %arg6: memref<128x128xf32, #tpu.memory_space<vmem>>, %arg7: memref<1x128xf32, #tpu.memory_space<vmem>>, %arg8: memref<128x128xf32, #tpu.memory_space<vmem>>, %arg9: memref<128x128xf32, #tpu.memory_space<vmem>>, %arg10: memref<1x128xf32, #tpu.memory_space<vmem>>, %arg11: memref<128x128xf32, #tpu.memory_space<vmem>>, %arg12: memref<1x128xf32, #tpu.memory_space<vmem>>, %arg13: memref<1x128xf32, #tpu.memory_space<vmem>>, %arg14: memref<1x128xf32, #tpu.memory_space<vmem>>, %arg15: memref<1x128xf32, #tpu.memory_space<vmem>>, %arg16: memref<10000x128xf32, #tpu.memory_space<vmem>>, %arg17: memref<10000x128xf32, #tpu.memory_space<vmem>>) attributes {dimension_semantics = [], scalar_prefetch = 0 : i64, scratch_operands = 0 : i64, tpu.core_type = #tpu.core_type<tc>} {
    %iota3A = tpu.iota {dimensions = array<i32: 1>} : vector<10000x128xi32>
    %iota3A_0 = tpu.iota {dimensions = array<i32: 0>} : vector<10000x128xi32>
    %and3A = arith.constant 127 : i32
    %and3A_1 = vector.broadcast %and3A : i32 to vector<10000x128xi32>
    %and3A_2 = arith.andi %iota3A_0, %and3A_1 : vector<10000x128xi32>
    %eq3A = arith.cmpi eq, %iota3A, %and3A_2 : vector<10000x128xi32>
    %convert_element_type3A = arith.extui %eq3A : vector<10000x128xi1> to vector<10000x128xi32>
    %convert_element_type3A_3 = arith.sitofp %convert_element_type3A : vector<10000x128xi32> to vector<10000x128xf32>
    %broadcast_in_dim3A = arith.constant 1.000000e+00 : f32
    %broadcast_in_dim3A_4 = vector.broadcast %broadcast_in_dim3A : f32 to vector<128x1xf32>
    %get3A = arith.constant 0 : index
    %get3A_5 = arith.constant 0 : index
    %get3A_6 = vector.load %arg3[%get3A, %get3A_5] : memref<80x128xf32, #tpu.memory_space<vmem>>, vector<80x128xf32>
    %broadcast_in_dim3A_7 = vector.shape_cast %get3A_6 : vector<80x128xf32> to vector<80x1x128xf32>
    %broadcast_in_dim3A_8 = vector.shape_cast %broadcast_in_dim3A_7 : vector<80x1x128xf32> to vector<80x1x128xf32>
    %broadcast_in_dim3A_9 = vector.broadcast %broadcast_in_dim3A_8 : vector<80x1x128xf32> to vector<80x128x128xf32>
    %reshape3A = vector.shape_cast %broadcast_in_dim3A_9 : vector<80x128x128xf32> to vector<10240x128xf32>
    %slice3A = vector.extract_strided_slice %reshape3A {offsets = [0, 0], sizes = [10000, 128], strides = [1, 1]} : vector<10240x128xf32> to vector<10000x128xf32>
    %mul3A = arith.mulf %slice3A, %convert_element_type3A_3 : vector<10000x128xf32>
    %dot_general3A = arith.constant dense<0.000000e+00> : vector<10000x1xf32>
    %dot_general3A_10 = tpu.matmul %mul3A, %broadcast_in_dim3A_4, %dot_general3A {dimension_numbers = #tpu.dot_dimension_numbers<[1], [0], [0], [1], [0, 0, 1, 1], [], []>, transpose_lhs_hint = false} : vector<10000x128xf32>, vector<128x1xf32>, vector<10000x1xf32> -> vector<10000x1xf32>
    %get3A_11 = arith.constant 0 : index
    %get3A_12 = arith.constant 0 : index
    %get3A_13 = vector.load %arg2[%get3A_11, %get3A_12] : memref<10000x128xf32, #tpu.memory_space<vmem>>, vector<10000x128xf32>
    %max3A = arith.constant 1.000000e+00 : f32
    %max3A_14 = vector.broadcast %max3A : f32 to vector<10000x1xf32>
    %max3A_15 = arith.maximumf %dot_general3A_10, %max3A_14 : vector<10000x1xf32>
    %div3A = vector.broadcast %max3A_15 : vector<10000x1xf32> to vector<10000x128xf32>
    %div3A_16 = arith.divf %get3A_13, %div3A : vector<10000x128xf32>
    %get3A_17 = arith.constant 0 : index
    %get3A_18 = arith.constant 0 : index
    %get3A_19 = vector.load %arg9[%get3A_17, %get3A_18] : memref<128x128xf32, #tpu.memory_space<vmem>>, vector<128x128xf32>
    %dot_general3A_20 = arith.constant dense<0.000000e+00> : vector<10000x128xf32>
    %dot_general3A_21 = tpu.matmul %div3A_16, %get3A_19, %dot_general3A_20 {dimension_numbers = #tpu.dot_dimension_numbers<[1], [1], [0], [0], [0, 0, 1, 0], [], []>, transpose_lhs_hint = false} : vector<10000x128xf32>, vector<128x128xf32>, vector<10000x128xf32> -> vector<10000x128xf32>
    %get3A_22 = arith.constant 0 : index
    %get3A_23 = arith.constant 0 : index
    %get3A_24 = vector.load %arg4[%get3A_22, %get3A_23] : memref<10000x128xf32, #tpu.memory_space<vmem>>, vector<10000x128xf32>
    %get3A_25 = arith.constant 0 : index
    %get3A_26 = arith.constant 0 : index
    %get3A_27 = vector.load %arg11[%get3A_25, %get3A_26] : memref<128x128xf32, #tpu.memory_space<vmem>>, vector<128x128xf32>
    %dot_general3A_28 = arith.constant dense<0.000000e+00> : vector<10000x128xf32>
    %dot_general3A_29 = tpu.matmul %get3A_24, %get3A_27, %dot_general3A_28 {dimension_numbers = #tpu.dot_dimension_numbers<[1], [1], [0], [0], [0, 0, 1, 0], [], []>, transpose_lhs_hint = false} : vector<10000x128xf32>, vector<128x128xf32>, vector<10000x128xf32> -> vector<10000x128xf32>
    %add3A = arith.addf %dot_general3A_21, %dot_general3A_29 : vector<10000x128xf32>
    %get3A_30 = arith.constant 0 : index
    %get3A_31 = arith.constant 0 : index
    %get3A_32 = vector.load %arg10[%get3A_30, %get3A_31] : memref<1x128xf32, #tpu.memory_space<vmem>>, vector<1x128xf32>
    %add3A_33 = vector.broadcast %get3A_32 : vector<1x128xf32> to vector<10000x128xf32>
    %add3A_34 = arith.addf %add3A, %add3A_33 : vector<10000x128xf32>
    %max3A_35 = arith.constant 0.000000e+00 : f32
    %max3A_36 = vector.broadcast %max3A_35 : f32 to vector<10000x128xf32>
    %max3A_37 = arith.maximumf %add3A_34, %max3A_36 : vector<10000x128xf32>
    %reduce_sum3A = arith.constant dense<0.000000e+00> : vector<128xf32>
    %reduce_sum3A_38 = vector.multi_reduction <add>, %max3A_37, %reduce_sum3A [0] : vector<10000x128xf32> to vector<128xf32>
    %broadcast_in_dim3A_39 = vector.shape_cast %reduce_sum3A_38 : vector<128xf32> to vector<1x128xf32>
    %div3A_40 = arith.constant 1.000000e+04 : f32
    %div3A_41 = vector.broadcast %div3A_40 : f32 to vector<1x128xf32>
    %div3A_42 = arith.divf %broadcast_in_dim3A_39, %div3A_41 : vector<1x128xf32>
    %sub3A = vector.broadcast %div3A_42 : vector<1x128xf32> to vector<10000x128xf32>
    %sub3A_43 = arith.subf %max3A_37, %sub3A : vector<10000x128xf32>
    %integer_pow3A = arith.mulf %sub3A_43, %sub3A_43 : vector<10000x128xf32>
    %reduce_sum3A_44 = arith.constant dense<0.000000e+00> : vector<128xf32>
    %reduce_sum3A_45 = vector.multi_reduction <add>, %integer_pow3A, %reduce_sum3A_44 [0] : vector<10000x128xf32> to vector<128xf32>
    %broadcast_in_dim3A_46 = vector.shape_cast %reduce_sum3A_45 : vector<128xf32> to vector<1x128xf32>
    %div3A_47 = arith.constant 1.000000e+04 : f32
    %div3A_48 = vector.broadcast %div3A_47 : f32 to vector<1x128xf32>
    %div3A_49 = arith.divf %broadcast_in_dim3A_46, %div3A_48 : vector<1x128xf32>
    %get3A_50 = arith.constant 0 : index
    %get3A_51 = arith.constant 0 : index
    %get3A_52 = vector.load %arg12[%get3A_50, %get3A_51] : memref<1x128xf32, #tpu.memory_space<vmem>>, vector<1x128xf32>
    %sub3A_53 = vector.broadcast %div3A_42 : vector<1x128xf32> to vector<10000x128xf32>
    %sub3A_54 = arith.subf %max3A_37, %sub3A_53 : vector<10000x128xf32>
    %mul3A_55 = vector.broadcast %get3A_52 : vector<1x128xf32> to vector<10000x128xf32>
    %mul3A_56 = arith.mulf %mul3A_55, %sub3A_54 : vector<10000x128xf32>
    %add3A_57 = arith.constant 9.99999974E-6 : f32
    %add3A_58 = vector.broadcast %add3A_57 : f32 to vector<1x128xf32>
    %add3A_59 = arith.addf %div3A_49, %add3A_58 : vector<1x128xf32>
    %rsqrt3A = math.rsqrt %add3A_59 : vector<1x128xf32>
    %mul3A_60 = vector.broadcast %rsqrt3A : vector<1x128xf32> to vector<10000x128xf32>
    %mul3A_61 = arith.mulf %mul3A_56, %mul3A_60 : vector<10000x128xf32>
    %get3A_62 = arith.constant 0 : index
    %get3A_63 = arith.constant 0 : index
    %get3A_64 = vector.load %arg13[%get3A_62, %get3A_63] : memref<1x128xf32, #tpu.memory_space<vmem>>, vector<1x128xf32>
    %add3A_65 = vector.broadcast %get3A_64 : vector<1x128xf32> to vector<10000x128xf32>
    %add3A_66 = arith.addf %mul3A_61, %add3A_65 : vector<10000x128xf32>
    %swap3A = arith.constant 0 : index
    %swap3A_67 = arith.constant 0 : index
    %swap3A_68 = vector.load %arg16[%swap3A, %swap3A_67] : memref<10000x128xf32, #tpu.memory_space<vmem>>, vector<10000x128xf32>
    tpu.vector_store %arg16[%swap3A, %swap3A_67], %add3A_66 {strides = array<i32>} : memref<10000x128xf32, #tpu.memory_space<vmem>>, vector<10000x128xf32>,
    %get3A_69 = arith.constant 0 : index
    %get3A_70 = arith.constant 0 : index
    %get3A_71 = vector.load %arg1[%get3A_69, %get3A_70] : memref<80x128xf32, #tpu.memory_space<vmem>>, vector<80x128xf32>
    %broadcast_in_dim3A_72 = vector.shape_cast %get3A_71 : vector<80x128xf32> to vector<80x1x128xf32>
    %broadcast_in_dim3A_73 = vector.shape_cast %broadcast_in_dim3A_72 : vector<80x1x128xf32> to vector<80x1x128xf32>
    %broadcast_in_dim3A_74 = vector.broadcast %broadcast_in_dim3A_73 : vector<80x1x128xf32> to vector<80x128x128xf32>
    %reshape3A_75 = vector.shape_cast %broadcast_in_dim3A_74 : vector<80x128x128xf32> to vector<10240x128xf32>
    %slice3A_76 = vector.extract_strided_slice %reshape3A_75 {offsets = [0, 0], sizes = [10000, 128], strides = [1, 1]} : vector<10240x128xf32> to vector<10000x128xf32>
    %mul3A_77 = arith.mulf %slice3A_76, %convert_element_type3A_3 : vector<10000x128xf32>
    %dot_general3A_78 = arith.constant dense<0.000000e+00> : vector<10000x1xf32>
    %dot_general3A_79 = tpu.matmul %mul3A_77, %broadcast_in_dim3A_4, %dot_general3A_78 {dimension_numbers = #tpu.dot_dimension_numbers<[1], [0], [0], [1], [0, 0, 1, 1], [], []>, transpose_lhs_hint = false} : vector<10000x128xf32>, vector<128x1xf32>, vector<10000x1xf32> -> vector<10000x1xf32>
    %get3A_80 = arith.constant 0 : index
    %get3A_81 = arith.constant 0 : index
    %get3A_82 = vector.load %arg0[%get3A_80, %get3A_81] : memref<10000x128xf32, #tpu.memory_space<vmem>>, vector<10000x128xf32>
    %max3A_83 = arith.constant 1.000000e+00 : f32
    %max3A_84 = vector.broadcast %max3A_83 : f32 to vector<10000x1xf32>
    %max3A_85 = arith.maximumf %dot_general3A_79, %max3A_84 : vector<10000x1xf32>
    %div3A_86 = vector.broadcast %max3A_85 : vector<10000x1xf32> to vector<10000x128xf32>
    %div3A_87 = arith.divf %get3A_82, %div3A_86 : vector<10000x128xf32>
    %get3A_88 = arith.constant 0 : index
    %get3A_89 = arith.constant 0 : index
    %get3A_90 = vector.load %arg6[%get3A_88, %get3A_89] : memref<128x128xf32, #tpu.memory_space<vmem>>, vector<128x128xf32>
    %dot_general3A_91 = arith.constant dense<0.000000e+00> : vector<10000x128xf32>
    %dot_general3A_92 = tpu.matmul %div3A_87, %get3A_90, %dot_general3A_91 {dimension_numbers = #tpu.dot_dimension_numbers<[1], [1], [0], [0], [0, 0, 1, 0], [], []>, transpose_lhs_hint = false} : vector<10000x128xf32>, vector<128x128xf32>, vector<10000x128xf32> -> vector<10000x128xf32>
    %get3A_93 = arith.constant 0 : index
    %get3A_94 = arith.constant 0 : index
    %get3A_95 = vector.load %arg5[%get3A_93, %get3A_94] : memref<10000x128xf32, #tpu.memory_space<vmem>>, vector<10000x128xf32>
    %get3A_96 = arith.constant 0 : index
    %get3A_97 = arith.constant 0 : index
    %get3A_98 = vector.load %arg8[%get3A_96, %get3A_97] : memref<128x128xf32, #tpu.memory_space<vmem>>, vector<128x128xf32>
    %dot_general3A_99 = arith.constant dense<0.000000e+00> : vector<10000x128xf32>
    %dot_general3A_100 = tpu.matmul %get3A_95, %get3A_98, %dot_general3A_99 {dimension_numbers = #tpu.dot_dimension_numbers<[1], [1], [0], [0], [0, 0, 1, 0], [], []>, transpose_lhs_hint = false} : vector<10000x128xf32>, vector<128x128xf32>, vector<10000x128xf32> -> vector<10000x128xf32>
    %add3A_101 = arith.addf %dot_general3A_92, %dot_general3A_100 : vector<10000x128xf32>
    %get3A_102 = arith.constant 0 : index
    %get3A_103 = arith.constant 0 : index
    %get3A_104 = vector.load %arg7[%get3A_102, %get3A_103] : memref<1x128xf32, #tpu.memory_space<vmem>>, vector<1x128xf32>
    %add3A_105 = vector.broadcast %get3A_104 : vector<1x128xf32> to vector<10000x128xf32>
    %add3A_106 = arith.addf %add3A_101, %add3A_105 : vector<10000x128xf32>
    %max3A_107 = arith.constant 0.000000e+00 : f32
    %max3A_108 = vector.broadcast %max3A_107 : f32 to vector<10000x128xf32>
    %max3A_109 = arith.maximumf %add3A_106, %max3A_108 : vector<10000x128xf32>
    %reduce_sum3A_110 = arith.constant dense<0.000000e+00> : vector<128xf32>
    %reduce_sum3A_111 = vector.multi_reduction <add>, %max3A_109, %reduce_sum3A_110 [0] : vector<10000x128xf32> to vector<128xf32>
    %broadcast_in_dim3A_112 = vector.shape_cast %reduce_sum3A_111 : vector<128xf32> to vector<1x128xf32>
    %div3A_113 = arith.constant 1.000000e+04 : f32
    %div3A_114 = vector.broadcast %div3A_113 : f32 to vector<1x128xf32>
    %div3A_115 = arith.divf %broadcast_in_dim3A_112, %div3A_114 : vector<1x128xf32>
    %sub3A_116 = vector.broadcast %div3A_115 : vector<1x128xf32> to vector<10000x128xf32>
    %sub3A_117 = arith.subf %max3A_109, %sub3A_116 : vector<10000x128xf32>
    %integer_pow3A_118 = arith.mulf %sub3A_117, %sub3A_117 : vector<10000x128xf32>
    %reduce_sum3A_119 = arith.constant dense<0.000000e+00> : vector<128xf32>
    %reduce_sum3A_120 = vector.multi_reduction <add>, %integer_pow3A_118, %reduce_sum3A_119 [0] : vector<10000x128xf32> to vector<128xf32>
    %broadcast_in_dim3A_121 = vector.shape_cast %reduce_sum3A_120 : vector<128xf32> to vector<1x128xf32>
    %div3A_122 = arith.constant 1.000000e+04 : f32
    %div3A_123 = vector.broadcast %div3A_122 : f32 to vector<1x128xf32>
    %div3A_124 = arith.divf %broadcast_in_dim3A_121, %div3A_123 : vector<1x128xf32>
    %get3A_125 = arith.constant 0 : index
    %get3A_126 = arith.constant 0 : index
    %get3A_127 = vector.load %arg14[%get3A_125, %get3A_126] : memref<1x128xf32, #tpu.memory_space<vmem>>, vector<1x128xf32>
    %sub3A_128 = vector.broadcast %div3A_115 : vector<1x128xf32> to vector<10000x128xf32>
    %sub3A_129 = arith.subf %max3A_109, %sub3A_128 : vector<10000x128xf32>
    %mul3A_130 = vector.broadcast %get3A_127 : vector<1x128xf32> to vector<10000x128xf32>
    %mul3A_131 = arith.mulf %mul3A_130, %sub3A_129 : vector<10000x128xf32>
    %add3A_132 = arith.constant 9.99999974E-6 : f32
    %add3A_133 = vector.broadcast %add3A_132 : f32 to vector<1x128xf32>
    %add3A_134 = arith.addf %div3A_124, %add3A_133 : vector<1x128xf32>
    %rsqrt3A_135 = math.rsqrt %add3A_134 : vector<1x128xf32>
    %mul3A_136 = vector.broadcast %rsqrt3A_135 : vector<1x128xf32> to vector<10000x128xf32>
    %mul3A_137 = arith.mulf %mul3A_131, %mul3A_136 : vector<10000x128xf32>
    %get3A_138 = arith.constant 0 : index
    %get3A_139 = arith.constant 0 : index
    %get3A_140 = vector.load %arg15[%get3A_138, %get3A_139] : memref<1x128xf32, #tpu.memory_space<vmem>>, vector<1x128xf32>
    %add3A_141 = vector.broadcast %get3A_140 : vector<1x128xf32> to vector<10000x128xf32>
    %add3A_142 = arith.addf %mul3A_137, %add3A_141 : vector<10000x128xf32>
    %swap3A_143 = arith.constant 0 : index
    %swap3A_144 = arith.constant 0 : index
    %swap3A_145 = vector.load %arg17[%swap3A_143, %swap3A_144] : memref<10000x128xf32, #tpu.memory_space<vmem>>, vector<10000x128xf32>
    tpu.vector_store %arg17[%swap3A_143, %swap3A_144], %add3A_142 {strides = array<i32>} : memref<10000x128xf32, #tpu.memory_space<vmem>>, vector<10000x128xf32>,
    return
  }
}

</mosaic_0001>

<sc_bundles>
// kernel: kernel.4.cloned.1.call-start
scs
__scs_entry_jumppad:
0x0: {  	(pc) =	sbr.rel $0x88, $3  }
0x1: {  	(tag) =	ssettag $0x0;
	lr =	simm.s32 $0x1  }
0x2: {  	[smem:$0x3F93] =	sst lr;
	_ =	strace $0xD0000000  }
0x3: {  	_ = 	snop  }
0x4: {  	_ = 	snop  }
0x5: {  	_ = 	snop  }
0x6: {  	_ = 	snop  }
0x7: {  	_ = 	snop  }
__scs_overlays_trampoline_lowered:
0x8: {  	[smem:$0x3FA2] =	sst s0  }
0x9: {  	[smem:$0x3FA3] =	sst s1  }
0xa: {  	[smem:$0x3FA4] =	sst s2  }
0xb: {  	[smem:$0x3FA5] =	sst s3  }
0xc: {  	[smem:$0x3FA6] =	sst s4  }
0xd: {  	[smem:$0x3FA7] =	sst s5  }
0xe: {  	[smem:$0x3FA8] =	sst s6  }
0xf: {  	[smem:$0x3FA9] =	sst s7  }
0x10: {  	[smem:$0x3FAA] =	sst s8  }
0x11: {  	[smem:$0x3FAB] =	sst s9;
	s0 =	simm.s32 @!p0 $0x0  }
0x12: {  	s1 =	sld [smem:$0x3F91];
	s0 =	simm.s32 @p0 $0x1  }
0x13: {  	[smem:$0x3FAC] =	sst s0;
	s0 =	simm.s32 @!p1 $0x0  }
0x14: {  	s2 =	sld [smem:$0x3F90];
	s0 =	simm.s32 @p1 $0x1  }
0x15: {  	[smem:$0x3FAD] =	sst s0;
	s0 =	simm.s32 @!p2 $0x0  }
0x16: {  	s3 =	sld [smem:$0x3FDB];
	s0 =	simm.s32 @p2 $0x1  }
0x17: {  	s4 =	simm.s32 $0x1BF5;
	[smem:$0x3FAF] =	sst s0  }
0x18: {  	s0 =	sld [smem:$0x3F92];
	_ =	swait.ge [sflag:s4], $0x0  }
0x19: {  	s7 =	sld [smem:$0x3F93]  }
0x1a: {  	s8 =	sadd.s32 $0xFFFFE003, lr  }
0x1b: {  	s9 =	sadd.s32 $0xFFFFFEF7, lr;
	s5 =	simm.s32 $0xFFFFFFFF;
	p2 =	slt.u32 s8, $0xFFFFF086  }
0x1c: {  	p1 =	slt.u32 s9, $0xF7A;
	s5 =	simm.s32 @!p2 $0x0  }
0x1d: {  	s5 =	simm.s32 @p1 $0x1;
	p0 =	seq.s32 s7, s2  }
0x1e: {  	s7 =	smul.u32 @!p0 $0xF7A, s2;
	p2 =	seq.s32 @!p0 s5, $0x0  }
0x1f: {  	s9 =	smul.u32 $0xF7A, s1;
	s8 =	simm.s32 @!p0 $0x1BF5;
	p2 =	por !p2, p0  }
0x20: {  	[sflag:s8] =	ssyncset.s32 @!p0 $0xFFFFF086;
	s6 =	sadd.s32 @!p0 s3, s7;
	s7 =	simm.s32 @!p0 $0x108  }
0x21: {  	s3 =	sadd.s32 s3, s9;
	s6 =	sadd.s32 @!p0 $0x88, s6;
	s7 =	simm.s32 @p2 $0x1082  }
0x22: {  	[simem:s7], [sflag:s8] =	dma.local @!p0 [hbm:s6], $0xF7A  }
0x23: {  	s9 =	sor.u32 $0xD0000000, s2;
	s6 =	simm.s32 $0x108;
	_ =	swait.ge @!p0 [sflag:s8], $0x0  }
0x24: {  	s3 =	sadd.s32 $0x88, s3;
	s6 =	simm.s32 @!p1 $0x1082;
	[sflag:s4] =	ssyncset.s32 $0xFFFFF086  }
0x25: {  	[simem:s6], [sflag:s4] =	dma.local [hbm:s3], $0xF7A  }
0x26: {  	[smem:$0x3F93] =	sst s1;
	(tag) =	ssettag s2;
	_ =	strace s9  }
0x27: {  	s1 =	sld [smem:$0x3FA3]  }
0x28: {  	s2 =	sld [smem:$0x3FA4]  }
0x29: {  	s4 =	sld [smem:$0x3FA6]  }
0x2a: {  	p0 =	seq.s32 s5, $0x0;
	s5 =	sld [smem:$0x3FA7]  }
0x2b: {  	s6 =	sld [smem:$0x3FA8]  }
0x2c: {  	s7 =	sld [smem:$0x3FA9]  }
0x2d: {  	s3 =	simm.s32 $0x108;
	s8 =	sld [smem:$0x3FAA]  }
0x2e: {  	s3 =	simm.s32 @!p0 $0x1082;
	s9 =	sld [smem:$0x3FAB]  }
0x2f: {  	lr =	sadd.s32 s0, s3;
	s0 =	sld [smem:$0x3FA2]  }
0x30: {  	s3 =	sld [smem:$0x3FA5]  }
0x31: {  	[smem:$0x3FAE] =	sst s10  }
0x32: {  	s10 =	sld [smem:$0x3FAC];
	_ =	sdelay $0x3  }
0x33: {  	p0 =	seq.s32 s10, $0x1;
	s10 =	sld [smem:$0x3FAE];
	_ =	sdelay $0x3  }
0x34: {  	[smem:$0x3FAE] =	sst s10  }
0x35: {  	s10 =	sld [smem:$0x3FAD];
	_ =	sdelay $0x3  }
0x36: {  	p1 =	seq.s32 s10, $0x1;
	s10 =	sld [smem:$0x3FAE];
	_ =	sdelay $0x3  }
0x37: {  	[smem:$0x3FAE] =	sst s10  }
0x38: {  	s10 =	sld [smem:$0x3FAF]  }
0x39: {  	_ = 	snop;
	(pc) =	sbr.ind lr, $3  }
0x3a: {  	_ = 	snop  }
0x3b: {  	_ = 	snop  }
0x3c: {  	p2 =	seq.s32 s10, $0x1;
	s10 =	sld [smem:$0x3FAE]  }
0x3d: {  	_ =	shalt  }
0x3e: {  	_ =	shalt  }
0x3f: {  	_ =	shalt  }
0x40: {  	_ =	shalt  }
0x41: {  	_ =	shalt  }
0x42: {  	_ =	shalt  }
0x43: {  	_ =	shalt  }
0x44: {  	_ =	shalt  }
0x45: {  	_ =	shalt  }
0x46: {  	_ =	shalt  }
0x47: {  	_ =	shalt  }
0x48: {  	_ =	shalt  }
0x49: {  	_ =	shalt  }
0x4a: {  	_ =	shalt  }
0x4b: {  	_ =	shalt  }
0x4c: {  	_ =	shalt  }
0x4d: {  	_ =	shalt  }
0x4e: {  	_ =	shalt  }
0x4f: {  	_ =	shalt  }
0x50: {  	_ =	shalt  }
0x51: {  	_ =	shalt  }
0x52: {  	_ =	shalt  }
0x53: {  	_ =	shalt  }
0x54: {  	_ =	shalt  }
0x55: {  	_ =	shalt  }
0x56: {  	_ =	shalt  }
0x57: {  	_ =	shalt  }
0x58: {  	_ =	shalt  }
0x59: {  	_ =	shalt  }
0x5a: {  	_ =	shalt  }
0x5b: {  	_ =	shalt  }
0x5c: {  	_ =	shalt  }
0x5d: {  	_ =	shalt  }
0x5e: {  	_ =	shalt  }
0x5f: {  	_ =	shalt  }
0x60: {  	_ =	shalt  }
0x61: {  	_ =	shalt  }
0x62: {  	_ =	shalt  }
0x63: {  	_ =	shalt  }
0x64: {  	_ =	shalt  }
0x65: {  	_ =	shalt  }
0x66: {  	_ =	shalt  }
0x67: {  	_ =	shalt  }
0x68: {  	_ =	shalt  }
0x69: {  	_ =	shalt  }
0x6a: {  	_ =	shalt  }
0x6b: {  	_ =	shalt  }
0x6c: {  	_ =	shalt  }
0x6d: {  	_ =	shalt  }
0x6e: {  	_ =	shalt  }
0x6f: {  	_ =	shalt  }
0x70: {  	_ =	shalt  }
0x71: {  	_ =	shalt  }
0x72: {  	_ =	shalt  }
0x73: {  	_ =	shalt  }
0x74: {  	_ =	shalt  }
0x75: {  	_ =	shalt  }
0x76: {  	_ =	shalt  }
0x77: {  	_ =	shalt  }
0x78: {  	_ =	shalt  }
0x79: {  	_ =	shalt  }
0x7a: {  	_ =	shalt  }
0x7b: {  	_ =	shalt  }
0x7c: {  	_ =	shalt  }
0x7d: {  	_ =	shalt  }
0x7e: {  	_ =	shalt  }
0x7f: {  	_ =	shalt  }
0x80: {  	_ =	shalt  }
0x81: {  	_ =	shalt  }
0x82: {  	_ =	shalt  }
0x83: {  	_ =	shalt  }
0x84: {  	_ =	shalt  }
0x85: {  	_ =	shalt  }
0x86: {  	_ =	shalt  }
0x87: {  	_ =	shalt  }
.Lfunc_end0:
.L_simem_size_0:
called_computation_lowered:
.L_overlay_start_0:
0x88: {  	s2 =	sld [smem:$0x3FD9]  }
0x89: {  	s3 =	sld [smem:$0x3FFE];
	_ =	sdelay $0x1  }
0x8a: {  	s1 =	srdreg.scid  }
0x8b: {  	s0 =	sand.u32 $0x1, s1  }
0x8c: {  	s14 =	sshll.u32 s0, $0xA;
	s2 =	sadd.s32 s3, s2  }
0x8d: {  	s2 =	sadd.s32 s2, s14  }
0x8e: {  	[smem:$0x3FBA] =	sst s2  }
0x8f: {  	_ = 	snop  }
0x90: {  	s2 =	sld [smem:$0x3FD0];
	_ =	sdelay $0x1  }
0x91: {  	s15 =	sld [smem:$0x3FC9]  }
0x92: {  	s5 =	simm.s32 $0xA;
	s6 =	simm.s32 $0x10;
	s4 =	sld [smem:$0x3FC8]  }
0x93: {  	[smem:s6], [sflag:s5] =	dma.local [hbm:s2], $0x1  }
0x94: {  	_ =	swait.eq [sflag:s5], $0x1  }
0x95: {  	[sflag:s5] =	ssyncset.done $0x0  }
0x96: {  	s16 =	sld [smem:$0x10];
	[sflag:s5] =	ssyncadd.s32 $0xFFFFFFFF  }
0x97: {  	s17 =	sld [smem:$0x11];
	(tm) =	ssettm $0x1  }
0x98: {  	s18 =	sld [smem:$0x3FFB];
	_ =	sdelay $0x3  }
0x99: {  	_ =	strace s18  }
0x9a: {  	s6 =	sld [smem:$0x3FFC];
	_ =	sdelay $0x3  }
0x9b: {  	_ =	strace s6  }
0x9c: {  	s6 =	sld [smem:$0x3FFD];
	_ =	sdelay $0x3  }
0x9d: {  	_ =	strace s6  }
0x9e: {  	_ =	strace $0x8FFFFFFF  }
0x9f: {  	s19 =	sld [smem:$0x3FDB];
	_ =	sdelay $0x1  }
0xa0: {  	s7 =	simm.s32 $_scs_section_size  }
0xa1: {  	s8 =	simm.s32 $_size__tile_overlayer_lowered;
	s9 =	simm.s32 $_tile_overlayer_lowered  }
0xa2: {  	s22 =	simm.s32 $0x1BFF;
	s21 =	sshll.u32 s9, $0x1;
	s6 =	sadd.s32 s7, s19  }
0xa3: {  	s10 =	simm.s32 $0x0;
	s20 =	sshll.u32 s8, $0x1;
	s8 =	sadd.s32 s21, s6  }
0xa4: {  	[timem:s10], [sflag:s22] =	dma.local [hbm:s8], s20  }
0xa5: {  	_ =	swait.ge [sflag:s22], s20  }
0xa6: {  	s7 =	ssub.s32 $0x0, s20;
	[sflag:s22] =	ssyncset.done $0x0  }
0xa7: {  	[sflag:s22] =	ssyncadd.s32 s7;
	_ =	sdelay $0x1  }
0xa8: {  	s23 =	simm.s32 $0x1B8B  }
0xa9: {  	_ =	swait.ge [sflag:s23], $0x1  }
0xaa: {  	[sflag:s23] =	ssyncset.done $0x0  }
0xab: {  	s25 =	simm.s32 $0x1B8E;
	s24 =	sld [smem:$0x3FFE];
	[sflag:s23] =	ssyncadd.s32 $0xFFFFFFFF  }
0xac: {  	s26 =	simm.s32 $execute0_lowered;
	[smem:$0x3FD2] =	sst s25  }
0xad: {  	s8 =	sshll.u32 s26, $0x1;
	_ =	strace $0x80000046;
	[dreg:$0x1] =	wrdreg $0xFFFFFFFF  }
0xae: {  	s28 =	simm.s32 $_size_execute0_lowered;
	s6 =	sadd.s32 s6, s8;
	[dreg:$0x0] =	wrdreg $0x0  }
0xaf: {  	s8 =	sshll.u32 s28, $0x1;
	[dreg:$0x2] =	wrdreg s6  }
0xb0: {  	[dreg:$0x3] =	wrdreg s8  }
0xb1: {  	[dreg:$0x4] =	wrdreg $0xC0  }
0xb2: {  	_ =	task [dreg:s10], $0x5FFFF  }
0xb3: {  	[dreg:$0x1] =	wrdreg $0xFFFFFFFF  }
0xb4: {  	[dreg:$0x0] =	wrdreg $0x60  }
0xb5: {  	[dreg:$0x2] =	wrdreg s15  }
0xb6: {  	[dreg:$0x3] =	wrdreg s4  }
0xb7: {  	[dreg:$0x4] =	wrdreg s24  }
0xb8: {  	[dreg:$0x5] =	wrdreg s17  }
0xb9: {  	[dreg:$0x6] =	wrdreg s16  }
0xba: {  	[dreg:$0x7] =	wrdreg $0x0  }
0xbb: {  	[dreg:$0x8] =	wrdreg $0x138800  }
0xbc: {  	[dreg:$0x9] =	wrdreg $0x13B000  }
0xbd: {  	[dreg:$0xa] =	wrdreg $0x9  }
0xbe: {  	_ =	task.clear_ibuf [dreg:s10], $0xBFFFF;
	_ =	strace $0x90000046  }
0xbf: {  	s29 =	simm.s32 $0x9;
	_ =	strace $0x80000048  }
0xc0: {  	_ =	swait.ge [sflag:s29], $0x1  }
0xc1: {  	[sflag:s29] =	ssyncadd.s32 $0xFFFFFFFF  }
0xc2: {  	_ =	strace $0x90000048  }
0xc3: {  	_ =	sfence  }
0xc4: {  	s30 =	sld [smem:$0x0];
	_ =	sdelay $0x2  }
0xc5: {  	s31 =	sshll.u32 s1, $0xD;
	s1 =	sshrl.u32 s1, $0x2  }
0xc6: {  	s3 =	sand.u32 $0x4000, s31;
	s1 =	sadd.s32 s1, s30  }
0xc7: {  	s0 =	sor.u32 s3, s0;
	s1 =	sshll.u32 s1, $0x11  }
0xc8: {  	s0 =	sor.u32 s1, s0  }
0xc9: {  	s0 =	sadd.s32 $0x8F2B, s0  }
0xca: {  	[sflag:s0] =	ssyncadd.remote.s32 $0x1  }
0xcb: {  	_ =	sfence.sel $0xFFFF  }
0xcc: {  	[dreg:$0x0] =	wrdreg $0xFFFFFFFF;
	(pc) =	sbr.abs _section_cstart, $3  }
0xcd: {  	[dreg:$0x1] =	wrdreg $0xFFFFFFFF  }
0xce: {  	_ =	task.clear_ibuf [dreg:s10], $0x2FFFF;
	_ =	strace $0x9FFFFFFF  }
0xcf: {  	(tm) =	ssettm $0x7FFFFFFF  }
tec
execute0_lowered:
.L_overlay_start_1:
0x0: {  	(tag) =	ssettag $0x1  }
0x1: {  	s10 =	rddreg [dreg:$0x0]  }
0x2: {  	s0 =	rddreg [dreg:$0x2]  }
0x3: {  	s5 =	rddreg [dreg:$0x5]  }
0x4: {  	s6 =	rddreg [dreg:$0x6]  }
0x5: {  	s7 =	rddreg [dreg:$0x7];
	s8 =	simm.s32 $0x0  }
0x6: {  	s1 =	srdreg.scid;
	s16 =	stileid.u32;
	s30 =	simm.s32 $0x40  }
0x7: {  	s31 =	simm.s32 $0x13F80;
	s28 =	simm.s32 $0x14080;
	s29 =	simm.s32 $0x14000  }
0x8: {  	[smem:$0x7FF] =	sst s8;
	s9 =	sadd.s32 $0x16400, s0;
	s12 =	sadd.s32 $0x20200, s0  }
0x9: {  	s13 =	sadd.s32 $0xC600, s0;
	s17 =	sadd.s32 $0x2800, s0;
	s1 =	sand.u32 $0x1, s1  }
0xa: {  	s2 =	sadd.s32 $0x2000, s0;
	s15 =	smul.u32 $0x272, s16;
	s3 =	sadd.s32 $0x2A000, s0  }
0xb: {  	s4 =	smul.u32 $0x9C4, s16;
	_ =	strace $0x80000047;
	[dreg:$0xf] =	wrdreg s2  }
0xc: {  	s11 =	sadd.s32 $0x2A600, s0;
	s22 =	smul.u32 $0x4E20, s16;
	[dreg:$0x10] =	wrdreg s3  }
0xd: {  	s0 =	sadd.s32 $0x2400, s0;
	p1 =	seq.s32 s16, $0x0;
	[dreg:$0x11] =	wrdreg s11  }
0xe: {  	p2 =	sne.s32 s16, $0x1;
	p3 =	seq.s32 s16, $0x1;
	[dreg:$0x12] =	wrdreg s0  }
0xf: {  	s16 =	simm.s32 $0x13F00;
	s19 =	ssub.s32 $0x2, s1;
	[dreg:$0xd] =	wrdreg s13  }
0x10: {  	p0 =	sne.s32 s1, $0x0;
	[dreg:$0xe] =	wrdreg s17;
	s14 =	sadd.s32 s4, s17  }
0x11: {  	s11 =	simm.s32 $0x7;
	s23 =	sadd.s32 s4, s13;
	[dreg:$0x9] =	wrdreg s14  }
0x12: {  	s1 =	simm.s32 $0x0;
	s25 =	sadd.s32 s4, s12;
	[dreg:$0xa] =	wrdreg s23  }
0x13: {  	s24 =	sshrl.u32 s22, $0x3;
	s4 =	sadd.s32 s4, s9;
	[dreg:$0xb] =	wrdreg s25  }
0x14: {  	s20 =	sshrl.u32 s19, $0x1;
	s26 =	sadd.s32 s13, s24;
	[dreg:$0xc] =	wrdreg s4  }
0x15: {  	s21 =	smin.u32 s15, $0x249E;
	s18 =	sadd.s32 s17, s24;
	[dreg:$0x13] =	wrdreg s26  }
0x16: {  	s2 =	ssub.s32 s19, s20;
	s19 =	sadd.s32 $0x40, s22;
	[dreg:$0x14] =	wrdreg s18  }
0x17: {  	s3 =	sadd.s32 $0x271, s21;
	s21 =	sadd.s32 s9, s24;
	[dreg:$0x15] =	wrdreg s19  }
0x18: {  	s20 =	sadd.s32 $0x9C0, s24;
	s22 =	sadd.s32 s12, s24;
	[dreg:$0x16] =	wrdreg s21  }
0x19: {  	s14 =	simm.s32 $0x1;
	[dreg:$0x17] =	wrdreg s22;
	s23 =	sadd.s32 s13, s20  }
0x1a: {  	s24 =	sadd.s32 s17, s20;
	s25 =	sadd.s32 s9, s20;
	s13 =	smov.u32 s12  }
0x1b: {  	s0 =	sadd.s32 s12, s20;
	s26 =	smax.u32 s2, $0x1;
	s2 =	simm.s32 $0x14100  }
0x1c: {  	s17 =	simm.s32 $0x18180;
	s19 =	simm.s32 $0x18200;
	[dreg:$0x18] =	wrdreg s23  }
.Ltmp0:
0x1d: {  	s20 =	simm.s32 $0x16100;
	[dreg:$0x19] =	wrdreg s24;
	(pc) =	sbr.rel .LBB2_1-.Ltmp0, $4  }
0x1e: {  	s22 =	simm.s32 $0x3;
	s18 =	simm.s32 $0x2;
	[dreg:$0x1a] =	wrdreg s25  }
0x1f: {  	v1 =	vimm.f32 $0.0e+00;
	v2 =	vlaneseq.u32;
	v7 =	vimm.s32 $0x4F;
	s21 =	simm.s32 $0x18280;
	s12 =	smov.u32 s9;
	[dreg:$0x1b] =	wrdreg s0  }
0x20: {  	v3 =	vor.u32 $0x10, v2;
	v4 =	vor.u32 $0x20, v2;
	v5 =	vor.u32 $0x30, v2;
	[dreg:$0x1c] =	wrdreg s26;
	s23 =	simm.s32 $0x4;
	s24 =	simm.s32 $0x5  }
0x21: {  	v6 =	vor.u32 $0x40, v2;
	vm0 =	vcmask @!p2 $0x1F10;
	v0 =	vmov s3;
	s25 =	simm.s32 $0x6;
	s26 =	simm.s32 $0x18100;
	[dreg:$0x1e] =	wrdreg s12  }
.LBB2_16:
0x22: {  	[tilespmem:$0x13F80] =	vst v2  }
0x23: {  	[tilespmem:$0x13F90] =	vst v3  }
0x24: {  	[tilespmem:$0x13FA0] =	vst v4  }
0x25: {  	[tilespmem:$0x13FB0] =	vst v5  }
0x26: {  	[tilespmem:s20], [sflag:$0x1] =	stream.indirect.gather [spmem:s6], $0x80, s31, s30, $0xb8;
	[tilespmem:$0x18500] =	vst v63  }
0x27: {  	_ =	swait.ge [sflag:s14], $0x2000  }
0x28: {  	[sflag:s14] =	ssyncset.done $0x0  }
0x29: {  	[sflag:s14] =	ssyncadd.s32 $0xFFFFE000  }
0x2a: {  	[hbm4b:s0+s30] =	stream.indirect.scatter [tilespmem:s20], [sflag:$0x7], $0x80, s31, s30, $0xb8;
	[tilespmem:$0x18500] =	vst v63  }
0x2b: {  	_ =	swait.ge [sflag:s11], $0x2000  }
0x2c: {  	[sflag:s11] =	ssyncset.done $0x0  }
0x2d: {  	[sflag:s11] =	ssyncadd.s32 $0xFFFFE000  }
0x2e: {  	[tilespmem:$0x13F80] =	vst v6  }
0x2f: {  	[tilespmem:$0x13F90] =	vst v7  }
0x30: {  	[tilespmem:$0x13FA0] =	vst v7  }
0x31: {  	[tilespmem:$0x13FB0] =	vst v7  }
0x32: {  	[tilespmem:s20], [sflag:$0x1] =	stream.indirect.gather [spmem:s6], $0x80, s31, s30, $0xb8;
	[tilespmem:$0x18500] =	vst v63  }
0x33: {  	_ =	swait.ge [sflag:s14], $0x2000  }
0x34: {  	[sflag:s14] =	ssyncset.done $0x0  }
0x35: {  	[sflag:s14] =	ssyncadd.s32 $0xFFFFE000  }
0x36: {  	[hbm4b:s0+s30] =	stream.indirect.scatter [tilespmem:s20], [sflag:$0x7], $0x80, s31, s30, $0xb8;
	[tilespmem:$0x18500] =	vst v63  }
0x37: {  	_ =	swait.ge [sflag:s11], $0x2000  }
0x38: {  	[sflag:s11] =	ssyncset.done $0x0  }
0x39: {  	[sflag:s11] =	ssyncadd.s32 $0xFFFFE000  }
.LBB2_17:
0x3a: {  	s1 =	sadd.s32 $0x1, s1;
	s0 =	rddreg [dreg:$0x1c]  }
0x3b: {  	p4 =	sne.s32 s1, s0  }
.Ltmp1:
0x3c: {  	_ = 	snop;
	(pc) =	sbr.rel @!p4 .LBB2_18-.Ltmp1, $2  }
0x3d: {  	_ =	sdelay $0x2  }
0x3e: {  	s10 =	rddreg [dreg:$0x0]  }
.LBB2_1:
0x3f: {  	[dreg:$0x1d] =	wrdreg s1  }
0x40: {  	s3 =	simm.s32 @p1 $0x0;
	s1 =	simm.s32 @p1 $0x14100;
	s0 =	rddreg [dreg:$0xf]  }
0x41: {  	[tilespmem:s1], [sflag:$0x7] =	stream.linear.gather @p1 [hbm4b:s0+s3], $0x2000, $0x38;
	[tilespmem:$0x18500] =	vst v63  }
0x42: {  	s3 =	simm.s32 @p1 $0x7  }
0x43: {  	_ =	swait.ge @p1 [sflag:s3], $0x2000  }
0x44: {  	[sflag:s3] =	ssyncset.done @p1 $0x0  }
0x45: {  	v8 =	vlaneseq.u32 @p1;
	[sflag:s3] =	ssyncadd.s32 @p1 $0xFFFFE000  }
0x46: {  	v9 =	vor.u32 @p1 $0x10, v8;
	[tilespmem:$0x13F80] =	vst @p1 v8  }
0x47: {  	[tilespmem:$0x13F90] =	vst @p1 v9;
	v9 =	vor.u32 @p1 $0x20, v8  }
0x48: {  	[tilespmem:$0x13FA0] =	vst @p1 v9;
	v9 =	vor.u32 @p1 $0x30, v8  }
0x49: {  	s4 =	simm.s32 @p1 $0x40;
	s0 =	simm.s32 @p1 $0x13F80;
	[tilespmem:$0x13FB0] =	vst @p1 v9  }
0x4a: {  	[spmem:s7] =	stream.indirect.scatter @p1 [tilespmem:s1], [sflag:$0x7], $0x80, s0, s4, $0xb8;
	[tilespmem:$0x18500] =	vst v63  }
0x4b: {  	_ =	swait.ge @p1 [sflag:s3], $0x2000  }
0x4c: {  	[sflag:s3] =	ssyncset.done @p1 $0x0  }
0x4d: {  	s4 =	simm.s32 @p1 $0x0;
	s9 =	rddreg [dreg:$0x12];
	[sflag:s3] =	ssyncadd.s32 @p1 $0xFFFFE000  }
0x4e: {  	[tilespmem:s1], [sflag:$0x7] =	stream.linear.gather @p1 [hbm4b:s9+s4], $0x2000, $0x38;
	[tilespmem:$0x18500] =	vst v63  }
0x4f: {  	_ =	swait.ge @p1 [sflag:s3], $0x2000  }
0x50: {  	[sflag:s3] =	ssyncset.done @p1 $0x0  }
0x51: {  	v9 =	vor.u32 @p1 $0x40, v8;
	[sflag:s3] =	ssyncadd.s32 @p1 $0xFFFFE000  }
0x52: {  	[tilespmem:$0x13F80] =	vst @p1 v9;
	v9 =	vor.u32 @p1 $0x50, v8  }
0x53: {  	[tilespmem:$0x13F90] =	vst @p1 v9;
	v9 =	vor.u32 @p1 $0x60, v8  }
0x54: {  	v8 =	vor.u32 @p1 $0x70, v8;
	[tilespmem:$0x13FA0] =	vst @p1 v9  }
0x55: {  	s4 =	simm.s32 @p1 $0x40;
	[tilespmem:$0x13FB0] =	vst @p1 v8  }
0x56: {  	[spmem:s7] =	stream.indirect.scatter @p1 [tilespmem:s1], [sflag:$0x7], $0x80, s0, s4, $0xb8;
	[tilespmem:$0x18500] =	vst v63  }
0x57: {  	_ =	swait.ge @p1 [sflag:s3], $0x2000  }
0x58: {  	[sflag:s3] =	ssyncset.done @p1 $0x0  }
0x59: {  	s0 =	simm.s32 $0x40;
	s1 =	simm.s32 $0x0;
	[sflag:s3] =	ssyncadd.s32 @p1 $0xFFFFE000  }
.LBB2_2:
0x5a: {  	p4 =	seq.s32 s0, $0x7FC0;
	[tilespmem:s1+$0x14100] =	vst v1;
	s3 =	smov.u32 s0;
	s0 =	sadd.s32 $0x40, s0  }
.Ltmp2:
0x5b: {  	[tilespmem:s1+$0x16100] =	vst v1;
	(pc) =	sbr.rel @!p4 .LBB2_2-.Ltmp2, $2  }
0x5c: {  	_ =	sdelay $0x2  }
0x5d: {  	s1 =	sshra.s32 s3, $0x2  }
0x5e: {  	s0 =	sadd.s32 $0x0, s15  }
0x5f: {  	v9 =	vadd.s32 s0, v2;
	s9 =	sadd.s32 $0x30, s0  }
0x60: {  	[tilespmem:s1+$0x14100] =	vst v1;
	s3 =	sadd.s32 $0x20, s0;
	vm1 =	vlt.s32 v9, v0;
	v8 =	vadd.s32 s9, v2  }
0x61: {  	[tilespmem:s1+$0x16100] =	vst v1;
	s1 =	sadd.s32 $0x10, s0;
	s0 =	simm.s32 $0x40;
	v10 =	vsel vm1, v9, v0;
	v9 =	vadd.s32 s3, v2;
	vm1 =	vlt.s32 v8, v0  }
.LBB2_4:
0x62: {  	p4 =	sne.s32 s0, $0x240;
	[tilespmem:$0x13F80] =	vst v10;
	v10 =	vadd.s32 s1, v2;
	vm2 =	vlt.s32 v9, v0;
	v8 =	vsel vm1, v8, v0  }
0x63: {  	vm1 =	vlt.s32 v10, v0;
	v9 =	vsel vm2, v9, v0;
	[tilespmem:$0x13FB0] =	vst v8  }
.Ltmp3:
0x64: {  	s1 =	sadd.s32 s0, s15;
	v8 =	vsel vm1, v10, v0;
	[tilespmem:$0x13FA0] =	vst v9;
	(pc) =	sbr.rel @p4 .LBB2_4-.Ltmp3, $4  }
0x65: {  	[tilespmem:$0x13F90] =	vst v8;
	[spmem:s5] =	stream.indirect.scatter [tilespmem:s2], [sflag:$0x7], $0x80, s31, s30, $0xb8  }
0x66: {  	s3 =	sadd.s32 $0x30, s1;
	v9 =	vadd.s32 s1, v2;
	_ =	swait.ge [sflag:s11], $0x2000  }
0x67: {  	s4 =	sadd.s32 $0x20, s1;
	vm1 =	vlt.s32 v9, v0;
	v8 =	vadd.s32 s3, v2;
	[sflag:s11] =	ssyncset.done $0x0  }
0x68: {  	s0 =	sadd.s32 $0x40, s0;
	s1 =	sadd.s32 $0x10, s1;
	v10 =	vsel vm1, v9, v0;
	v9 =	vadd.s32 s4, v2;
	vm1 =	vlt.s32 v8, v0;
	[sflag:s11] =	ssyncadd.s32 $0xFFFFE000  }
0x69: {  	[tilespmem:$0x13F80] =	vst v10;
	v63 =	vadd.s32 s1, v2;
	vm2 =	vlt.s32 v9, v0;
	v8 =	vsel vm1, v8, v0  }
0x6a: {  	vm1 =	vlt.s32 v63, v0;
	v9 =	vsel vm2, v9, v0;
	[tilespmem:$0x13FB0] =	vst v8  }
0x6b: {  	v8 =	vsel vm1, v63, v0;
	[tilespmem:$0x13FA0] =	vst v9  }
0x6c: {  	[tilespmem:$0x13F90] =	vst v8  }
0x6d: {  	[spmem:s5] =	stream.indirect.scatter [tilespmem:s2], [sflag:$0x7], $0x80, s31, s30, $0xb8;
	[tilespmem:$0x18500] =	vst v63  }
0x6e: {  	_ =	swait.ge [sflag:s11], $0x2000  }
0x6f: {  	[sflag:s11] =	ssyncset.done $0x0  }
0x70: {  	v8 =	vlaneseq.u32 @!p2;
	[sflag:s11] =	ssyncadd.s32 $0xFFFFE000  }
0x71: {  	v9 =	vor.u32 @!p2 $0x10, v8;
	[tilespmem:$0x13F80] =	vst @!p2 v8  }
0x72: {  	[tilespmem:$0x13F90] =	vst @!p2 v9;
	v9 =	vor.u32 @!p2 $0x20, v8  }
0x73: {  	v10 =	vimm.s32 @!p2 $0x43424140;
	v8 =	vor.u32 @!p2 $0x30, v8;
	[tilespmem:$0x13FA0] =	vst @!p2 v9;
	v9 =	vimm.s32 @!p2 $0x4B4A4948  }
0x74: {  	s0 =	simm.s32 @!p2 $0x13F80;
	v11 =	vimm.s32 @!p2 $0x47464544;
	[tilespmem:$0x13FB0] =	vst @!p2 v8;
	v8 =	vunpack.c.0.s8.s32 @!p2 v9;
	v9 =	vimm.s32 @!p2 $0x4E4E4D4C  }
0x75: {  	s1 =	simm.s32 @!p2 $0x14100;
	s3 =	simm.s32 @!p2 $0x40;
	s4 =	simm.s32 @!p2 $0x7;
	v10 =	vunpack.c.0.s8.s32 @!p2 v10;
	v11 =	vunpack.c.0.s8.s32 @!p2 v11;
	v9 =	vunpack.c.0.s8.s32 @!p2 v9  }
0x76: {  	[spmem:s6] =	stream.indirect.scatter @!p2 [tilespmem:s1], [sflag:$0x7], $0x80, s0, s3, $0xb8;
	[tilespmem:$0x18500] =	vst v63  }
0x77: {  	_ =	swait.ge @!p2 [sflag:s4], $0x2000;
	v8 =	vsel @!p2 vm0, v9, v8;
	v9 =	vsel @!p2 vm0, v11, v10  }
0x78: {  	[sflag:s4] =	ssyncset.done @!p2 $0x0;
	v8 =	vcombine.low @!p2 v9, v8  }
0x79: {  	[sflag:s4] =	ssyncadd.s32 @!p2 $0xFFFFE000  }
0x7a: {  	[tilespmem:$0x13F80] =	vst @!p2 v8;
	v8 =	vimm.s32 @!p2 $0x4E  }
0x7b: {  	[tilespmem:$0x13F90] =	vst @!p2 v8  }
0x7c: {  	[tilespmem:$0x13FA0] =	vst @!p2 v8  }
0x7d: {  	[tilespmem:$0x13FB0] =	vst @!p2 v8  }
0x7e: {  	[spmem:s6] =	stream.indirect.scatter @!p2 [tilespmem:s1], [sflag:$0x7], $0x80, s0, s3, $0xb8;
	[tilespmem:$0x18500] =	vst v63  }
.Ltmp4:
0x7f: {  	_ =	swait.ge @!p2 [sflag:s4], $0x2000;
	(pc) =	sbr.rel @p0 .LBB2_11-.Ltmp4, $3  }
0x80: {  	[sflag:s4] =	ssyncset.done @!p2 $0x0  }
0x81: {  	[sflag:s4] =	ssyncadd.s32 @!p2 $0xFFFFE000  }
0x82: {  	[bflag:$0x0] =	sbarrier.arrive $0xFFFF;
	_ =	sdelay $0x1  }
0x83: {  	s0 =	rddreg [dreg:$0x16]  }
0x84: {  	[tilespmem:s16], [sflag:$0x3] =	stream.linear.gather [hbm4b:s0+s8], $0x40, $0x38;
	[tilespmem:$0x18500] =	vst v63  }
0x85: {  	s4 =	rddreg [dreg:$0x17]  }
0x86: {  	[tilespmem:s31], [sflag:$0x4] =	stream.linear.gather [hbm4b:s4+s8], $0x40, $0x38;
	[tilespmem:$0x18500] =	vst v63  }
0x87: {  	[tilespmem:$0x18180] =	vst v2  }
0x88: {  	[tilespmem:$0x18200] =	vst v2  }
0x89: {  	[tilespmem:$0x18190] =	vst v3  }
0x8a: {  	[tilespmem:$0x18210] =	vst v3  }
0x8b: {  	[tilespmem:$0x181A0] =	vst v4  }
0x8c: {  	[tilespmem:$0x18220] =	vst v4  }
0x8d: {  	[tilespmem:$0x181B0] =	vst v5  }
0x8e: {  	[tilespmem:$0x18230] =	vst v5  }
0x8f: {  	[spmem:s5] =	stream.indirect.scatter.add.f32 [tilespmem:s2], [sflag:$0x5], $0x80, s17, s30, $0xb8;
	[tilespmem:$0x18500] =	vst v63  }
0x90: {  	_ = 	snop  }
0x91: {  	[spmem:s6] =	stream.indirect.scatter.add.f32 [tilespmem:s20], [sflag:$0x6], $0x80, s19, s30, $0xb8;
	[tilespmem:$0x18500] =	vst v63  }
0x92: {  	_ =	swait.ge [sflag:s22], $0x40  }
0x93: {  	[sflag:s22] =	ssyncset.done $0x0  }
0x94: {  	[sflag:s22] =	ssyncadd.s32 $0xFFFFFFC0  }
0x95: {  	_ =	swait.ge [sflag:s23], $0x40  }
0x96: {  	[sflag:s23] =	ssyncset.done $0x0  }
0x97: {  	[sflag:s23] =	ssyncadd.s32 $0xFFFFFFC0  }
0x98: {  	v8 =	vld [tilespmem:$0x13FB0];
	_ =	sdelay $0x1  }
0x99: {  	v9 =	vld [tilespmem:$0x13FA0]  }
0x9a: {  	v11 =	vld [tilespmem:$0x13F90];
	_ =	sdelay $0x1  }
0x9b: {  	v10 =	vld [tilespmem:$0x13F80];
	v12 =	vshra.s32 v8, $0x7  }
0x9c: {  	v8 =	vand.u32 $0x7F, v8;
	[tilespmem:$0x14030] =	vst v12  }
0x9d: {  	v54 =	vshra.s32 v9, $0x7;
	[tilespmem:$0x140B0] =	vst v8  }
0x9e: {  	v55 =	vand.u32 $0x7F, v11;
	[tilespmem:$0x14020] =	vst v54  }
0x9f: {  	v9 =	vand.u32 $0x7F, v9;
	[tilespmem:$0x14090] =	vst v55  }
0xa0: {  	v8 =	vshra.s32 v10, $0x7;
	[tilespmem:$0x140A0] =	vst v9  }
0xa1: {  	[tilespmem:$0x14000] =	vst v8;
	v8 =	vand.u32 $0x7F, v10  }
0xa2: {  	[tilespmem:$0x14080] =	vst v8;
	v8 =	vshra.s32 v11, $0x7  }
0xa3: {  	[tilespmem:$0x14010] =	vst v8  }
0xa4: {  	_ =	swait.ge [sflag:s24], $0x2000  }
0xa5: {  	[sflag:s24] =	ssyncset.done $0x0  }
0xa6: {  	[sflag:s24] =	ssyncadd.s32 $0xFFFFE000  }
0xa7: {  	_ =	swait.ge [sflag:s25], $0x2000  }
0xa8: {  	s9 =	rddreg [dreg:$0xc];
	[sflag:s25] =	ssyncset.done $0x0  }
0xa9: {  	s1 =	rddreg [dreg:$0xb];
	[sflag:s25] =	ssyncadd.s32 $0xFFFFE000;
	s0 =	sadd.s32 $0x8, s9  }
0xaa: {  	[tilespmem:s26], [sflag:$0x3] =	stream.linear.gather [hbm4b:s0+s8], $0x40, $0x38;
	[tilespmem:$0x18500] =	vst v63  }
0xab: {  	s3 =	sadd.s32 $0x8, s1  }
0xac: {  	[tilespmem:s17], [sflag:$0x4] =	stream.linear.gather [hbm4b:s3+s8], $0x40, $0x38;
	[tilespmem:$0x18500] =	vst v63  }
0xad: {  	_ = 	snop  }
0xae: {  	[tilespmem:s2], [sflag:$0x1] =	stream.indirect.gather [hbm4b:s10+s30], $0x80, s16, s30, $0xb8;
	[tilespmem:$0x18500] =	vst v63  }
0xaf: {  	_ = 	snop  }
0xb0: {  	[tilespmem:s20], [sflag:$0x2] =	stream.indirect.gather [spmem:s7], $0x80, s28, s30, $0xb8;
	[tilespmem:$0x18500] =	vst v63  }
0xb1: {  	_ =	swait.ge [sflag:s14], $0x2000  }
0xb2: {  	[sflag:s14] =	ssyncset.done $0x0  }
0xb3: {  	[sflag:s14] =	ssyncadd.s32 $0xFFFFE000  }
0xb4: {  	[spmem:s5] =	stream.indirect.scatter.add.f32 [tilespmem:s2], [sflag:$0x5], $0x80, s31, s30, $0xb8;
	[tilespmem:$0x18500] =	vst v63  }
0xb5: {  	_ =	swait.ge [sflag:s18], $0x2000  }
0xb6: {  	[sflag:s18] =	ssyncset.done $0x0  }
0xb7: {  	[sflag:s18] =	ssyncadd.s32 $0xFFFFE000  }
0xb8: {  	[spmem:s6] =	stream.indirect.scatter.add.f32 [tilespmem:s20], [sflag:$0x6], $0x80, s29, s30, $0xb8;
	[tilespmem:$0x18500] =	vst v63  }
0xb9: {  	_ =	swait.ge [sflag:s22], $0x40  }
0xba: {  	[sflag:s22] =	ssyncset.done $0x0  }
0xbb: {  	[sflag:s22] =	ssyncadd.s32 $0xFFFFFFC0  }
0xbc: {  	_ =	swait.ge [sflag:s23], $0x40  }
0xbd: {  	[sflag:s23] =	ssyncset.done $0x0  }
0xbe: {  	[sflag:s23] =	ssyncadd.s32 $0xFFFFFFC0  }
0xbf: {  	v8 =	vld [tilespmem:$0x18180]  }
0xc0: {  	v56 =	vld [tilespmem:$0x18190]  }
0xc1: {  	v57 =	vld [tilespmem:$0x181A0];
	_ =	sdelay $0x1  }
0xc2: {  	v58 =	vld [tilespmem:$0x181B0]  }
0xc3: {  	v59 =	vshra.s32 v8, $0x7  }
0xc4: {  	v60 =	vshra.s32 v56, $0x7;
	[tilespmem:$0x18200] =	vst v59  }
0xc5: {  	v61 =	vshra.s32 v57, $0x7;
	[tilespmem:$0x18210] =	vst v60  }
0xc6: {  	v8 =	vand.u32 $0x7F, v8;
	[tilespmem:$0x18220] =	vst v61  }
0xc7: {  	v62 =	vand.u32 $0x7F, v58;
	[tilespmem:$0x18280] =	vst v8  }
0xc8: {  	v63 =	vand.u32 $0x7F, v57;
	[tilespmem:$0x182B0] =	vst v62  }
0xc9: {  	v8 =	vand.u32 $0x7F, v56;
	[tilespmem:$0x182A0] =	vst v63  }
0xca: {  	[tilespmem:$0x18290] =	vst v8;
	v8 =	vshra.s32 v58, $0x7  }
0xcb: {  	[tilespmem:$0x18230] =	vst v8  }
0xcc: {  	s9 =	rddreg [dreg:$0x15];
	_ =	swait.ge [sflag:s24], $0x2000  }
0xcd: {  	p4 =	slt.s32 s9, $0x4E180;
	s0 =	smov.u32 s9;
	[sflag:s24] =	ssyncset.done $0x0  }
0xce: {  	s0 =	simm.s32 @!p4 $0x4E180;
	[sflag:s24] =	ssyncadd.s32 $0xFFFFE000  }
0xcf: {  	s0 =	sshrl.u32 s0, $0x3;
	_ =	swait.ge [sflag:s25], $0x2000  }
0xd0: {  	s1 =	sadd.s32 $0x8, s0;
	s4 =	rddreg [dreg:$0x1e]  }
0xd1: {  	s3 =	simm.s32 $0x18;
	[sflag:s25] =	ssyncset.done $0x0;
	s0 =	sadd.s32 s4, s1  }
0xd2: {  	s1 =	sadd.s32 s13, s1;
	[sflag:s25] =	ssyncadd.s32 $0xFFFFE000;
	s4 =	sadd.s32 $0x80, s9  }
.LBB2_7:
0xd3: {  	[tilespmem:s16], [sflag:$0x3] =	stream.linear.gather [hbm4b:s0+s8], $0x40, $0x38;
	[tilespmem:$0x18500] =	vst v63  }
0xd4: {  	_ = 	snop  }
0xd5: {  	[tilespmem:s31], [sflag:$0x4] =	stream.linear.gather [hbm4b:s1+s8], $0x40, $0x38;
	[tilespmem:$0x18500] =	vst v63  }
0xd6: {  	_ = 	snop  }
0xd7: {  	[tilespmem:s2], [sflag:$0x1] =	stream.indirect.gather [hbm4b:s10+s30], $0x80, s26, s30, $0xb8;
	[tilespmem:$0x18500] =	vst v63  }
0xd8: {  	_ = 	snop  }
0xd9: {  	[tilespmem:s20], [sflag:$0x2] =	stream.indirect.gather [spmem:s7], $0x80, s21, s30, $0xb8;
	[tilespmem:$0x18500] =	vst v63  }
0xda: {  	_ =	swait.ge [sflag:s14], $0x2000  }
0xdb: {  	[sflag:s14] =	ssyncset.done $0x0  }
0xdc: {  	[sflag:s14] =	ssyncadd.s32 $0xFFFFE000  }
0xdd: {  	[spmem:s5] =	stream.indirect.scatter.add.f32 [tilespmem:s2], [sflag:$0x5], $0x80, s17, s30, $0xb8;
	[tilespmem:$0x18500] =	vst v63  }
0xde: {  	_ =	swait.ge [sflag:s18], $0x2000  }
0xdf: {  	[sflag:s18] =	ssyncset.done $0x0  }
0xe0: {  	[sflag:s18] =	ssyncadd.s32 $0xFFFFE000  }
0xe1: {  	[spmem:s6] =	stream.indirect.scatter.add.f32 [tilespmem:s20], [sflag:$0x6], $0x80, s19, s30, $0xb8;
	[tilespmem:$0x18500] =	vst v63  }
0xe2: {  	_ =	swait.ge [sflag:s22], $0x40  }
0xe3: {  	[sflag:s22] =	ssyncset.done $0x0  }
0xe4: {  	[sflag:s22] =	ssyncadd.s32 $0xFFFFFFC0  }
0xe5: {  	_ =	swait.ge [sflag:s23], $0x40  }
0xe6: {  	[sflag:s23] =	ssyncset.done $0x0  }
0xe7: {  	[sflag:s23] =	ssyncadd.s32 $0xFFFFFFC0  }
0xe8: {  	v8 =	vld [tilespmem:$0x13FB0];
	_ =	sdelay $0x1  }
0xe9: {  	v9 =	vld [tilespmem:$0x13FA0]  }
0xea: {  	v10 =	vld [tilespmem:$0x13F80];
	_ =	sdelay $0x1  }
0xeb: {  	v12 =	vshra.s32 v8, $0x7  }
0xec: {  	v11 =	vld [tilespmem:$0x13F90];
	v8 =	vand.u32 $0x7F, v8;
	[tilespmem:$0x14030] =	vst v12  }
0xed: {  	v13 =	vshra.s32 v9, $0x7;
	[tilespmem:$0x140B0] =	vst v8  }
0xee: {  	v56 =	vshra.s32 v10, $0x7;
	[tilespmem:$0x14020] =	vst v13  }
0xef: {  	v10 =	vand.u32 $0x7F, v10;
	[tilespmem:$0x14000] =	vst v56  }
0xf0: {  	v9 =	vand.u32 $0x7F, v9;
	[tilespmem:$0x14080] =	vst v10  }
0xf1: {  	v8 =	vshra.s32 v11, $0x7;
	v11 =	vand.u32 $0x7F, v11;
	[tilespmem:$0x140A0] =	vst v9  }
0xf2: {  	[tilespmem:$0x14090] =	vst v11  }
0xf3: {  	[tilespmem:$0x14010] =	vst v8  }
0xf4: {  	_ =	swait.ge [sflag:s24], $0x2000  }
0xf5: {  	[sflag:s24] =	ssyncset.done $0x0  }
0xf6: {  	[sflag:s24] =	ssyncadd.s32 $0xFFFFE000  }
0xf7: {  	_ =	swait.ge [sflag:s25], $0x2000  }
0xf8: {  	s0 =	smov.u32 s3;
	s1 =	rddreg [dreg:$0xc];
	[sflag:s25] =	ssyncset.done $0x0  }
0xf9: {  	s9 =	rddreg [dreg:$0xb];
	[sflag:s25] =	ssyncadd.s32 $0xFFFFE000;
	s1 =	sadd.s32 s0, s1  }
0xfa: {  	[tilespmem:s26], [sflag:$0x3] =	stream.linear.gather [hbm4b:s1+s8], $0x40, $0x38;
	[tilespmem:$0x18500] =	vst v63  }
0xfb: {  	s0 =	sadd.s32 s0, s9  }
0xfc: {  	[tilespmem:s17], [sflag:$0x4] =	stream.linear.gather [hbm4b:s0+s8], $0x40, $0x38;
	[tilespmem:$0x18500] =	vst v63  }
0xfd: {  	_ = 	snop  }
0xfe: {  	[tilespmem:s2], [sflag:$0x1] =	stream.indirect.gather [hbm4b:s10+s30], $0x80, s16, s30, $0xb8;
	[tilespmem:$0x18500] =	vst v63  }
0xff: {  	_ = 	snop  }
0x100: {  	[tilespmem:s20], [sflag:$0x2] =	stream.indirect.gather [spmem:s7], $0x80, s28, s30, $0xb8;
	[tilespmem:$0x18500] =	vst v63  }
0x101: {  	_ =	swait.ge [sflag:s14], $0x2000  }
0x102: {  	[sflag:s14] =	ssyncset.done $0x0  }
0x103: {  	[sflag:s14] =	ssyncadd.s32 $0xFFFFE000  }
0x104: {  	[spmem:s5] =	stream.indirect.scatter.add.f32 [tilespmem:s2], [sflag:$0x5], $0x80, s31, s30, $0xb8;
	[tilespmem:$0x18500] =	vst v63  }
0x105: {  	_ =	swait.ge [sflag:s18], $0x2000  }
0x106: {  	[sflag:s18] =	ssyncset.done $0x0  }
0x107: {  	[sflag:s18] =	ssyncadd.s32 $0xFFFFE000  }
0x108: {  	[spmem:s6] =	stream.indirect.scatter.add.f32 [tilespmem:s20], [sflag:$0x6], $0x80, s29, s30, $0xb8;
	[tilespmem:$0x18500] =	vst v63  }
0x109: {  	_ =	swait.ge [sflag:s22], $0x40  }
0x10a: {  	[sflag:s22] =	ssyncset.done $0x0  }
0x10b: {  	[sflag:s22] =	ssyncadd.s32 $0xFFFFFFC0  }
0x10c: {  	_ =	swait.ge [sflag:s23], $0x40  }
0x10d: {  	[sflag:s23] =	ssyncset.done $0x0  }
0x10e: {  	[sflag:s23] =	ssyncadd.s32 $0xFFFFFFC0  }
0x10f: {  	v8 =	vld [tilespmem:$0x18180]  }
0x110: {  	v57 =	vld [tilespmem:$0x18190]  }
0x111: {  	v58 =	vld [tilespmem:$0x181A0];
	_ =	sdelay $0x1  }
0x112: {  	v59 =	vld [tilespmem:$0x181B0]  }
0x113: {  	v60 =	vshra.s32 v8, $0x7  }
0x114: {  	v61 =	vshra.s32 v57, $0x7;
	[tilespmem:$0x18200] =	vst v60  }
0x115: {  	v62 =	vshra.s32 v58, $0x7;
	[tilespmem:$0x18210] =	vst v61  }
0x116: {  	v8 =	vand.u32 $0x7F, v8;
	[tilespmem:$0x18220] =	vst v62  }
0x117: {  	v11 =	vand.u32 $0x7F, v59;
	[tilespmem:$0x18280] =	vst v8  }
0x118: {  	v9 =	vand.u32 $0x7F, v57;
	[tilespmem:$0x182B0] =	vst v11  }
0x119: {  	v10 =	vand.u32 $0x7F, v58;
	[tilespmem:$0x18290] =	vst v9  }
0x11a: {  	v63 =	vshra.s32 v59, $0x7;
	[tilespmem:$0x182A0] =	vst v10  }
0x11b: {  	[tilespmem:$0x18230] =	vst v63  }
0x11c: {  	p4 =	sne.s32 s3, $0x9B8;
	p5 =	slt.s32 s4, $0x4E180;
	_ =	swait.ge [sflag:s24], $0x2000  }
.Ltmp5:
0x11d: {  	s0 =	smov.u32 s4;
	[sflag:s24] =	ssyncset.done $0x0;
	(pc) =	sbr.rel @p4 .LBB2_7-.Ltmp5, $4  }
0x11e: {  	s0 =	simm.s32 @!p5 $0x4E180;
	[sflag:s24] =	ssyncadd.s32 $0xFFFFE000  }
0x11f: {  	s3 =	sadd.s32 $0x10, s3;
	s0 =	sshrl.u32 s0, $0x3;
	_ =	swait.ge [sflag:s25], $0x2000  }
0x120: {  	s4 =	sadd.s32 $0x80, s4;
	s9 =	sadd.s32 $0x8, s0;
	[sflag:s25] =	ssyncset.done $0x0  }
0x121: {  	s0 =	sadd.s32 s12, s9;
	s1 =	sadd.s32 s13, s9;
	[sflag:s25] =	ssyncadd.s32 $0xFFFFE000  }
0x122: {  	[tilespmem:s16], [sflag:$0x3] =	stream.linear.gather [hbm4b:s0+s8], $0x40, $0x38;
	[tilespmem:$0x18500] =	vst v63  }
0x123: {  	_ = 	snop  }
0x124: {  	[tilespmem:s31], [sflag:$0x4] =	stream.linear.gather [hbm4b:s1+s8], $0x40, $0x38;
	[tilespmem:$0x18500] =	vst v63  }
0x125: {  	_ = 	snop  }
0x126: {  	[tilespmem:s2], [sflag:$0x1] =	stream.indirect.gather [hbm4b:s10+s30], $0x80, s26, s30, $0xb8;
	[tilespmem:$0x18500] =	vst v63  }
0x127: {  	_ = 	snop  }
0x128: {  	[tilespmem:s20], [sflag:$0x2] =	stream.indirect.gather [spmem:s7], $0x80, s21, s30, $0xb8;
	[tilespmem:$0x18500] =	vst v63  }
0x129: {  	_ =	swait.ge [sflag:s14], $0x2000  }
0x12a: {  	[sflag:s14] =	ssyncset.done $0x0  }
0x12b: {  	[sflag:s14] =	ssyncadd.s32 $0xFFFFE000  }
0x12c: {  	[spmem:s5] =	stream.indirect.scatter.add.f32 [tilespmem:s2], [sflag:$0x5], $0x80, s17, s30, $0xb8;
	[tilespmem:$0x18500] =	vst v63  }
0x12d: {  	_ =	swait.ge [sflag:s18], $0x2000  }
0x12e: {  	[sflag:s18] =	ssyncset.done $0x0  }
0x12f: {  	[sflag:s18] =	ssyncadd.s32 $0xFFFFE000  }
0x130: {  	[spmem:s6] =	stream.indirect.scatter.add.f32 [tilespmem:s20], [sflag:$0x6], $0x80, s19, s30, $0xb8;
	[tilespmem:$0x18500] =	vst v63  }
0x131: {  	_ =	swait.ge [sflag:s24], $0x2000  }
0x132: {  	[sflag:s24] =	ssyncset.done $0x0  }
0x133: {  	[sflag:s24] =	ssyncadd.s32 $0xFFFFE000  }
0x134: {  	_ =	swait.ge [sflag:s25], $0x2000  }
0x135: {  	[sflag:s25] =	ssyncset.done $0x0  }
0x136: {  	[sflag:s25] =	ssyncadd.s32 $0xFFFFE000  }
0x137: {  	_ =	swait.ge [sflag:s22], $0x40  }
0x138: {  	[sflag:s22] =	ssyncset.done $0x0  }
0x139: {  	[sflag:s22] =	ssyncadd.s32 $0xFFFFFFC0  }
0x13a: {  	_ =	swait.ge [sflag:s23], $0x40  }
0x13b: {  	s0 =	simm.s32 $0x0;
	[sflag:s23] =	ssyncset.done $0x0  }
0x13c: {  	s3 =	simm.s32 $0x18300;
	s4 =	rddreg [dreg:$0x1a];
	[sflag:s23] =	ssyncadd.s32 $0xFFFFFFC0  }
0x13d: {  	[tilespmem:s3], [sflag:$0x7] =	stream.linear.gather [hbm4b:s4+s0], $0x20, $0x38;
	[tilespmem:$0x18500] =	vst v63  }
0x13e: {  	_ =	swait.ge [sflag:s11], $0x20  }
0x13f: {  	[sflag:s11] =	ssyncset.done $0x0  }
0x140: {  	s4 =	simm.s32 $0x18380;
	s9 =	rddreg [dreg:$0x1b];
	[sflag:s11] =	ssyncadd.s32 $0xFFFFFFE0  }
0x141: {  	[tilespmem:s4], [sflag:$0x7] =	stream.linear.gather [hbm4b:s9+s0], $0x20, $0x38;
	[tilespmem:$0x18500] =	vst v63  }
0x142: {  	_ =	swait.ge [sflag:s11], $0x20  }
0x143: {  	[sflag:s11] =	ssyncset.done $0x0  }
0x144: {  	[sflag:s11] =	ssyncadd.s32 $0xFFFFFFE0  }
0x145: {  	v8 =	vld [tilespmem:$0x18380];
	_ =	sdelay $0x1  }
0x146: {  	v9 =	vld [tilespmem:$0x18390];
	_ =	sdelay $0x2  }
0x147: {  	v10 =	vshra.s32 v8, $0x7  }
0x148: {  	v8 =	vand.u32 $0x7F, v8;
	[tilespmem:$0x18400] =	vst v10  }
0x149: {  	[tilespmem:$0x18480] =	vst v8;
	v8 =	vshra.s32 v9, $0x7  }
0x14a: {  	[tilespmem:$0x18410] =	vst v8;
	v8 =	vand.u32 $0x7F, v9  }
0x14b: {  	s9 =	simm.s32 $0x20;
	[tilespmem:$0x18490] =	vst v8  }
0x14c: {  	[tilespmem:s2], [sflag:$0x1] =	stream.indirect.gather [hbm4b:s10+s9], $0x80, s3, s9, $0xb8;
	[tilespmem:$0x18500] =	vst v63  }
0x14d: {  	_ =	swait.ge [sflag:s14], $0x1000  }
0x14e: {  	[sflag:s14] =	ssyncset.done $0x0  }
0x14f: {  	[sflag:s14] =	ssyncadd.s32 $0xFFFFF000  }
0x150: {  	[spmem:s5] =	stream.indirect.scatter.add.f32 [tilespmem:s2], [sflag:$0x7], $0x80, s4, s9, $0xb8;
	[tilespmem:$0x18500] =	vst v63  }
0x151: {  	_ =	swait.ge [sflag:s11], $0x1000  }
0x152: {  	[sflag:s11] =	ssyncset.done $0x0  }
0x153: {  	s10 =	simm.s32 $0x18480;
	[sflag:s11] =	ssyncadd.s32 $0xFFFFF000  }
0x154: {  	[tilespmem:s20], [sflag:$0x2] =	stream.indirect.gather [spmem:s7], $0x80, s10, s9, $0xb8;
	[tilespmem:$0x18500] =	vst v63  }
0x155: {  	_ =	swait.ge [sflag:s18], $0x1000  }
0x156: {  	[sflag:s18] =	ssyncset.done $0x0  }
0x157: {  	s3 =	simm.s32 $0x18400;
	s4 =	sadd.s32 $0x0, s15;
	[sflag:s18] =	ssyncadd.s32 $0xFFFFF000  }
0x158: {  	[spmem:s6] =	stream.indirect.scatter.add.f32 [tilespmem:s20], [sflag:$0x7], $0x80, s3, s9, $0xb8;
	[tilespmem:$0x18500] =	vst v63  }
0x159: {  	s9 =	sadd.s32 $0x10, s4;
	_ =	swait.ge [sflag:s11], $0x1000  }
0x15a: {  	s10 =	sadd.s32 $0x30, s4;
	v8 =	vadd.s32 s9, v2;
	[sflag:s11] =	ssyncset.done $0x0  }
0x15b: {  	v61 =	vadd.s32 s10, v2;
	vm1 =	vlt.s32 v8, v0;
	[sflag:s11] =	ssyncadd.s32 $0xFFFFF000  }
0x15c: {  	v62 =	vadd.s32 s4, v2;
	s0 =	sadd.s32 $0x20, s4;
	v8 =	vsel vm1, v8, v0;
	vm1 =	vlt.s32 v61, v0;
	[bflag:$0x0] =	sbarrier.arrive $0xFFFF  }
0x15d: {  	v11 =	vadd.s32 s0, v2;
	vm2 =	vlt.s32 v62, v0;
	v9 =	vsel vm1, v61, v0;
	[tilespmem:$0x13F90] =	vst v8  }
0x15e: {  	vm1 =	vlt.s32 v11, v0;
	v8 =	vsel vm2, v62, v0;
	[tilespmem:$0x13FB0] =	vst v9  }
0x15f: {  	v63 =	vsel vm1, v11, v0;
	[tilespmem:$0x13F80] =	vst v8  }
0x160: {  	[tilespmem:$0x13FA0] =	vst v63  }
0x161: {  	[tilespmem:s2], [sflag:$0x1] =	stream.indirect.gather [spmem:s5], $0x80, s31, s30, $0xb8;
	[tilespmem:$0x18500] =	vst v63  }
0x162: {  	s0 =	sadd.s32 $0x40, s15;
	s3 =	simm.s32 $0x80;
	_ =	swait.ge [sflag:s14], $0x2000  }
.LBB2_9:
0x163: {  	s4 =	sadd.s32 $0x20, s0;
	[sflag:s14] =	ssyncset.done $0x0  }
0x164: {  	s1 =	sadd.s32 $0x10, s0;
	v10 =	vadd.s32 s4, v2;
	s4 =	rddreg [dreg:$0x3];
	[sflag:s14] =	ssyncadd.s32 $0xFFFFE000  }
0x165: {  	[hbm4b:s4+s30] =	stream.indirect.scatter [tilespmem:s2], [sflag:$0x7], $0x80, s31, s30, $0xb8;
	[tilespmem:$0x18500] =	vst v63  }
0x166: {  	v9 =	vadd.s32 s1, v2;
	s1 =	sadd.s32 $0x30, s0;
	_ =	swait.ge [sflag:s11], $0x2000  }
0x167: {  	v8 =	vadd.s32 s0, v2;
	vm1 =	vlt.s32 v9, v0;
	v11 =	vadd.s32 s1, v2;
	[sflag:s11] =	ssyncset.done $0x0  }
0x168: {  	vm2 =	vlt.s32 v10, v0;
	v9 =	vsel vm1, v9, v0;
	vm1 =	vlt.s32 v11, v0;
	[sflag:s11] =	ssyncadd.s32 $0xFFFFE000  }
0x169: {  	p4 =	sne.s32 s3, $0x240;
	v10 =	vsel vm2, v10, v0;
	vm2 =	vlt.s32 v8, v0;
	v11 =	vsel vm1, v11, v0;
	[tilespmem:$0x13F90] =	vst v9  }
.Ltmp6:
0x16a: {  	v8 =	vsel vm2, v8, v0;
	[tilespmem:$0x13FB0] =	vst v11;
	(pc) =	sbr.rel @p4 .LBB2_9-.Ltmp6, $4  }
0x16b: {  	[tilespmem:$0x13F80] =	vst v8  }
0x16c: {  	s9 =	smov.u32 s3;
	s10 =	sadd.s32 $0x40, s3;
	[tilespmem:$0x13FA0] =	vst v10  }
0x16d: {  	[tilespmem:s2], [sflag:$0x1] =	stream.indirect.gather [spmem:s5], $0x80, s31, s30, $0xb8;
	[tilespmem:$0x18500] =	vst v63  }
0x16e: {  	s0 =	sadd.s32 s9, s15;
	s3 =	smov.u32 s10;
	_ =	swait.ge [sflag:s14], $0x2000  }
0x16f: {  	[sflag:s14] =	ssyncset.done $0x0  }
0x170: {  	s1 =	sadd.s32 $0x10, s0;
	[sflag:s14] =	ssyncadd.s32 $0xFFFFE000  }
0x171: {  	[hbm4b:s4+s30] =	stream.indirect.scatter [tilespmem:s2], [sflag:$0x7], $0x80, s31, s30, $0xb8;
	[tilespmem:$0x18500] =	vst v63  }
0x172: {  	s9 =	sadd.s32 $0x30, s0;
	v8 =	vadd.s32 s1, v2;
	_ =	swait.ge [sflag:s11], $0x2000  }
0x173: {  	s10 =	sadd.s32 $0x20, s0;
	v9 =	vadd.s32 s9, v2;
	vm1 =	vlt.s32 v8, v0;
	[sflag:s11] =	ssyncset.done $0x0  }
0x174: {  	v11 =	vadd.s32 s10, v2;
	v8 =	vsel vm1, v8, v0;
	vm1 =	vlt.s32 v9, v0;
	[sflag:s11] =	ssyncadd.s32 $0xFFFFE000  }
0x175: {  	v10 =	vadd.s32 s0, v2;
	v9 =	vsel vm1, v9, v0;
	vm1 =	vlt.s32 v11, v0;
	[tilespmem:$0x13F90] =	vst v8  }
0x176: {  	vm2 =	vlt.s32 v10, v0;
	v63 =	vsel vm1, v11, v0;
	[tilespmem:$0x13FB0] =	vst v9  }
0x177: {  	v8 =	vsel vm2, v10, v0;
	[tilespmem:$0x13FA0] =	vst v63  }
0x178: {  	[tilespmem:$0x13F80] =	vst v8  }
0x179: {  	[tilespmem:s2], [sflag:$0x1] =	stream.indirect.gather [spmem:s5], $0x80, s31, s30, $0xb8;
	[tilespmem:$0x18500] =	vst v63  }
0x17a: {  	_ =	swait.ge [sflag:s14], $0x2000  }
0x17b: {  	[sflag:s14] =	ssyncset.done $0x0  }
0x17c: {  	[sflag:s14] =	ssyncadd.s32 $0xFFFFE000  }
0x17d: {  	[hbm4b:s4+s30] =	stream.indirect.scatter [tilespmem:s2], [sflag:$0x7], $0x80, s31, s30, $0xb8;
	[tilespmem:$0x18500] =	vst v63  }
.Ltmp7:
0x17e: {  	_ = 	snop;
	(pc) =	sbr.rel @p3 .LBB2_16-.Ltmp7, $4  }
.Ltmp8:
0x17f: {  	_ = 	snop;
	(pc) =	sbr.rel @!p3 .LBB2_17-.Ltmp8, $4  }
0x180: {  	_ =	swait.ge [sflag:s11], $0x2000  }
0x181: {  	[sflag:s11] =	ssyncset.done $0x0;
	s0 =	rddreg [dreg:$0x10]  }
0x182: {  	s1 =	rddreg [dreg:$0x1d];
	[sflag:s11] =	ssyncadd.s32 $0xFFFFE000  }
0x183: {  	_ = 	snop  }
.LBB2_11:
0x184: {  	s0 =	rddreg [dreg:$0x13]  }
0x185: {  	[tilespmem:s16], [sflag:$0x3] =	stream.linear.gather [hbm4b:s0+s8], $0x40, $0x38;
	[tilespmem:$0x18500] =	vst v63  }
0x186: {  	s9 =	rddreg [dreg:$0x14]  }
0x187: {  	[tilespmem:s31], [sflag:$0x4] =	stream.linear.gather [hbm4b:s9+s8], $0x40, $0x38;
	[tilespmem:$0x18500] =	vst v63  }
0x188: {  	[tilespmem:$0x18180] =	vst v2  }
0x189: {  	[tilespmem:$0x18200] =	vst v2  }
0x18a: {  	[tilespmem:$0x18190] =	vst v3  }
0x18b: {  	[tilespmem:$0x18210] =	vst v3  }
0x18c: {  	[tilespmem:$0x181A0] =	vst v4  }
0x18d: {  	[tilespmem:$0x18220] =	vst v4  }
0x18e: {  	[tilespmem:$0x181B0] =	vst v5  }
0x18f: {  	[tilespmem:$0x18230] =	vst v5  }
0x190: {  	[spmem:s5] =	stream.indirect.scatter.add.f32 [tilespmem:s2], [sflag:$0x5], $0x80, s17, s30, $0xb8;
	[tilespmem:$0x18500] =	vst v63  }
0x191: {  	_ = 	snop  }
0x192: {  	[spmem:s6] =	stream.indirect.scatter.add.f32 [tilespmem:s20], [sflag:$0x6], $0x80, s19, s30, $0xb8;
	[tilespmem:$0x18500] =	vst v63  }
0x193: {  	_ =	swait.ge [sflag:s22], $0x40  }
0x194: {  	[sflag:s22] =	ssyncset.done $0x0  }
0x195: {  	[sflag:s22] =	ssyncadd.s32 $0xFFFFFFC0  }
0x196: {  	_ =	swait.ge [sflag:s23], $0x40  }
0x197: {  	[sflag:s23] =	ssyncset.done $0x0  }
0x198: {  	[sflag:s23] =	ssyncadd.s32 $0xFFFFFFC0  }
0x199: {  	v8 =	vld [tilespmem:$0x13FB0];
	_ =	sdelay $0x1  }
0x19a: {  	v9 =	vld [tilespmem:$0x13FA0]  }
0x19b: {  	v11 =	vld [tilespmem:$0x13F90];
	_ =	sdelay $0x1  }
0x19c: {  	v10 =	vld [tilespmem:$0x13F80];
	v12 =	vshra.s32 v8, $0x7  }
0x19d: {  	v8 =	vand.u32 $0x7F, v8;
	[tilespmem:$0x14030] =	vst v12  }
0x19e: {  	v54 =	vshra.s32 v9, $0x7;
	[tilespmem:$0x140B0] =	vst v8  }
0x19f: {  	v55 =	vand.u32 $0x7F, v11;
	[tilespmem:$0x14020] =	vst v54  }
0x1a0: {  	v9 =	vand.u32 $0x7F, v9;
	[tilespmem:$0x14090] =	vst v55  }
0x1a1: {  	v8 =	vshra.s32 v10, $0x7;
	[tilespmem:$0x140A0] =	vst v9  }
0x1a2: {  	[tilespmem:$0x14000] =	vst v8;
	v8 =	vand.u32 $0x7F, v10  }
0x1a3: {  	[tilespmem:$0x14080] =	vst v8;
	v8 =	vshra.s32 v11, $0x7  }
0x1a4: {  	[tilespmem:$0x14010] =	vst v8  }
0x1a5: {  	_ =	swait.ge [sflag:s24], $0x2000  }
0x1a6: {  	[sflag:s24] =	ssyncset.done $0x0  }
0x1a7: {  	[sflag:s24] =	ssyncadd.s32 $0xFFFFE000  }
0x1a8: {  	_ =	swait.ge [sflag:s25], $0x2000  }
0x1a9: {  	s10 =	rddreg [dreg:$0xa];
	[sflag:s25] =	ssyncset.done $0x0  }
0x1aa: {  	s1 =	rddreg [dreg:$0x9];
	[sflag:s25] =	ssyncadd.s32 $0xFFFFE000;
	s0 =	sadd.s32 $0x8, s10  }
0x1ab: {  	[tilespmem:s26], [sflag:$0x3] =	stream.linear.gather [hbm4b:s0+s8], $0x40, $0x38;
	[tilespmem:$0x18500] =	vst v63  }
0x1ac: {  	s3 =	sadd.s32 $0x8, s1  }
0x1ad: {  	[tilespmem:s17], [sflag:$0x4] =	stream.linear.gather [hbm4b:s3+s8], $0x40, $0x38;
	[tilespmem:$0x18500] =	vst v63  }
0x1ae: {  	s10 =	rddreg [dreg:$0x1]  }
0x1af: {  	[tilespmem:s2], [sflag:$0x1] =	stream.indirect.gather [hbm4b:s10+s30], $0x80, s16, s30, $0xb8;
	[tilespmem:$0x18500] =	vst v63  }
0x1b0: {  	_ = 	snop  }
0x1b1: {  	[tilespmem:s20], [sflag:$0x2] =	stream.indirect.gather [spmem:s7], $0x80, s28, s30, $0xb8;
	[tilespmem:$0x18500] =	vst v63  }
0x1b2: {  	_ =	swait.ge [sflag:s14], $0x2000  }
0x1b3: {  	[sflag:s14] =	ssyncset.done $0x0  }
0x1b4: {  	[sflag:s14] =	ssyncadd.s32 $0xFFFFE000  }
0x1b5: {  	[spmem:s5] =	stream.indirect.scatter.add.f32 [tilespmem:s2], [sflag:$0x5], $0x80, s31, s30, $0xb8;
	[tilespmem:$0x18500] =	vst v63  }
0x1b6: {  	_ =	swait.ge [sflag:s18], $0x2000  }
0x1b7: {  	[sflag:s18] =	ssyncset.done $0x0  }
0x1b8: {  	[sflag:s18] =	ssyncadd.s32 $0xFFFFE000  }
0x1b9: {  	[spmem:s6] =	stream.indirect.scatter.add.f32 [tilespmem:s20], [sflag:$0x6], $0x80, s29, s30, $0xb8;
	[tilespmem:$0x18500] =	vst v63  }
0x1ba: {  	_ =	swait.ge [sflag:s22], $0x40  }
0x1bb: {  	[sflag:s22] =	ssyncset.done $0x0  }
0x1bc: {  	[sflag:s22] =	ssyncadd.s32 $0xFFFFFFC0  }
0x1bd: {  	_ =	swait.ge [sflag:s23], $0x40  }
0x1be: {  	[sflag:s23] =	ssyncset.done $0x0  }
0x1bf: {  	[sflag:s23] =	ssyncadd.s32 $0xFFFFFFC0  }
0x1c0: {  	v8 =	vld [tilespmem:$0x18180]  }
0x1c1: {  	v56 =	vld [tilespmem:$0x18190]  }
0x1c2: {  	v57 =	vld [tilespmem:$0x181A0];
	_ =	sdelay $0x1  }
0x1c3: {  	v58 =	vld [tilespmem:$0x181B0]  }
0x1c4: {  	v59 =	vshra.s32 v8, $0x7  }
0x1c5: {  	v60 =	vshra.s32 v56, $0x7;
	[tilespmem:$0x18200] =	vst v59  }
0x1c6: {  	v61 =	vshra.s32 v57, $0x7;
	[tilespmem:$0x18210] =	vst v60  }
0x1c7: {  	v8 =	vand.u32 $0x7F, v8;
	[tilespmem:$0x18220] =	vst v61  }
0x1c8: {  	v62 =	vand.u32 $0x7F, v58;
	[tilespmem:$0x18280] =	vst v8  }
0x1c9: {  	v63 =	vand.u32 $0x7F, v57;
	[tilespmem:$0x182B0] =	vst v62  }
0x1ca: {  	v8 =	vand.u32 $0x7F, v56;
	[tilespmem:$0x182A0] =	vst v63  }
0x1cb: {  	[tilespmem:$0x18290] =	vst v8;
	v8 =	vshra.s32 v58, $0x7  }
0x1cc: {  	[tilespmem:$0x18230] =	vst v8  }
0x1cd: {  	s9 =	rddreg [dreg:$0x15];
	_ =	swait.ge [sflag:s24], $0x2000  }
0x1ce: {  	p4 =	slt.s32 s9, $0x4E180;
	s0 =	smov.u32 s9;
	[sflag:s24] =	ssyncset.done $0x0  }
0x1cf: {  	s0 =	simm.s32 @!p4 $0x4E180;
	[sflag:s24] =	ssyncadd.s32 $0xFFFFE000  }
0x1d0: {  	s0 =	sshrl.u32 s0, $0x3;
	_ =	swait.ge [sflag:s25], $0x2000  }
0x1d1: {  	s3 =	simm.s32 $0x18;
	s1 =	sadd.s32 $0x8, s0;
	s4 =	rddreg [dreg:$0xd]  }
0x1d2: {  	[sflag:s25] =	ssyncset.done $0x0;
	s0 =	sadd.s32 s4, s1;
	s4 =	rddreg [dreg:$0xe]  }
0x1d3: {  	[sflag:s25] =	ssyncadd.s32 $0xFFFFE000;
	s1 =	sadd.s32 s4, s1;
	s4 =	sadd.s32 $0x80, s9  }
.LBB2_12:
0x1d4: {  	[tilespmem:s16], [sflag:$0x3] =	stream.linear.gather [hbm4b:s0+s8], $0x40, $0x38;
	[tilespmem:$0x18500] =	vst v63  }
0x1d5: {  	_ = 	snop  }
0x1d6: {  	[tilespmem:s31], [sflag:$0x4] =	stream.linear.gather [hbm4b:s1+s8], $0x40, $0x38;
	[tilespmem:$0x18500] =	vst v63  }
0x1d7: {  	_ = 	snop  }
0x1d8: {  	[tilespmem:s2], [sflag:$0x1] =	stream.indirect.gather [hbm4b:s10+s30], $0x80, s26, s30, $0xb8;
	[tilespmem:$0x18500] =	vst v63  }
0x1d9: {  	_ = 	snop  }
0x1da: {  	[tilespmem:s20], [sflag:$0x2] =	stream.indirect.gather [spmem:s7], $0x80, s21, s30, $0xb8;
	[tilespmem:$0x18500] =	vst v63  }
0x1db: {  	_ =	swait.ge [sflag:s14], $0x2000  }
0x1dc: {  	[sflag:s14] =	ssyncset.done $0x0  }
0x1dd: {  	[sflag:s14] =	ssyncadd.s32 $0xFFFFE000  }
0x1de: {  	[spmem:s5] =	stream.indirect.scatter.add.f32 [tilespmem:s2], [sflag:$0x5], $0x80, s17, s30, $0xb8;
	[tilespmem:$0x18500] =	vst v63  }
0x1df: {  	_ =	swait.ge [sflag:s18], $0x2000  }
0x1e0: {  	[sflag:s18] =	ssyncset.done $0x0  }
0x1e1: {  	[sflag:s18] =	ssyncadd.s32 $0xFFFFE000  }
0x1e2: {  	[spmem:s6] =	stream.indirect.scatter.add.f32 [tilespmem:s20], [sflag:$0x6], $0x80, s19, s30, $0xb8;
	[tilespmem:$0x18500] =	vst v63  }
0x1e3: {  	_ =	swait.ge [sflag:s22], $0x40  }
0x1e4: {  	[sflag:s22] =	ssyncset.done $0x0  }
0x1e5: {  	[sflag:s22] =	ssyncadd.s32 $0xFFFFFFC0  }
0x1e6: {  	_ =	swait.ge [sflag:s23], $0x40  }
0x1e7: {  	[sflag:s23] =	ssyncset.done $0x0  }
0x1e8: {  	[sflag:s23] =	ssyncadd.s32 $0xFFFFFFC0  }
0x1e9: {  	v8 =	vld [tilespmem:$0x13FB0];
	_ =	sdelay $0x1  }
0x1ea: {  	v9 =	vld [tilespmem:$0x13FA0]  }
0x1eb: {  	v10 =	vld [tilespmem:$0x13F80];
	_ =	sdelay $0x1  }
0x1ec: {  	v12 =	vshra.s32 v8, $0x7  }
0x1ed: {  	v11 =	vld [tilespmem:$0x13F90];
	v8 =	vand.u32 $0x7F, v8;
	[tilespmem:$0x14030] =	vst v12  }
0x1ee: {  	v13 =	vshra.s32 v9, $0x7;
	[tilespmem:$0x140B0] =	vst v8  }
0x1ef: {  	v56 =	vshra.s32 v10, $0x7;
	[tilespmem:$0x14020] =	vst v13  }
0x1f0: {  	v10 =	vand.u32 $0x7F, v10;
	[tilespmem:$0x14000] =	vst v56  }
0x1f1: {  	v9 =	vand.u32 $0x7F, v9;
	[tilespmem:$0x14080] =	vst v10  }
0x1f2: {  	v8 =	vshra.s32 v11, $0x7;
	v11 =	vand.u32 $0x7F, v11;
	[tilespmem:$0x140A0] =	vst v9  }
0x1f3: {  	[tilespmem:$0x14090] =	vst v11  }
0x1f4: {  	[tilespmem:$0x14010] =	vst v8  }
0x1f5: {  	_ =	swait.ge [sflag:s24], $0x2000  }
0x1f6: {  	[sflag:s24] =	ssyncset.done $0x0  }
0x1f7: {  	[sflag:s24] =	ssyncadd.s32 $0xFFFFE000  }
0x1f8: {  	_ =	swait.ge [sflag:s25], $0x2000  }
0x1f9: {  	s0 =	smov.u32 s3;
	s1 =	rddreg [dreg:$0xa];
	[sflag:s25] =	ssyncset.done $0x0  }
0x1fa: {  	s9 =	rddreg [dreg:$0x9];
	[sflag:s25] =	ssyncadd.s32 $0xFFFFE000;
	s1 =	sadd.s32 s0, s1  }
0x1fb: {  	[tilespmem:s26], [sflag:$0x3] =	stream.linear.gather [hbm4b:s1+s8], $0x40, $0x38;
	[tilespmem:$0x18500] =	vst v63  }
0x1fc: {  	s0 =	sadd.s32 s0, s9  }
0x1fd: {  	[tilespmem:s17], [sflag:$0x4] =	stream.linear.gather [hbm4b:s0+s8], $0x40, $0x38;
	[tilespmem:$0x18500] =	vst v63  }
0x1fe: {  	_ = 	snop  }
0x1ff: {  	[tilespmem:s2], [sflag:$0x1] =	stream.indirect.gather [hbm4b:s10+s30], $0x80, s16, s30, $0xb8;
	[tilespmem:$0x18500] =	vst v63  }
0x200: {  	_ = 	snop  }
0x201: {  	[tilespmem:s20], [sflag:$0x2] =	stream.indirect.gather [spmem:s7], $0x80, s28, s30, $0xb8;
	[tilespmem:$0x18500] =	vst v63  }
0x202: {  	_ =	swait.ge [sflag:s14], $0x2000  }
0x203: {  	[sflag:s14] =	ssyncset.done $0x0  }
0x204: {  	[sflag:s14] =	ssyncadd.s32 $0xFFFFE000  }
0x205: {  	[spmem:s5] =	stream.indirect.scatter.add.f32 [tilespmem:s2], [sflag:$0x5], $0x80, s31, s30, $0xb8;
	[tilespmem:$0x18500] =	vst v63  }
0x206: {  	_ =	swait.ge [sflag:s18], $0x2000  }
0x207: {  	[sflag:s18] =	ssyncset.done $0x0  }
0x208: {  	[sflag:s18] =	ssyncadd.s32 $0xFFFFE000  }
0x209: {  	[spmem:s6] =	stream.indirect.scatter.add.f32 [tilespmem:s20], [sflag:$0x6], $0x80, s29, s30, $0xb8;
	[tilespmem:$0x18500] =	vst v63  }
0x20a: {  	_ =	swait.ge [sflag:s22], $0x40  }
0x20b: {  	[sflag:s22] =	ssyncset.done $0x0  }
0x20c: {  	[sflag:s22] =	ssyncadd.s32 $0xFFFFFFC0  }
0x20d: {  	_ =	swait.ge [sflag:s23], $0x40  }
0x20e: {  	[sflag:s23] =	ssyncset.done $0x0  }
0x20f: {  	[sflag:s23] =	ssyncadd.s32 $0xFFFFFFC0  }
0x210: {  	v8 =	vld [tilespmem:$0x18180]  }
0x211: {  	v57 =	vld [tilespmem:$0x18190]  }
0x212: {  	v58 =	vld [tilespmem:$0x181A0];
	_ =	sdelay $0x1  }
0x213: {  	v59 =	vld [tilespmem:$0x181B0]  }
0x214: {  	v60 =	vshra.s32 v8, $0x7  }
0x215: {  	v61 =	vshra.s32 v57, $0x7;
	[tilespmem:$0x18200] =	vst v60  }
0x216: {  	v62 =	vshra.s32 v58, $0x7;
	[tilespmem:$0x18210] =	vst v61  }
0x217: {  	v8 =	vand.u32 $0x7F, v8;
	[tilespmem:$0x18220] =	vst v62  }
0x218: {  	v11 =	vand.u32 $0x7F, v59;
	[tilespmem:$0x18280] =	vst v8  }
0x219: {  	v9 =	vand.u32 $0x7F, v57;
	[tilespmem:$0x182B0] =	vst v11  }
0x21a: {  	v10 =	vand.u32 $0x7F, v58;
	[tilespmem:$0x18290] =	vst v9  }
0x21b: {  	v63 =	vshra.s32 v59, $0x7;
	[tilespmem:$0x182A0] =	vst v10  }
0x21c: {  	[tilespmem:$0x18230] =	vst v63  }
0x21d: {  	p4 =	seq.s32 s3, $0x9B8;
	_ =	swait.ge [sflag:s24], $0x2000  }
0x21e: {  	p5 =	slt.s32 s4, $0x4E180;
	s0 =	smov.u32 s4;
	[sflag:s24] =	ssyncset.done $0x0  }
.Ltmp9:
0x21f: {  	s0 =	simm.s32 @!p5 $0x4E180;
	[sflag:s24] =	ssyncadd.s32 $0xFFFFE000;
	(pc) =	sbr.rel @!p4 .LBB2_12-.Ltmp9, $4  }
0x220: {  	s0 =	sshrl.u32 s0, $0x3;
	_ =	swait.ge [sflag:s25], $0x2000  }
0x221: {  	s3 =	sadd.s32 $0x10, s3;
	s1 =	sadd.s32 $0x8, s0;
	s9 =	rddreg [dreg:$0xd]  }
0x222: {  	[sflag:s25] =	ssyncset.done $0x0;
	s0 =	sadd.s32 s9, s1;
	s9 =	rddreg [dreg:$0xe]  }
0x223: {  	s4 =	sadd.s32 $0x80, s4;
	[sflag:s25] =	ssyncadd.s32 $0xFFFFE000;
	s1 =	sadd.s32 s9, s1  }
0x224: {  	[tilespmem:s16], [sflag:$0x3] =	stream.linear.gather [hbm4b:s0+s8], $0x40, $0x38;
	[tilespmem:$0x18500] =	vst v63  }
0x225: {  	_ = 	snop  }
0x226: {  	[tilespmem:s31], [sflag:$0x4] =	stream.linear.gather [hbm4b:s1+s8], $0x40, $0x38;
	[tilespmem:$0x18500] =	vst v63  }
0x227: {  	_ = 	snop  }
0x228: {  	[tilespmem:s2], [sflag:$0x1] =	stream.indirect.gather [hbm4b:s10+s30], $0x80, s26, s30, $0xb8;
	[tilespmem:$0x18500] =	vst v63  }
0x229: {  	_ = 	snop  }
0x22a: {  	[tilespmem:s20], [sflag:$0x2] =	stream.indirect.gather [spmem:s7], $0x80, s21, s30, $0xb8;
	[tilespmem:$0x18500] =	vst v63  }
0x22b: {  	_ =	swait.ge [sflag:s14], $0x2000  }
0x22c: {  	[sflag:s14] =	ssyncset.done $0x0  }
0x22d: {  	[sflag:s14] =	ssyncadd.s32 $0xFFFFE000  }
0x22e: {  	[spmem:s5] =	stream.indirect.scatter.add.f32 [tilespmem:s2], [sflag:$0x5], $0x80, s17, s30, $0xb8;
	[tilespmem:$0x18500] =	vst v63  }
0x22f: {  	_ =	swait.ge [sflag:s18], $0x2000  }
0x230: {  	[sflag:s18] =	ssyncset.done $0x0  }
0x231: {  	[sflag:s18] =	ssyncadd.s32 $0xFFFFE000  }
0x232: {  	[spmem:s6] =	stream.indirect.scatter.add.f32 [tilespmem:s20], [sflag:$0x6], $0x80, s19, s30, $0xb8;
	[tilespmem:$0x18500] =	vst v63  }
0x233: {  	_ =	swait.ge [sflag:s24], $0x2000  }
0x234: {  	[sflag:s24] =	ssyncset.done $0x0  }
0x235: {  	[sflag:s24] =	ssyncadd.s32 $0xFFFFE000  }
0x236: {  	_ =	swait.ge [sflag:s25], $0x2000  }
0x237: {  	[sflag:s25] =	ssyncset.done $0x0  }
0x238: {  	[sflag:s25] =	ssyncadd.s32 $0xFFFFE000  }
0x239: {  	_ =	swait.ge [sflag:s22], $0x40  }
0x23a: {  	[sflag:s22] =	ssyncset.done $0x0  }
0x23b: {  	[sflag:s22] =	ssyncadd.s32 $0xFFFFFFC0  }
0x23c: {  	_ =	swait.ge [sflag:s23], $0x40  }
0x23d: {  	s0 =	simm.s32 $0x0;
	[sflag:s23] =	ssyncset.done $0x0  }
0x23e: {  	s3 =	simm.s32 $0x18300;
	s4 =	rddreg [dreg:$0x18];
	[sflag:s23] =	ssyncadd.s32 $0xFFFFFFC0  }
0x23f: {  	[tilespmem:s3], [sflag:$0x7] =	stream.linear.gather [hbm4b:s4+s0], $0x20, $0x38;
	[tilespmem:$0x18500] =	vst v63  }
0x240: {  	_ =	swait.ge [sflag:s11], $0x20  }
0x241: {  	[sflag:s11] =	ssyncset.done $0x0  }
0x242: {  	s4 =	simm.s32 $0x18380;
	s9 =	rddreg [dreg:$0x19];
	[sflag:s11] =	ssyncadd.s32 $0xFFFFFFE0  }
0x243: {  	[tilespmem:s4], [sflag:$0x7] =	stream.linear.gather [hbm4b:s9+s0], $0x20, $0x38;
	[tilespmem:$0x18500] =	vst v63  }
0x244: {  	_ =	swait.ge [sflag:s11], $0x20  }
0x245: {  	[sflag:s11] =	ssyncset.done $0x0  }
0x246: {  	[sflag:s11] =	ssyncadd.s32 $0xFFFFFFE0  }
0x247: {  	v8 =	vld [tilespmem:$0x18380];
	_ =	sdelay $0x1  }
0x248: {  	v9 =	vld [tilespmem:$0x18390];
	_ =	sdelay $0x2  }
0x249: {  	v10 =	vshra.s32 v8, $0x7  }
0x24a: {  	v8 =	vand.u32 $0x7F, v8;
	[tilespmem:$0x18400] =	vst v10  }
0x24b: {  	[tilespmem:$0x18480] =	vst v8;
	v8 =	vshra.s32 v9, $0x7  }
0x24c: {  	[tilespmem:$0x18410] =	vst v8;
	v8 =	vand.u32 $0x7F, v9  }
0x24d: {  	s9 =	simm.s32 $0x20;
	[tilespmem:$0x18490] =	vst v8  }
0x24e: {  	[tilespmem:s2], [sflag:$0x1] =	stream.indirect.gather [hbm4b:s10+s9], $0x80, s3, s9, $0xb8;
	[tilespmem:$0x18500] =	vst v63  }
0x24f: {  	_ =	swait.ge [sflag:s14], $0x1000  }
0x250: {  	[sflag:s14] =	ssyncset.done $0x0  }
0x251: {  	[sflag:s14] =	ssyncadd.s32 $0xFFFFF000  }
0x252: {  	[spmem:s5] =	stream.indirect.scatter.add.f32 [tilespmem:s2], [sflag:$0x7], $0x80, s4, s9, $0xb8;
	[tilespmem:$0x18500] =	vst v63  }
0x253: {  	_ =	swait.ge [sflag:s11], $0x1000  }
0x254: {  	[sflag:s11] =	ssyncset.done $0x0  }
0x255: {  	s10 =	simm.s32 $0x18480;
	[sflag:s11] =	ssyncadd.s32 $0xFFFFF000  }
0x256: {  	[tilespmem:s20], [sflag:$0x2] =	stream.indirect.gather [spmem:s7], $0x80, s10, s9, $0xb8;
	[tilespmem:$0x18500] =	vst v63  }
0x257: {  	_ =	swait.ge [sflag:s18], $0x1000  }
0x258: {  	[sflag:s18] =	ssyncset.done $0x0  }
0x259: {  	s3 =	simm.s32 $0x18400;
	s4 =	sadd.s32 $0x0, s15;
	[sflag:s18] =	ssyncadd.s32 $0xFFFFF000  }
0x25a: {  	[spmem:s6] =	stream.indirect.scatter.add.f32 [tilespmem:s20], [sflag:$0x7], $0x80, s3, s9, $0xb8;
	[tilespmem:$0x18500] =	vst v63  }
0x25b: {  	s9 =	sadd.s32 $0x10, s4;
	_ =	swait.ge [sflag:s11], $0x1000  }
0x25c: {  	s10 =	sadd.s32 $0x30, s4;
	v8 =	vadd.s32 s9, v2;
	[sflag:s11] =	ssyncset.done $0x0  }
0x25d: {  	v61 =	vadd.s32 s10, v2;
	vm1 =	vlt.s32 v8, v0;
	[sflag:s11] =	ssyncadd.s32 $0xFFFFF000  }
0x25e: {  	v62 =	vadd.s32 s4, v2;
	s0 =	sadd.s32 $0x20, s4;
	v8 =	vsel vm1, v8, v0;
	vm1 =	vlt.s32 v61, v0;
	[bflag:$0x0] =	sbarrier.arrive $0xFFFF  }
0x25f: {  	v11 =	vadd.s32 s0, v2;
	vm2 =	vlt.s32 v62, v0;
	v9 =	vsel vm1, v61, v0;
	[tilespmem:$0x13F90] =	vst v8  }
0x260: {  	vm1 =	vlt.s32 v11, v0;
	v8 =	vsel vm2, v62, v0;
	[tilespmem:$0x13FB0] =	vst v9  }
0x261: {  	v63 =	vsel vm1, v11, v0;
	[tilespmem:$0x13F80] =	vst v8  }
0x262: {  	[tilespmem:$0x13FA0] =	vst v63  }
0x263: {  	[tilespmem:s2], [sflag:$0x1] =	stream.indirect.gather [spmem:s5], $0x80, s31, s30, $0xb8;
	[tilespmem:$0x18500] =	vst v63  }
0x264: {  	s0 =	sadd.s32 $0x40, s15;
	s3 =	simm.s32 $0x80;
	_ =	swait.ge [sflag:s14], $0x2000  }
.LBB2_14:
0x265: {  	s4 =	sadd.s32 $0x20, s0;
	[sflag:s14] =	ssyncset.done $0x0  }
0x266: {  	s1 =	sadd.s32 $0x10, s0;
	v10 =	vadd.s32 s4, v2;
	s4 =	rddreg [dreg:$0x4];
	[sflag:s14] =	ssyncadd.s32 $0xFFFFE000  }
0x267: {  	[hbm4b:s4+s30] =	stream.indirect.scatter [tilespmem:s2], [sflag:$0x7], $0x80, s31, s30, $0xb8;
	[tilespmem:$0x18500] =	vst v63  }
0x268: {  	v9 =	vadd.s32 s1, v2;
	s1 =	sadd.s32 $0x30, s0;
	_ =	swait.ge [sflag:s11], $0x2000  }
0x269: {  	v8 =	vadd.s32 s0, v2;
	vm1 =	vlt.s32 v9, v0;
	v11 =	vadd.s32 s1, v2;
	[sflag:s11] =	ssyncset.done $0x0  }
0x26a: {  	vm2 =	vlt.s32 v10, v0;
	v9 =	vsel vm1, v9, v0;
	vm1 =	vlt.s32 v11, v0;
	[sflag:s11] =	ssyncadd.s32 $0xFFFFE000  }
0x26b: {  	p4 =	sne.s32 s3, $0x240;
	v10 =	vsel vm2, v10, v0;
	vm2 =	vlt.s32 v8, v0;
	v11 =	vsel vm1, v11, v0;
	[tilespmem:$0x13F90] =	vst v9  }
.Ltmp10:
0x26c: {  	v8 =	vsel vm2, v8, v0;
	[tilespmem:$0x13FB0] =	vst v11;
	(pc) =	sbr.rel @p4 .LBB2_14-.Ltmp10, $4  }
0x26d: {  	[tilespmem:$0x13F80] =	vst v8  }
0x26e: {  	s9 =	smov.u32 s3;
	s10 =	sadd.s32 $0x40, s3;
	[tilespmem:$0x13FA0] =	vst v10  }
0x26f: {  	[tilespmem:s2], [sflag:$0x1] =	stream.indirect.gather [spmem:s5], $0x80, s31, s30, $0xb8;
	[tilespmem:$0x18500] =	vst v63  }
0x270: {  	s0 =	sadd.s32 s9, s15;
	s3 =	smov.u32 s10;
	_ =	swait.ge [sflag:s14], $0x2000  }
0x271: {  	[sflag:s14] =	ssyncset.done $0x0  }
0x272: {  	s1 =	sadd.s32 $0x10, s0;
	[sflag:s14] =	ssyncadd.s32 $0xFFFFE000  }
0x273: {  	[hbm4b:s4+s30] =	stream.indirect.scatter [tilespmem:s2], [sflag:$0x7], $0x80, s31, s30, $0xb8;
	[tilespmem:$0x18500] =	vst v63  }
0x274: {  	s9 =	sadd.s32 $0x30, s0;
	v8 =	vadd.s32 s1, v2;
	_ =	swait.ge [sflag:s11], $0x2000  }
0x275: {  	s10 =	sadd.s32 $0x20, s0;
	v9 =	vadd.s32 s9, v2;
	vm1 =	vlt.s32 v8, v0;
	[sflag:s11] =	ssyncset.done $0x0  }
0x276: {  	v11 =	vadd.s32 s10, v2;
	v8 =	vsel vm1, v8, v0;
	vm1 =	vlt.s32 v9, v0;
	[sflag:s11] =	ssyncadd.s32 $0xFFFFE000  }
0x277: {  	v10 =	vadd.s32 s0, v2;
	v9 =	vsel vm1, v9, v0;
	vm1 =	vlt.s32 v11, v0;
	[tilespmem:$0x13F90] =	vst v8  }
0x278: {  	vm2 =	vlt.s32 v10, v0;
	v63 =	vsel vm1, v11, v0;
	[tilespmem:$0x13FB0] =	vst v9  }
0x279: {  	v8 =	vsel vm2, v10, v0;
	[tilespmem:$0x13FA0] =	vst v63  }
0x27a: {  	[tilespmem:$0x13F80] =	vst v8  }
0x27b: {  	[tilespmem:s2], [sflag:$0x1] =	stream.indirect.gather [spmem:s5], $0x80, s31, s30, $0xb8;
	[tilespmem:$0x18500] =	vst v63  }
0x27c: {  	_ =	swait.ge [sflag:s14], $0x2000  }
0x27d: {  	[sflag:s14] =	ssyncset.done $0x0  }
0x27e: {  	[sflag:s14] =	ssyncadd.s32 $0xFFFFE000  }
0x27f: {  	[hbm4b:s4+s30] =	stream.indirect.scatter [tilespmem:s2], [sflag:$0x7], $0x80, s31, s30, $0xb8;
	[tilespmem:$0x18500] =	vst v63  }
.Ltmp11:
0x280: {  	_ = 	snop;
	(pc) =	sbr.rel @p2 .LBB2_17-.Ltmp11, $4  }
.Ltmp12:
0x281: {  	_ = 	snop;
	(pc) =	sbr.rel @!p2 .LBB2_16-.Ltmp12, $4  }
0x282: {  	_ =	swait.ge [sflag:s11], $0x2000  }
0x283: {  	[sflag:s11] =	ssyncset.done $0x0;
	s0 =	rddreg [dreg:$0x11]  }
0x284: {  	s1 =	rddreg [dreg:$0x1d];
	[sflag:s11] =	ssyncadd.s32 $0xFFFFE000  }
0x285: {  	_ = 	snop  }
.LBB2_18:
0x286: {  	_ =	sfence.sel $0x180000  }
0x287: {  	[bflag:$0x0] =	sbarrier.arrive $0xFFFF  }
0x288: {  	_ =	strace $0x90000047  }
0x289: {  	s0 =	stileid.u32;
	[bflag:$0x2] =	sbarrier.arrive $0xFFFF  }
0x28a: {  	p0 =	sne.s32 s0, $0x0;
	s0 =	rddreg [dreg:$0x8]  }
0x28b: {  	s0 =	sadd.s32 @!p0 $0x100000, s0  }
0x28c: {  	[sflag:s0] =	ssyncadd.tile.s32 @!p0 $0x1;
	_ =	shalt  }
.Lfunc_end2:
_tile_overlayer_lowered:
.L_overlay_start_2:
0x28d: {  	(tag) =	ssettag $0x2  }
0x28e: {  	s0 =	rddreg [dreg:$0x0];
	s2 =	stileid.u32  }
0x28f: {  	s1 =	rddreg [dreg:$0x1];
	p0 =	sne.s32 s2, $0x0  }
0x290: {  	s3 =	rddreg [dreg:$0x2];
	[bflag:$0x3] =	sbarrier.arrive $0xFFFF;
	s2 =	simm.s32 @!p0 $0x1C07  }
0x291: {  	[timem:s3], [sflag:s2] =	dma.local @!p0 [hbm:s0], s1  }
0x292: {  	s0 =	simm.s32 @!p0 $0x7  }
0x293: {  	_ =	swait.ge @!p0 [sflag:s0], s1  }
0x294: {  	s1 =	ssub.s32 @!p0 $0x0, s1;
	[sflag:s0] =	ssyncset.done @!p0 $0x0  }
0x295: {  	[sflag:s0] =	ssyncadd.s32 @!p0 s1  }
0x296: {  	[bflag:$0x3] =	sbarrier.arrive $0xFFFF  }
0x297: {  	_ =	shalt  }

</sc_bundles>
